<compile_context>
chip_gen: v7x
topology: tpu7x:2x2x1
jax: 0.10.2.dev20260603
libtpu: 0.0.44.dev20260713+nightly
codegen_flags: <defaults>
</compile_context>

<pallas_src>
import functools

import jax
import jax.numpy as jnp
from jax import lax
from jax.experimental import pallas as pl
from jax.experimental.pallas import tpu as pltpu
from jax.experimental.pallas import tpu_sc as plsc

N = 10000
E = 320000
H = 128
L = 4

NC = 2
NS = 16
NW = NC * NS
CH = 128
K = -(-E // (NW * CH))
E_PAD = NW * K * CH
N_PAD = 10240
RPT = N_PAD // NS

_mesh = plsc.VectorSubcoreMesh(core_axis_name="c", subcore_axis_name="s")


def _zero_rows(buf, nrow):
    def row(i, _):
        for jj in range(H // 16):
            buf[i, pl.ds(jj * 16, 16)] = jnp.zeros((16,), jnp.float32)
        return 0
    lax.fori_loop(0, nrow, row, 0)


def _make_seg_sum(with_deg):
    out_type = [jax.ShapeDtypeStruct((NC, N_PAD, H), jnp.float32)]
    scratch = [
        pltpu.VMEM((K, CH), jnp.int32),
        pltpu.VMEM((K, CH), jnp.int32),
        pltpu.VMEM((CH, H), jnp.float32),
        pltpu.VMEM_SHARED((N_PAD, H), jnp.float32),
        pltpu.SemaphoreType.DMA,
    ]
    if with_deg:
        out_type.append(jax.ShapeDtypeStruct((NC, N_PAD), jnp.float32))
        scratch += [
            pltpu.VMEM((CH,), jnp.float32),
            pltpu.VMEM((RPT,), jnp.float32),
            pltpu.VMEM_SHARED((N_PAD,), jnp.float32),
        ]

    def body(*refs):
        if with_deg:
            (hl, srcr, dstr, sums, deg, sidx, didx, rows_a,
             acc, sem_a, ones_v, zvec, dacc) = refs
        else:
            (hl, srcr, dstr, sums, sidx, didx, rows_a,
             acc, sem_a) = refs
        c = lax.axis_index("c")
        s = lax.axis_index("s")
        wid = s * NC + c

        pltpu.sync_copy(srcr.at[wid], sidx)
        pltpu.sync_copy(dstr.at[wid], didx)

        _zero_rows(rows_a, CH)
        for t in range(RPT // CH):
            pltpu.sync_copy(rows_a, acc.at[pl.ds(s * RPT + t * CH, CH)])
        if with_deg:
            def fill(i, _):
                ones_v[pl.ds(i * 16, 16)] = jnp.ones((16,), jnp.float32)
                return 0
            lax.fori_loop(0, CH // 16, fill, 0)
            def zfill(i, _):
                zvec[pl.ds(i * 16, 16)] = jnp.zeros((16,), jnp.float32)
                return 0
            lax.fori_loop(0, RPT // 16, zfill, 0)
            pltpu.sync_copy(zvec, dacc.at[pl.ds(s * RPT, RPT)])
        plsc.subcore_barrier()

        def chunk(j, _):
            pltpu.async_copy(hl.at[sidx.at[j]], rows_a, sem_a).wait()
            pltpu.sync_copy(rows_a, acc.at[didx.at[j]], add=True)
            if with_deg:
                pltpu.sync_copy(ones_v, dacc.at[didx.at[j]], add=True)
            return 0

        lax.fori_loop(0, K, chunk, 0)
        plsc.subcore_barrier()

        for t in range(RPT // CH):
            off = s * RPT + t * CH
            pltpu.sync_copy(acc.at[pl.ds(off, CH)], sums.at[c, pl.ds(off, CH)])
        if with_deg:
            pltpu.sync_copy(dacc.at[pl.ds(s * RPT, RPT)],
                            deg.at[c, pl.ds(s * RPT, RPT)])

    return pl.kernel(body, out_type=out_type, mesh=_mesh,
                     scratch_types=scratch)


_seg_sum_deg = _make_seg_sum(True)
_seg_sum = _make_seg_sum(False)



BR = 1000
GRID = N // BR

_f32 = jnp.float32


def _dot(a, b):
    return jnp.dot(a, b, preferred_element_type=_f32)


def _entry_body(x, w_in, b_in, wl, wr, bl, h_o, hl_o, hr_o):
    h = _dot(x[...], w_in[...]) + b_in[...]
    h_o[...] = h
    hl_o[...] = _dot(h, wl[...])
    hr_o[...] = _dot(h, wr[...]) + bl[...]


def _mix(sums, deg, hr):
    total = sums[0] + sums[1]
    d = jnp.maximum(deg[:, 0:1] + deg[:, 1:2], 1.0)
    out = total / d + hr
    nrm = jnp.sqrt(jnp.sum(out * out, axis=-1, keepdims=True))
    out = out / jnp.maximum(nrm, 1e-12)
    mu = jnp.mean(out, axis=-1, keepdims=True)
    var = jnp.mean((out - mu) * (out - mu), axis=-1, keepdims=True)
    return (out - mu) / jnp.sqrt(var + 1e-5)


def _layer_body(sums, deg, hr, h_in, g, b, wl, wr, bl,
                h_o, hl_o, hr_o):
    out = _mix(sums[...], deg[...], hr[...]) * g[...] + b[...]
    out = out * jax.nn.sigmoid(out)
    h = out + h_in[...]
    h_o[...] = h
    hl_o[...] = _dot(h, wl[...])
    hr_o[...] = _dot(h, wr[...]) + bl[...]


def _final_body(sums, deg, hr, h_in, g, b, w1, b1, w2, b2, y_o):
    out = _mix(sums[...], deg[...], hr[...]) * g[...] + b[...]
    out = out * jax.nn.sigmoid(out)
    h = out + h_in[...]
    t = _dot(h, w1[...]) + b1[...]
    t = t * jax.nn.sigmoid(t)
    y_o[...] = _dot(t, w2[...]) + b2[...]


def _row_spec():
    return pl.BlockSpec((BR, H), lambda i: (i, 0))


def _w_spec():
    return pl.BlockSpec((H, H), lambda i: (0, 0))


def _b_spec():
    return pl.BlockSpec((1, H), lambda i: (0, 0))


def _sums_spec():
    return pl.BlockSpec((NC, BR, H), lambda i: (0, i, 0))


def _deg_spec():
    return pl.BlockSpec((BR, NC), lambda i: (i, 0))


_out3 = [jax.ShapeDtypeStruct((N, H), _f32)] * 3

_entry_call = pl.pallas_call(
    _entry_body,
    grid=(GRID,),
    in_specs=[_row_spec(), _w_spec(), _b_spec(), _w_spec(), _w_spec(),
              _b_spec()],
    out_specs=[_row_spec(), _row_spec(), _row_spec()],
    out_shape=_out3,
)

_layer_call = pl.pallas_call(
    _layer_body,
    grid=(GRID,),
    in_specs=[_sums_spec(), _deg_spec(), _row_spec(), _row_spec(),
              _b_spec(), _b_spec(), _w_spec(), _w_spec(), _b_spec()],
    out_specs=[_row_spec(), _row_spec(), _row_spec()],
    out_shape=_out3,
)

_final_call = pl.pallas_call(
    _final_body,
    grid=(GRID,),
    in_specs=[_sums_spec(), _deg_spec(), _row_spec(), _row_spec(),
              _b_spec(), _b_spec(), _w_spec(), _b_spec(), _w_spec(),
              _b_spec()],
    out_specs=_row_spec(),
    out_shape=jax.ShapeDtypeStruct((N, H), _f32),
)


def kernel(x, edge_index, W_in, b_in, Wl, bl, Wr, gamma, beta, W1, b1, W2, b2):
    src = edge_index[0].astype(jnp.int32)
    dst = edge_index[1].astype(jnp.int32)
    pad = E_PAD - E
    src_r = jnp.concatenate([src, jnp.zeros((pad,), jnp.int32)]).reshape(
        NW, K, CH)
    dst_r = jnp.concatenate([dst, jnp.full((pad,), N, jnp.int32)]).reshape(
        NW, K, CH)

    b_in2 = b_in.reshape(1, H)
    bl2 = bl.reshape(L, 1, H)
    g2 = gamma.reshape(L, 1, H)
    be2 = beta.reshape(L, 1, H)
    b12 = b1.reshape(1, H)
    W2p = jnp.zeros((H, H), _f32).at[:, :3].set(W2)
    b2p = jnp.zeros((1, H), _f32).at[0, :3].set(b2)

    h, hl, hr = _entry_call(x, W_in, b_in2, Wl[0], Wr[0], bl2[0])

    sums, deg = _seg_sum_deg(hl, src_r, dst_r)
    deg_t = jnp.swapaxes(deg, 0, 1)

    for i in range(L - 1):
        h, hl, hr = _layer_call(sums, deg_t, hr, h, g2[i], be2[i],
                                Wl[i + 1], Wr[i + 1], bl2[i + 1])
        (sums,) = _seg_sum(hl, src_r, dst_r)

    y = _final_call(sums, deg_t, hr, h, g2[L - 1], be2[L - 1],
                    W1, b12, W2p, b2p)
    return y[:, :3]

# --- scband reference (transcript-rebuilt; emitter-appended) ---
"""Pipeline reference for scband-center-regressor-14731737825835 (READ-ONLY COPY).

The authoritative reference and input builder live on the scoring server;
editing this copy changes nothing except your own understanding.
"""

import jax, jax.numpy as jnp
import numpy as np

N = 10000
E = 320000
IN_DIM = 128
H = 128
L = 4


def setup_inputs(seed: int = 0) -> dict:
    key = jax.random.key(seed)
    ks = jax.random.split(key, 14)
    s_in = 1.0 / np.sqrt(IN_DIM)
    s_h = 1.0 / np.sqrt(H)
    inp = {
        'x': jax.random.normal(ks[0], (N, IN_DIM), dtype=jnp.float32),
        'edge_index': jax.random.randint(ks[1], (2, E), 0, N),
        'W_in': jax.random.normal(ks[2], (IN_DIM, H), dtype=jnp.float32) * s_in,
        'b_in': jnp.zeros((H,), dtype=jnp.float32),
        'Wl': jax.random.normal(ks[3], (L, H, H), dtype=jnp.float32) * s_h,
        'bl': jnp.zeros((L, H), dtype=jnp.float32),
        'Wr': jax.random.normal(ks[4], (L, H, H), dtype=jnp.float32) * s_h,
        'gamma': jnp.ones((L, H), dtype=jnp.float32),
        'beta': jnp.zeros((L, H), dtype=jnp.float32),
        'W1': jax.random.normal(ks[5], (H, H), dtype=jnp.float32) * s_h,
        'b1': jnp.zeros((H,), dtype=jnp.float32),
        'W2': jax.random.normal(ks[6], (H, 3), dtype=jnp.float32) * s_h,
        'b2': jnp.zeros((3,), dtype=jnp.float32),
    }
    return inp


def _silu(x):
    return x * jax.nn.sigmoid(x)


def _layer_norm(x, g, b, eps=1e-5):
    mu = jnp.mean(x, axis=-1, keepdims=True)
    var = jnp.var(x, axis=-1, keepdims=True)
    return (x - mu) / jnp.sqrt(var + eps) * g + b


def reference(x, edge_index, W_in, b_in, Wl, bl, Wr, gamma, beta, W1, b1, W2, b2):
    src = edge_index[0]
    dst = edge_index[1]
    deg = jax.ops.segment_sum(jnp.ones((E,), dtype=jnp.float32), dst, num_segments=N)
    deg = jnp.maximum(deg, 1.0)[:, None]

    h = x @ W_in + b_in
    for i in range(L):
        h_in = h
        # SAGEConv: mean aggregation of source features at destination nodes
        agg = jax.ops.segment_sum(h[src], dst, num_segments=N) / deg
        out = agg @ Wl[i] + bl[i] + h @ Wr[i]
        # normalize=True -> L2 normalize (F.normalize, eps=1e-12)
        nrm = jnp.linalg.norm(out, axis=-1, keepdims=True)
        out = out / jnp.maximum(nrm, 1e-12)
        out = _layer_norm(out, gamma[i], beta[i])
        out = _silu(out)
        # dropout inactive in eval mode
        h = out + h_in
    t = _silu(h @ W1 + b1)
    return t @ W2 + b2

if __name__ == "__main__":
    import jax
    _d = setup_inputs()
    print(jax.jit(kernel)(*tuple(_d.values())))

</pallas_src>

<mosaic_0001>
#map = affine_map<(d0, d1) -> (0, 0)>
#map1 = affine_map<(d0, d1) -> (0, 0, 0)>
module attributes {stable_mosaic.version = 14 : i64} {
  func.func @body(%arg0: i32, %arg1: i32, %arg2: memref<10000x128xf32, #tpu.memory_space<hbm>>, %arg3: memref<32x79x128xi32, #tpu.memory_space<hbm>>, %arg4: memref<32x79x128xi32, #tpu.memory_space<hbm>>, %arg5: memref<2x10240x128xf32, #tpu.memory_space<hbm>>, %arg6: memref<79x128xi32, #tpu.memory_space<vmem>>, %arg7: memref<79x128xi32, #tpu.memory_space<vmem>>, %arg8: memref<128x128xf32, #tpu.memory_space<vmem>>, %arg9: memref<10240x128xf32, #tpu.memory_space<vmem_shared>>, %arg10: memref<!tpu.dma_semaphore, #tpu.memory_space<semaphore_mem>>) attributes {dimension_semantics = [#tpu.dimension_semantics<core_parallel>, #tpu.dimension_semantics<subcore_parallel>], iteration_bounds = array<i64: 2, 16>, scalar_prefetch = 0 : i64, scratch_operands = 5 : i64, tpu.core_type = #tpu.core_type<sc_vector_subcore>, window_params = [{transform_indices = #map}, {transform_indices = #map1}, {transform_indices = #map1}, {transform_indices = #map1}]} {
    %mul3A = arith.constant 2 : i32
    %mul3A_0 = arith.muli %arg1, %mul3A : i32
    %add3A = arith.addi %mul3A_0, %arg0 : i32
    "tpu.region"() ({
      %run_scoped3A = tpu.sem_alloc : memref<!tpu.dma_semaphore, #tpu.memory_space<semaphore_mem>>
      %dma_start3A = arith.constant 0 : i32
      %dma_start3A_55 = arith.constant 0 : i32
      %dma_start3A_56 = tpu.memref_slice %arg3[%add3A, %dma_start3A, %dma_start3A_55] : memref<32x79x128xi32, #tpu.memory_space<hbm>> -> memref<1x79x128xi32, #tpu.memory_space<hbm>>
      %dma_start3A_57 = tpu.memref_squeeze %dma_start3A_56 : memref<1x79x128xi32, #tpu.memory_space<hbm>> -> memref<79x128xi32, #tpu.memory_space<hbm>>
      %dma_start3A_58 = arith.constant 0 : i32
      %dma_start3A_59 = arith.constant 0 : i32
      %dma_start3A_60 = tpu.memref_slice %arg3[%add3A, %dma_start3A_58, %dma_start3A_59] : memref<32x79x128xi32, #tpu.memory_space<hbm>> -> memref<1x79x128xi32, #tpu.memory_space<hbm>>
      %dma_start3A_61 = tpu.memref_squeeze %dma_start3A_60 : memref<1x79x128xi32, #tpu.memory_space<hbm>> -> memref<79x128xi32, #tpu.memory_space<hbm>>
      tpu.enqueue_dma source(%dma_start3A_61 : memref<79x128xi32, #tpu.memory_space<hbm>>) target(%arg6 : memref<79x128xi32, #tpu.memory_space<vmem>>) target_semaphore(%run_scoped3A : memref<!tpu.dma_semaphore, #tpu.memory_space<semaphore_mem>>)
      %dma_wait3A = arith.constant 0 : i32
      %dma_wait3A_62 = arith.constant 0 : i32
      %dma_wait3A_63 = tpu.memref_slice %arg3[%add3A, %dma_wait3A, %dma_wait3A_62] : memref<32x79x128xi32, #tpu.memory_space<hbm>> -> memref<1x79x128xi32, #tpu.memory_space<hbm>>
      %dma_wait3A_64 = tpu.memref_squeeze %dma_wait3A_63 : memref<1x79x128xi32, #tpu.memory_space<hbm>> -> memref<79x128xi32, #tpu.memory_space<hbm>>
      %dma_wait3A_65 = arith.constant 0 : i32
      %dma_wait3A_66 = arith.constant 0 : i32
      %dma_wait3A_67 = tpu.memref_slice %arg3[%add3A, %dma_wait3A_65, %dma_wait3A_66] : memref<32x79x128xi32, #tpu.memory_space<hbm>> -> memref<1x79x128xi32, #tpu.memory_space<hbm>>
      %dma_wait3A_68 = tpu.memref_squeeze %dma_wait3A_67 : memref<1x79x128xi32, #tpu.memory_space<hbm>> -> memref<79x128xi32, #tpu.memory_space<hbm>>
      tpu.wait_dma2 semaphore(%run_scoped3A : memref<!tpu.dma_semaphore, #tpu.memory_space<semaphore_mem>>) src(%dma_wait3A_68 : memref<79x128xi32, #tpu.memory_space<hbm>>) dst(%arg6 : memref<79x128xi32, #tpu.memory_space<vmem>>)
      tpu.yield
    }) : () -> ()
    "tpu.region"() ({
      %run_scoped3A = tpu.sem_alloc : memref<!tpu.dma_semaphore, #tpu.memory_space<semaphore_mem>>
      %dma_start3A = arith.constant 0 : i32
      %dma_start3A_55 = arith.constant 0 : i32
      %dma_start3A_56 = tpu.memref_slice %arg4[%add3A, %dma_start3A, %dma_start3A_55] : memref<32x79x128xi32, #tpu.memory_space<hbm>> -> memref<1x79x128xi32, #tpu.memory_space<hbm>>
      %dma_start3A_57 = tpu.memref_squeeze %dma_start3A_56 : memref<1x79x128xi32, #tpu.memory_space<hbm>> -> memref<79x128xi32, #tpu.memory_space<hbm>>
      %dma_start3A_58 = arith.constant 0 : i32
      %dma_start3A_59 = arith.constant 0 : i32
      %dma_start3A_60 = tpu.memref_slice %arg4[%add3A, %dma_start3A_58, %dma_start3A_59] : memref<32x79x128xi32, #tpu.memory_space<hbm>> -> memref<1x79x128xi32, #tpu.memory_space<hbm>>
      %dma_start3A_61 = tpu.memref_squeeze %dma_start3A_60 : memref<1x79x128xi32, #tpu.memory_space<hbm>> -> memref<79x128xi32, #tpu.memory_space<hbm>>
      tpu.enqueue_dma source(%dma_start3A_61 : memref<79x128xi32, #tpu.memory_space<hbm>>) target(%arg7 : memref<79x128xi32, #tpu.memory_space<vmem>>) target_semaphore(%run_scoped3A : memref<!tpu.dma_semaphore, #tpu.memory_space<semaphore_mem>>)
      %dma_wait3A = arith.constant 0 : i32
      %dma_wait3A_62 = arith.constant 0 : i32
      %dma_wait3A_63 = tpu.memref_slice %arg4[%add3A, %dma_wait3A, %dma_wait3A_62] : memref<32x79x128xi32, #tpu.memory_space<hbm>> -> memref<1x79x128xi32, #tpu.memory_space<hbm>>
      %dma_wait3A_64 = tpu.memref_squeeze %dma_wait3A_63 : memref<1x79x128xi32, #tpu.memory_space<hbm>> -> memref<79x128xi32, #tpu.memory_space<hbm>>
      %dma_wait3A_65 = arith.constant 0 : i32
      %dma_wait3A_66 = arith.constant 0 : i32
      %dma_wait3A_67 = tpu.memref_slice %arg4[%add3A, %dma_wait3A_65, %dma_wait3A_66] : memref<32x79x128xi32, #tpu.memory_space<hbm>> -> memref<1x79x128xi32, #tpu.memory_space<hbm>>
      %dma_wait3A_68 = tpu.memref_squeeze %dma_wait3A_67 : memref<1x79x128xi32, #tpu.memory_space<hbm>> -> memref<79x128xi32, #tpu.memory_space<hbm>>
      tpu.wait_dma2 semaphore(%run_scoped3A : memref<!tpu.dma_semaphore, #tpu.memory_space<semaphore_mem>>) src(%dma_wait3A_68 : memref<79x128xi32, #tpu.memory_space<hbm>>) dst(%arg7 : memref<79x128xi32, #tpu.memory_space<vmem>>)
      tpu.yield
    }) : () -> ()
    %scan3A = arith.constant 0 : i32
    %scan3A_1 = arith.constant 0 : i32
    %scan3A_2 = arith.constant 128 : i32
    %scan3A_3 = arith.addi %scan3A_1, %scan3A_2 : i32
    %scan3A_4 = arith.constant 1 : i32
    %scan3A_5 = scf.for %scan3A_55 = %scan3A_1 to %scan3A_3 step %scan3A_4 iter_args(%scan3A_56 = %scan3A) -> (i32)  : i32 {
      %broadcast_in_dim3A = arith.constant 0.000000e+00 : f32
      %broadcast_in_dim3A_57 = vector.broadcast %broadcast_in_dim3A : f32 to vector<16xf32>
      %swap3A = arith.index_cast %scan3A_55 : i32 to index
      %swap3A_58 = arith.constant 0 : index
      %swap3A_59 = tpu.vector_load %arg8[%swap3A, %swap3A_58] {strides = array<i32>} : memref<128x128xf32, #tpu.memory_space<vmem>>, vector<1x16xf32>,
      %swap3A_60 = vector.shape_cast %swap3A_59 : vector<1x16xf32> to vector<16xf32>
      %swap3A_61 = vector.shape_cast %broadcast_in_dim3A_57 : vector<16xf32> to vector<1x16xf32>
      tpu.vector_store %arg8[%swap3A, %swap3A_58], %swap3A_61 {strides = array<i32>} : memref<128x128xf32, #tpu.memory_space<vmem>>, vector<1x16xf32>,
      %broadcast_in_dim3A_62 = arith.constant 0.000000e+00 : f32
      %broadcast_in_dim3A_63 = vector.broadcast %broadcast_in_dim3A_62 : f32 to vector<16xf32>
      %swap3A_64 = arith.index_cast %scan3A_55 : i32 to index
      %swap3A_65 = arith.constant 16 : index
      %swap3A_66 = tpu.vector_load %arg8[%swap3A_64, %swap3A_65] {strides = array<i32>} : memref<128x128xf32, #tpu.memory_space<vmem>>, vector<1x16xf32>,
      %swap3A_67 = vector.shape_cast %swap3A_66 : vector<1x16xf32> to vector<16xf32>
      %swap3A_68 = vector.shape_cast %broadcast_in_dim3A_63 : vector<16xf32> to vector<1x16xf32>
      tpu.vector_store %arg8[%swap3A_64, %swap3A_65], %swap3A_68 {strides = array<i32>} : memref<128x128xf32, #tpu.memory_space<vmem>>, vector<1x16xf32>,
      %broadcast_in_dim3A_69 = arith.constant 0.000000e+00 : f32
      %broadcast_in_dim3A_70 = vector.broadcast %broadcast_in_dim3A_69 : f32 to vector<16xf32>
      %swap3A_71 = arith.index_cast %scan3A_55 : i32 to index
      %swap3A_72 = arith.constant 32 : index
      %swap3A_73 = tpu.vector_load %arg8[%swap3A_71, %swap3A_72] {strides = array<i32>} : memref<128x128xf32, #tpu.memory_space<vmem>>, vector<1x16xf32>,
      %swap3A_74 = vector.shape_cast %swap3A_73 : vector<1x16xf32> to vector<16xf32>
      %swap3A_75 = vector.shape_cast %broadcast_in_dim3A_70 : vector<16xf32> to vector<1x16xf32>
      tpu.vector_store %arg8[%swap3A_71, %swap3A_72], %swap3A_75 {strides = array<i32>} : memref<128x128xf32, #tpu.memory_space<vmem>>, vector<1x16xf32>,
      %broadcast_in_dim3A_76 = arith.constant 0.000000e+00 : f32
      %broadcast_in_dim3A_77 = vector.broadcast %broadcast_in_dim3A_76 : f32 to vector<16xf32>
      %swap3A_78 = arith.index_cast %scan3A_55 : i32 to index
      %swap3A_79 = arith.constant 48 : index
      %swap3A_80 = tpu.vector_load %arg8[%swap3A_78, %swap3A_79] {strides = array<i32>} : memref<128x128xf32, #tpu.memory_space<vmem>>, vector<1x16xf32>,
      %swap3A_81 = vector.shape_cast %swap3A_80 : vector<1x16xf32> to vector<16xf32>
      %swap3A_82 = vector.shape_cast %broadcast_in_dim3A_77 : vector<16xf32> to vector<1x16xf32>
      tpu.vector_store %arg8[%swap3A_78, %swap3A_79], %swap3A_82 {strides = array<i32>} : memref<128x128xf32, #tpu.memory_space<vmem>>, vector<1x16xf32>,
      %broadcast_in_dim3A_83 = arith.constant 0.000000e+00 : f32
      %broadcast_in_dim3A_84 = vector.broadcast %broadcast_in_dim3A_83 : f32 to vector<16xf32>
      %swap3A_85 = arith.index_cast %scan3A_55 : i32 to index
      %swap3A_86 = arith.constant 64 : index
      %swap3A_87 = tpu.vector_load %arg8[%swap3A_85, %swap3A_86] {strides = array<i32>} : memref<128x128xf32, #tpu.memory_space<vmem>>, vector<1x16xf32>,
      %swap3A_88 = vector.shape_cast %swap3A_87 : vector<1x16xf32> to vector<16xf32>
      %swap3A_89 = vector.shape_cast %broadcast_in_dim3A_84 : vector<16xf32> to vector<1x16xf32>
      tpu.vector_store %arg8[%swap3A_85, %swap3A_86], %swap3A_89 {strides = array<i32>} : memref<128x128xf32, #tpu.memory_space<vmem>>, vector<1x16xf32>,
      %broadcast_in_dim3A_90 = arith.constant 0.000000e+00 : f32
      %broadcast_in_dim3A_91 = vector.broadcast %broadcast_in_dim3A_90 : f32 to vector<16xf32>
      %swap3A_92 = arith.index_cast %scan3A_55 : i32 to index
      %swap3A_93 = arith.constant 80 : index
      %swap3A_94 = tpu.vector_load %arg8[%swap3A_92, %swap3A_93] {strides = array<i32>} : memref<128x128xf32, #tpu.memory_space<vmem>>, vector<1x16xf32>,
      %swap3A_95 = vector.shape_cast %swap3A_94 : vector<1x16xf32> to vector<16xf32>
      %swap3A_96 = vector.shape_cast %broadcast_in_dim3A_91 : vector<16xf32> to vector<1x16xf32>
      tpu.vector_store %arg8[%swap3A_92, %swap3A_93], %swap3A_96 {strides = array<i32>} : memref<128x128xf32, #tpu.memory_space<vmem>>, vector<1x16xf32>,
      %broadcast_in_dim3A_97 = arith.constant 0.000000e+00 : f32
      %broadcast_in_dim3A_98 = vector.broadcast %broadcast_in_dim3A_97 : f32 to vector<16xf32>
      %swap3A_99 = arith.index_cast %scan3A_55 : i32 to index
      %swap3A_100 = arith.constant 96 : index
      %swap3A_101 = tpu.vector_load %arg8[%swap3A_99, %swap3A_100] {strides = array<i32>} : memref<128x128xf32, #tpu.memory_space<vmem>>, vector<1x16xf32>,
      %swap3A_102 = vector.shape_cast %swap3A_101 : vector<1x16xf32> to vector<16xf32>
      %swap3A_103 = vector.shape_cast %broadcast_in_dim3A_98 : vector<16xf32> to vector<1x16xf32>
      tpu.vector_store %arg8[%swap3A_99, %swap3A_100], %swap3A_103 {strides = array<i32>} : memref<128x128xf32, #tpu.memory_space<vmem>>, vector<1x16xf32>,
      %broadcast_in_dim3A_104 = arith.constant 0.000000e+00 : f32
      %broadcast_in_dim3A_105 = vector.broadcast %broadcast_in_dim3A_104 : f32 to vector<16xf32>
      %swap3A_106 = arith.index_cast %scan3A_55 : i32 to index
      %swap3A_107 = arith.constant 112 : index
      %swap3A_108 = tpu.vector_load %arg8[%swap3A_106, %swap3A_107] {strides = array<i32>} : memref<128x128xf32, #tpu.memory_space<vmem>>, vector<1x16xf32>,
      %swap3A_109 = vector.shape_cast %swap3A_108 : vector<1x16xf32> to vector<16xf32>
      %swap3A_110 = vector.shape_cast %broadcast_in_dim3A_105 : vector<16xf32> to vector<1x16xf32>
      tpu.vector_store %arg8[%swap3A_106, %swap3A_107], %swap3A_110 {strides = array<i32>} : memref<128x128xf32, #tpu.memory_space<vmem>>, vector<1x16xf32>,
      %scan3A_111 = arith.constant 0 : i32
      scf.yield %scan3A_111 : i32
    }
    %scan3A_6 = arith.constant 128 : i32
    %mul3A_7 = arith.constant 640 : i32
    %mul3A_8 = arith.muli %arg1, %mul3A_7 : i32
    %add3A_9 = arith.constant 0 : i32
    %add3A_10 = arith.addi %mul3A_8, %add3A_9 : i32
    "tpu.region"() ({
      %run_scoped3A = tpu.sem_alloc : memref<!tpu.dma_semaphore, #tpu.memory_space<semaphore_mem>>
      %dma_start3A = arith.constant 0 : i32
      %dma_start3A_55 = tpu.memref_slice %arg9[%add3A_10, %dma_start3A] : memref<10240x128xf32, #tpu.memory_space<vmem_shared>> -> memref<128x128xf32, #tpu.memory_space<vmem_shared>>
      %dma_start3A_56 = arith.constant 0 : i32
      %dma_start3A_57 = tpu.memref_slice %arg9[%add3A_10, %dma_start3A_56] : memref<10240x128xf32, #tpu.memory_space<vmem_shared>> -> memref<128x128xf32, #tpu.memory_space<vmem_shared>>
      tpu.enqueue_dma source(%arg8 : memref<128x128xf32, #tpu.memory_space<vmem>>) target(%dma_start3A_57 : memref<128x128xf32, #tpu.memory_space<vmem_shared>>) target_semaphore(%run_scoped3A : memref<!tpu.dma_semaphore, #tpu.memory_space<semaphore_mem>>)
      %dma_wait3A = arith.constant 0 : i32
      %dma_wait3A_58 = tpu.memref_slice %arg9[%add3A_10, %dma_wait3A] : memref<10240x128xf32, #tpu.memory_space<vmem_shared>> -> memref<128x128xf32, #tpu.memory_space<vmem_shared>>
      %dma_wait3A_59 = arith.constant 0 : i32
      %dma_wait3A_60 = tpu.memref_slice %arg9[%add3A_10, %dma_wait3A_59] : memref<10240x128xf32, #tpu.memory_space<vmem_shared>> -> memref<128x128xf32, #tpu.memory_space<vmem_shared>>
      tpu.wait_dma2 semaphore(%run_scoped3A : memref<!tpu.dma_semaphore, #tpu.memory_space<semaphore_mem>>) src(%arg8 : memref<128x128xf32, #tpu.memory_space<vmem>>) dst(%dma_wait3A_60 : memref<128x128xf32, #tpu.memory_space<vmem_shared>>)
      tpu.yield
    }) : () -> ()
    %mul3A_11 = arith.constant 640 : i32
    %mul3A_12 = arith.muli %arg1, %mul3A_11 : i32
    %add3A_13 = arith.constant 128 : i32
    %add3A_14 = arith.addi %mul3A_12, %add3A_13 : i32
    "tpu.region"() ({
      %run_scoped3A = tpu.sem_alloc : memref<!tpu.dma_semaphore, #tpu.memory_space<semaphore_mem>>
      %dma_start3A = arith.constant 0 : i32
      %dma_start3A_55 = tpu.memref_slice %arg9[%add3A_14, %dma_start3A] : memref<10240x128xf32, #tpu.memory_space<vmem_shared>> -> memref<128x128xf32, #tpu.memory_space<vmem_shared>>
      %dma_start3A_56 = arith.constant 0 : i32
      %dma_start3A_57 = tpu.memref_slice %arg9[%add3A_14, %dma_start3A_56] : memref<10240x128xf32, #tpu.memory_space<vmem_shared>> -> memref<128x128xf32, #tpu.memory_space<vmem_shared>>
      tpu.enqueue_dma source(%arg8 : memref<128x128xf32, #tpu.memory_space<vmem>>) target(%dma_start3A_57 : memref<128x128xf32, #tpu.memory_space<vmem_shared>>) target_semaphore(%run_scoped3A : memref<!tpu.dma_semaphore, #tpu.memory_space<semaphore_mem>>)
      %dma_wait3A = arith.constant 0 : i32
      %dma_wait3A_58 = tpu.memref_slice %arg9[%add3A_14, %dma_wait3A] : memref<10240x128xf32, #tpu.memory_space<vmem_shared>> -> memref<128x128xf32, #tpu.memory_space<vmem_shared>>
      %dma_wait3A_59 = arith.constant 0 : i32
      %dma_wait3A_60 = tpu.memref_slice %arg9[%add3A_14, %dma_wait3A_59] : memref<10240x128xf32, #tpu.memory_space<vmem_shared>> -> memref<128x128xf32, #tpu.memory_space<vmem_shared>>
      tpu.wait_dma2 semaphore(%run_scoped3A : memref<!tpu.dma_semaphore, #tpu.memory_space<semaphore_mem>>) src(%arg8 : memref<128x128xf32, #tpu.memory_space<vmem>>) dst(%dma_wait3A_60 : memref<128x128xf32, #tpu.memory_space<vmem_shared>>)
      tpu.yield
    }) : () -> ()
    %mul3A_15 = arith.constant 640 : i32
    %mul3A_16 = arith.muli %arg1, %mul3A_15 : i32
    %add3A_17 = arith.constant 256 : i32
    %add3A_18 = arith.addi %mul3A_16, %add3A_17 : i32
    "tpu.region"() ({
      %run_scoped3A = tpu.sem_alloc : memref<!tpu.dma_semaphore, #tpu.memory_space<semaphore_mem>>
      %dma_start3A = arith.constant 0 : i32
      %dma_start3A_55 = tpu.memref_slice %arg9[%add3A_18, %dma_start3A] : memref<10240x128xf32, #tpu.memory_space<vmem_shared>> -> memref<128x128xf32, #tpu.memory_space<vmem_shared>>
      %dma_start3A_56 = arith.constant 0 : i32
      %dma_start3A_57 = tpu.memref_slice %arg9[%add3A_18, %dma_start3A_56] : memref<10240x128xf32, #tpu.memory_space<vmem_shared>> -> memref<128x128xf32, #tpu.memory_space<vmem_shared>>
      tpu.enqueue_dma source(%arg8 : memref<128x128xf32, #tpu.memory_space<vmem>>) target(%dma_start3A_57 : memref<128x128xf32, #tpu.memory_space<vmem_shared>>) target_semaphore(%run_scoped3A : memref<!tpu.dma_semaphore, #tpu.memory_space<semaphore_mem>>)
      %dma_wait3A = arith.constant 0 : i32
      %dma_wait3A_58 = tpu.memref_slice %arg9[%add3A_18, %dma_wait3A] : memref<10240x128xf32, #tpu.memory_space<vmem_shared>> -> memref<128x128xf32, #tpu.memory_space<vmem_shared>>
      %dma_wait3A_59 = arith.constant 0 : i32
      %dma_wait3A_60 = tpu.memref_slice %arg9[%add3A_18, %dma_wait3A_59] : memref<10240x128xf32, #tpu.memory_space<vmem_shared>> -> memref<128x128xf32, #tpu.memory_space<vmem_shared>>
      tpu.wait_dma2 semaphore(%run_scoped3A : memref<!tpu.dma_semaphore, #tpu.memory_space<semaphore_mem>>) src(%arg8 : memref<128x128xf32, #tpu.memory_space<vmem>>) dst(%dma_wait3A_60 : memref<128x128xf32, #tpu.memory_space<vmem_shared>>)
      tpu.yield
    }) : () -> ()
    %mul3A_19 = arith.constant 640 : i32
    %mul3A_20 = arith.muli %arg1, %mul3A_19 : i32
    %add3A_21 = arith.constant 384 : i32
    %add3A_22 = arith.addi %mul3A_20, %add3A_21 : i32
    "tpu.region"() ({
      %run_scoped3A = tpu.sem_alloc : memref<!tpu.dma_semaphore, #tpu.memory_space<semaphore_mem>>
      %dma_start3A = arith.constant 0 : i32
      %dma_start3A_55 = tpu.memref_slice %arg9[%add3A_22, %dma_start3A] : memref<10240x128xf32, #tpu.memory_space<vmem_shared>> -> memref<128x128xf32, #tpu.memory_space<vmem_shared>>
      %dma_start3A_56 = arith.constant 0 : i32
      %dma_start3A_57 = tpu.memref_slice %arg9[%add3A_22, %dma_start3A_56] : memref<10240x128xf32, #tpu.memory_space<vmem_shared>> -> memref<128x128xf32, #tpu.memory_space<vmem_shared>>
      tpu.enqueue_dma source(%arg8 : memref<128x128xf32, #tpu.memory_space<vmem>>) target(%dma_start3A_57 : memref<128x128xf32, #tpu.memory_space<vmem_shared>>) target_semaphore(%run_scoped3A : memref<!tpu.dma_semaphore, #tpu.memory_space<semaphore_mem>>)
      %dma_wait3A = arith.constant 0 : i32
      %dma_wait3A_58 = tpu.memref_slice %arg9[%add3A_22, %dma_wait3A] : memref<10240x128xf32, #tpu.memory_space<vmem_shared>> -> memref<128x128xf32, #tpu.memory_space<vmem_shared>>
      %dma_wait3A_59 = arith.constant 0 : i32
      %dma_wait3A_60 = tpu.memref_slice %arg9[%add3A_22, %dma_wait3A_59] : memref<10240x128xf32, #tpu.memory_space<vmem_shared>> -> memref<128x128xf32, #tpu.memory_space<vmem_shared>>
      tpu.wait_dma2 semaphore(%run_scoped3A : memref<!tpu.dma_semaphore, #tpu.memory_space<semaphore_mem>>) src(%arg8 : memref<128x128xf32, #tpu.memory_space<vmem>>) dst(%dma_wait3A_60 : memref<128x128xf32, #tpu.memory_space<vmem_shared>>)
      tpu.yield
    }) : () -> ()
    %mul3A_23 = arith.constant 640 : i32
    %mul3A_24 = arith.muli %arg1, %mul3A_23 : i32
    %add3A_25 = arith.constant 512 : i32
    %add3A_26 = arith.addi %mul3A_24, %add3A_25 : i32
    "tpu.region"() ({
      %run_scoped3A = tpu.sem_alloc : memref<!tpu.dma_semaphore, #tpu.memory_space<semaphore_mem>>
      %dma_start3A = arith.constant 0 : i32
      %dma_start3A_55 = tpu.memref_slice %arg9[%add3A_26, %dma_start3A] : memref<10240x128xf32, #tpu.memory_space<vmem_shared>> -> memref<128x128xf32, #tpu.memory_space<vmem_shared>>
      %dma_start3A_56 = arith.constant 0 : i32
      %dma_start3A_57 = tpu.memref_slice %arg9[%add3A_26, %dma_start3A_56] : memref<10240x128xf32, #tpu.memory_space<vmem_shared>> -> memref<128x128xf32, #tpu.memory_space<vmem_shared>>
      tpu.enqueue_dma source(%arg8 : memref<128x128xf32, #tpu.memory_space<vmem>>) target(%dma_start3A_57 : memref<128x128xf32, #tpu.memory_space<vmem_shared>>) target_semaphore(%run_scoped3A : memref<!tpu.dma_semaphore, #tpu.memory_space<semaphore_mem>>)
      %dma_wait3A = arith.constant 0 : i32
      %dma_wait3A_58 = tpu.memref_slice %arg9[%add3A_26, %dma_wait3A] : memref<10240x128xf32, #tpu.memory_space<vmem_shared>> -> memref<128x128xf32, #tpu.memory_space<vmem_shared>>
      %dma_wait3A_59 = arith.constant 0 : i32
      %dma_wait3A_60 = tpu.memref_slice %arg9[%add3A_26, %dma_wait3A_59] : memref<10240x128xf32, #tpu.memory_space<vmem_shared>> -> memref<128x128xf32, #tpu.memory_space<vmem_shared>>
      tpu.wait_dma2 semaphore(%run_scoped3A : memref<!tpu.dma_semaphore, #tpu.memory_space<semaphore_mem>>) src(%arg8 : memref<128x128xf32, #tpu.memory_space<vmem>>) dst(%dma_wait3A_60 : memref<128x128xf32, #tpu.memory_space<vmem_shared>>)
      tpu.yield
    }) : () -> ()
    %barrier3A = arith.constant 0 : index
    tpu.barrier barrier_id(%barrier3A)
    %scan3A_27 = arith.constant 0 : i32
    %scan3A_28 = arith.constant 0 : i32
    %scan3A_29 = arith.constant 79 : i32
    %scan3A_30 = arith.addi %scan3A_28, %scan3A_29 : i32
    %scan3A_31 = arith.constant 1 : i32
    %scan3A_32 = scf.for %scan3A_55 = %scan3A_28 to %scan3A_30 step %scan3A_31 iter_args(%scan3A_56 = %scan3A_27) -> (i32)  : i32 {
      %dma_start3A = arith.constant 0 : i32
      %dma_start3A_57 = tpu.memref_slice %arg6[%scan3A_55, %dma_start3A] : memref<79x128xi32, #tpu.memory_space<vmem>> -> memref<1x128xi32, #tpu.memory_space<vmem>>
      %dma_start3A_58 = tpu.memref_squeeze %dma_start3A_57 : memref<1x128xi32, #tpu.memory_space<vmem>> -> memref<128xi32, #tpu.memory_space<vmem>>
      %dma_start3A_59 = arith.constant 0 : i32
      %dma_start3A_60 = arith.constant 0 : i32
      %dma_start3A_61 = tpu.memref_slice %arg2[%dma_start3A_59, %dma_start3A_60] : memref<10000x128xf32, #tpu.memory_space<hbm>> -> memref<10000x128xf32, #tpu.memory_space<hbm>>
      tpu.enqueue_indirect_dma source(%dma_start3A_61 : memref<10000x128xf32, #tpu.memory_space<hbm>>) target(%arg8 : memref<128x128xf32, #tpu.memory_space<vmem>>) offsets(%dma_start3A_58 : memref<128xi32, #tpu.memory_space<vmem>>) semaphore(%arg10 : memref<!tpu.dma_semaphore, #tpu.memory_space<semaphore_mem>>)
      %dma_wait3A = arith.constant 0 : i32
      %dma_wait3A_62 = tpu.memref_slice %arg6[%scan3A_55, %dma_wait3A] : memref<79x128xi32, #tpu.memory_space<vmem>> -> memref<1x128xi32, #tpu.memory_space<vmem>>
      %dma_wait3A_63 = tpu.memref_squeeze %dma_wait3A_62 : memref<1x128xi32, #tpu.memory_space<vmem>> -> memref<128xi32, #tpu.memory_space<vmem>>
      %dma_wait3A_64 = arith.constant 0 : i32
      %dma_wait3A_65 = arith.constant 0 : i32
      %dma_wait3A_66 = tpu.memref_slice %arg2[%dma_wait3A_64, %dma_wait3A_65] : memref<10000x128xf32, #tpu.memory_space<hbm>> -> memref<10000x128xf32, #tpu.memory_space<hbm>>
      tpu.wait_indirect_dma semaphore(%arg10 : memref<!tpu.dma_semaphore, #tpu.memory_space<semaphore_mem>>) src(%dma_wait3A_66 : memref<10000x128xf32, #tpu.memory_space<hbm>>) dst(%arg8 : memref<128x128xf32, #tpu.memory_space<vmem>>)
      "tpu.region"() ({
        %run_scoped3A = tpu.sem_alloc : memref<!tpu.dma_semaphore, #tpu.memory_space<semaphore_mem>>
        %dma_start3A_68 = arith.constant 0 : i32
        %dma_start3A_69 = tpu.memref_slice %arg7[%scan3A_55, %dma_start3A_68] : memref<79x128xi32, #tpu.memory_space<vmem>> -> memref<1x128xi32, #tpu.memory_space<vmem>>
        %dma_start3A_70 = tpu.memref_squeeze %dma_start3A_69 : memref<1x128xi32, #tpu.memory_space<vmem>> -> memref<128xi32, #tpu.memory_space<vmem>>
        %dma_start3A_71 = arith.constant 0 : i32
        %dma_start3A_72 = arith.constant 0 : i32
        %dma_start3A_73 = tpu.memref_slice %arg9[%dma_start3A_71, %dma_start3A_72] : memref<10240x128xf32, #tpu.memory_space<vmem_shared>> -> memref<10240x128xf32, #tpu.memory_space<vmem_shared>>
        tpu.enqueue_indirect_dma source(%arg8 : memref<128x128xf32, #tpu.memory_space<vmem>>) target(%dma_start3A_73 : memref<10240x128xf32, #tpu.memory_space<vmem_shared>>) offsets(%dma_start3A_70 : memref<128xi32, #tpu.memory_space<vmem>>) semaphore(%run_scoped3A : memref<!tpu.dma_semaphore, #tpu.memory_space<semaphore_mem>>) {add = true}
        %dma_wait3A_74 = arith.constant 0 : i32
        %dma_wait3A_75 = tpu.memref_slice %arg7[%scan3A_55, %dma_wait3A_74] : memref<79x128xi32, #tpu.memory_space<vmem>> -> memref<1x128xi32, #tpu.memory_space<vmem>>
        %dma_wait3A_76 = tpu.memref_squeeze %dma_wait3A_75 : memref<1x128xi32, #tpu.memory_space<vmem>> -> memref<128xi32, #tpu.memory_space<vmem>>
        %dma_wait3A_77 = arith.constant 0 : i32
        %dma_wait3A_78 = arith.constant 0 : i32
        %dma_wait3A_79 = tpu.memref_slice %arg9[%dma_wait3A_77, %dma_wait3A_78] : memref<10240x128xf32, #tpu.memory_space<vmem_shared>> -> memref<10240x128xf32, #tpu.memory_space<vmem_shared>>
        tpu.wait_indirect_dma semaphore(%run_scoped3A : memref<!tpu.dma_semaphore, #tpu.memory_space<semaphore_mem>>) src(%arg8 : memref<128x128xf32, #tpu.memory_space<vmem>>) dst(%dma_wait3A_79 : memref<10240x128xf32, #tpu.memory_space<vmem_shared>>)
        tpu.yield
      }) : () -> ()
      %scan3A_67 = arith.constant 0 : i32
      scf.yield %scan3A_67 : i32
    }
    %scan3A_33 = arith.constant 79 : i32
    %barrier3A_34 = arith.constant 0 : index
    tpu.barrier barrier_id(%barrier3A_34)
    %mul3A_35 = arith.constant 640 : i32
    %mul3A_36 = arith.muli %arg1, %mul3A_35 : i32
    %add3A_37 = arith.constant 0 : i32
    %add3A_38 = arith.addi %mul3A_36, %add3A_37 : i32
    "tpu.region"() ({
      %run_scoped3A = tpu.sem_alloc : memref<!tpu.dma_semaphore, #tpu.memory_space<semaphore_mem>>
      %dma_start3A = arith.constant 0 : i32
      %dma_start3A_55 = tpu.memref_slice %arg5[%arg0, %add3A_38, %dma_start3A] : memref<2x10240x128xf32, #tpu.memory_space<hbm>> -> memref<1x128x128xf32, #tpu.memory_space<hbm>>
      %dma_start3A_56 = tpu.memref_squeeze %dma_start3A_55 : memref<1x128x128xf32, #tpu.memory_space<hbm>> -> memref<128x128xf32, #tpu.memory_space<hbm>>
      %dma_start3A_57 = arith.constant 0 : i32
      %dma_start3A_58 = tpu.memref_slice %arg9[%add3A_38, %dma_start3A_57] : memref<10240x128xf32, #tpu.memory_space<vmem_shared>> -> memref<128x128xf32, #tpu.memory_space<vmem_shared>>
      tpu.enqueue_dma source(%dma_start3A_58 : memref<128x128xf32, #tpu.memory_space<vmem_shared>>) target(%dma_start3A_56 : memref<128x128xf32, #tpu.memory_space<hbm>>) target_semaphore(%run_scoped3A : memref<!tpu.dma_semaphore, #tpu.memory_space<semaphore_mem>>)
      %dma_wait3A = arith.constant 0 : i32
      %dma_wait3A_59 = tpu.memref_slice %arg5[%arg0, %add3A_38, %dma_wait3A] : memref<2x10240x128xf32, #tpu.memory_space<hbm>> -> memref<1x128x128xf32, #tpu.memory_space<hbm>>
      %dma_wait3A_60 = tpu.memref_squeeze %dma_wait3A_59 : memref<1x128x128xf32, #tpu.memory_space<hbm>> -> memref<128x128xf32, #tpu.memory_space<hbm>>
      %dma_wait3A_61 = arith.constant 0 : i32
      %dma_wait3A_62 = tpu.memref_slice %arg9[%add3A_38, %dma_wait3A_61] : memref<10240x128xf32, #tpu.memory_space<vmem_shared>> -> memref<128x128xf32, #tpu.memory_space<vmem_shared>>
      tpu.wait_dma2 semaphore(%run_scoped3A : memref<!tpu.dma_semaphore, #tpu.memory_space<semaphore_mem>>) src(%dma_wait3A_62 : memref<128x128xf32, #tpu.memory_space<vmem_shared>>) dst(%dma_wait3A_60 : memref<128x128xf32, #tpu.memory_space<hbm>>)
      tpu.yield
    }) : () -> ()
    %mul3A_39 = arith.constant 640 : i32
    %mul3A_40 = arith.muli %arg1, %mul3A_39 : i32
    %add3A_41 = arith.constant 128 : i32
    %add3A_42 = arith.addi %mul3A_40, %add3A_41 : i32
    "tpu.region"() ({
      %run_scoped3A = tpu.sem_alloc : memref<!tpu.dma_semaphore, #tpu.memory_space<semaphore_mem>>
      %dma_start3A = arith.constant 0 : i32
      %dma_start3A_55 = tpu.memref_slice %arg5[%arg0, %add3A_42, %dma_start3A] : memref<2x10240x128xf32, #tpu.memory_space<hbm>> -> memref<1x128x128xf32, #tpu.memory_space<hbm>>
      %dma_start3A_56 = tpu.memref_squeeze %dma_start3A_55 : memref<1x128x128xf32, #tpu.memory_space<hbm>> -> memref<128x128xf32, #tpu.memory_space<hbm>>
      %dma_start3A_57 = arith.constant 0 : i32
      %dma_start3A_58 = tpu.memref_slice %arg9[%add3A_42, %dma_start3A_57] : memref<10240x128xf32, #tpu.memory_space<vmem_shared>> -> memref<128x128xf32, #tpu.memory_space<vmem_shared>>
      tpu.enqueue_dma source(%dma_start3A_58 : memref<128x128xf32, #tpu.memory_space<vmem_shared>>) target(%dma_start3A_56 : memref<128x128xf32, #tpu.memory_space<hbm>>) target_semaphore(%run_scoped3A : memref<!tpu.dma_semaphore, #tpu.memory_space<semaphore_mem>>)
      %dma_wait3A = arith.constant 0 : i32
      %dma_wait3A_59 = tpu.memref_slice %arg5[%arg0, %add3A_42, %dma_wait3A] : memref<2x10240x128xf32, #tpu.memory_space<hbm>> -> memref<1x128x128xf32, #tpu.memory_space<hbm>>
      %dma_wait3A_60 = tpu.memref_squeeze %dma_wait3A_59 : memref<1x128x128xf32, #tpu.memory_space<hbm>> -> memref<128x128xf32, #tpu.memory_space<hbm>>
      %dma_wait3A_61 = arith.constant 0 : i32
      %dma_wait3A_62 = tpu.memref_slice %arg9[%add3A_42, %dma_wait3A_61] : memref<10240x128xf32, #tpu.memory_space<vmem_shared>> -> memref<128x128xf32, #tpu.memory_space<vmem_shared>>
      tpu.wait_dma2 semaphore(%run_scoped3A : memref<!tpu.dma_semaphore, #tpu.memory_space<semaphore_mem>>) src(%dma_wait3A_62 : memref<128x128xf32, #tpu.memory_space<vmem_shared>>) dst(%dma_wait3A_60 : memref<128x128xf32, #tpu.memory_space<hbm>>)
      tpu.yield
    }) : () -> ()
    %mul3A_43 = arith.constant 640 : i32
    %mul3A_44 = arith.muli %arg1, %mul3A_43 : i32
    %add3A_45 = arith.constant 256 : i32
    %add3A_46 = arith.addi %mul3A_44, %add3A_45 : i32
    "tpu.region"() ({
      %run_scoped3A = tpu.sem_alloc : memref<!tpu.dma_semaphore, #tpu.memory_space<semaphore_mem>>
      %dma_start3A = arith.constant 0 : i32
      %dma_start3A_55 = tpu.memref_slice %arg5[%arg0, %add3A_46, %dma_start3A] : memref<2x10240x128xf32, #tpu.memory_space<hbm>> -> memref<1x128x128xf32, #tpu.memory_space<hbm>>
      %dma_start3A_56 = tpu.memref_squeeze %dma_start3A_55 : memref<1x128x128xf32, #tpu.memory_space<hbm>> -> memref<128x128xf32, #tpu.memory_space<hbm>>
      %dma_start3A_57 = arith.constant 0 : i32
      %dma_start3A_58 = tpu.memref_slice %arg9[%add3A_46, %dma_start3A_57] : memref<10240x128xf32, #tpu.memory_space<vmem_shared>> -> memref<128x128xf32, #tpu.memory_space<vmem_shared>>
      tpu.enqueue_dma source(%dma_start3A_58 : memref<128x128xf32, #tpu.memory_space<vmem_shared>>) target(%dma_start3A_56 : memref<128x128xf32, #tpu.memory_space<hbm>>) target_semaphore(%run_scoped3A : memref<!tpu.dma_semaphore, #tpu.memory_space<semaphore_mem>>)
      %dma_wait3A = arith.constant 0 : i32
      %dma_wait3A_59 = tpu.memref_slice %arg5[%arg0, %add3A_46, %dma_wait3A] : memref<2x10240x128xf32, #tpu.memory_space<hbm>> -> memref<1x128x128xf32, #tpu.memory_space<hbm>>
      %dma_wait3A_60 = tpu.memref_squeeze %dma_wait3A_59 : memref<1x128x128xf32, #tpu.memory_space<hbm>> -> memref<128x128xf32, #tpu.memory_space<hbm>>
      %dma_wait3A_61 = arith.constant 0 : i32
      %dma_wait3A_62 = tpu.memref_slice %arg9[%add3A_46, %dma_wait3A_61] : memref<10240x128xf32, #tpu.memory_space<vmem_shared>> -> memref<128x128xf32, #tpu.memory_space<vmem_shared>>
      tpu.wait_dma2 semaphore(%run_scoped3A : memref<!tpu.dma_semaphore, #tpu.memory_space<semaphore_mem>>) src(%dma_wait3A_62 : memref<128x128xf32, #tpu.memory_space<vmem_shared>>) dst(%dma_wait3A_60 : memref<128x128xf32, #tpu.memory_space<hbm>>)
      tpu.yield
    }) : () -> ()
    %mul3A_47 = arith.constant 640 : i32
    %mul3A_48 = arith.muli %arg1, %mul3A_47 : i32
    %add3A_49 = arith.constant 384 : i32
    %add3A_50 = arith.addi %mul3A_48, %add3A_49 : i32
    "tpu.region"() ({
      %run_scoped3A = tpu.sem_alloc : memref<!tpu.dma_semaphore, #tpu.memory_space<semaphore_mem>>
      %dma_start3A = arith.constant 0 : i32
      %dma_start3A_55 = tpu.memref_slice %arg5[%arg0, %add3A_50, %dma_start3A] : memref<2x10240x128xf32, #tpu.memory_space<hbm>> -> memref<1x128x128xf32, #tpu.memory_space<hbm>>
      %dma_start3A_56 = tpu.memref_squeeze %dma_start3A_55 : memref<1x128x128xf32, #tpu.memory_space<hbm>> -> memref<128x128xf32, #tpu.memory_space<hbm>>
      %dma_start3A_57 = arith.constant 0 : i32
      %dma_start3A_58 = tpu.memref_slice %arg9[%add3A_50, %dma_start3A_57] : memref<10240x128xf32, #tpu.memory_space<vmem_shared>> -> memref<128x128xf32, #tpu.memory_space<vmem_shared>>
      tpu.enqueue_dma source(%dma_start3A_58 : memref<128x128xf32, #tpu.memory_space<vmem_shared>>) target(%dma_start3A_56 : memref<128x128xf32, #tpu.memory_space<hbm>>) target_semaphore(%run_scoped3A : memref<!tpu.dma_semaphore, #tpu.memory_space<semaphore_mem>>)
      %dma_wait3A = arith.constant 0 : i32
      %dma_wait3A_59 = tpu.memref_slice %arg5[%arg0, %add3A_50, %dma_wait3A] : memref<2x10240x128xf32, #tpu.memory_space<hbm>> -> memref<1x128x128xf32, #tpu.memory_space<hbm>>
      %dma_wait3A_60 = tpu.memref_squeeze %dma_wait3A_59 : memref<1x128x128xf32, #tpu.memory_space<hbm>> -> memref<128x128xf32, #tpu.memory_space<hbm>>
      %dma_wait3A_61 = arith.constant 0 : i32
      %dma_wait3A_62 = tpu.memref_slice %arg9[%add3A_50, %dma_wait3A_61] : memref<10240x128xf32, #tpu.memory_space<vmem_shared>> -> memref<128x128xf32, #tpu.memory_space<vmem_shared>>
      tpu.wait_dma2 semaphore(%run_scoped3A : memref<!tpu.dma_semaphore, #tpu.memory_space<semaphore_mem>>) src(%dma_wait3A_62 : memref<128x128xf32, #tpu.memory_space<vmem_shared>>) dst(%dma_wait3A_60 : memref<128x128xf32, #tpu.memory_space<hbm>>)
      tpu.yield
    }) : () -> ()
    %mul3A_51 = arith.constant 640 : i32
    %mul3A_52 = arith.muli %arg1, %mul3A_51 : i32
    %add3A_53 = arith.constant 512 : i32
    %add3A_54 = arith.addi %mul3A_52, %add3A_53 : i32
    "tpu.region"() ({
      %run_scoped3A = tpu.sem_alloc : memref<!tpu.dma_semaphore, #tpu.memory_space<semaphore_mem>>
      %dma_start3A = arith.constant 0 : i32
      %dma_start3A_55 = tpu.memref_slice %arg5[%arg0, %add3A_54, %dma_start3A] : memref<2x10240x128xf32, #tpu.memory_space<hbm>> -> memref<1x128x128xf32, #tpu.memory_space<hbm>>
      %dma_start3A_56 = tpu.memref_squeeze %dma_start3A_55 : memref<1x128x128xf32, #tpu.memory_space<hbm>> -> memref<128x128xf32, #tpu.memory_space<hbm>>
      %dma_start3A_57 = arith.constant 0 : i32
      %dma_start3A_58 = tpu.memref_slice %arg9[%add3A_54, %dma_start3A_57] : memref<10240x128xf32, #tpu.memory_space<vmem_shared>> -> memref<128x128xf32, #tpu.memory_space<vmem_shared>>
      tpu.enqueue_dma source(%dma_start3A_58 : memref<128x128xf32, #tpu.memory_space<vmem_shared>>) target(%dma_start3A_56 : memref<128x128xf32, #tpu.memory_space<hbm>>) target_semaphore(%run_scoped3A : memref<!tpu.dma_semaphore, #tpu.memory_space<semaphore_mem>>)
      %dma_wait3A = arith.constant 0 : i32
      %dma_wait3A_59 = tpu.memref_slice %arg5[%arg0, %add3A_54, %dma_wait3A] : memref<2x10240x128xf32, #tpu.memory_space<hbm>> -> memref<1x128x128xf32, #tpu.memory_space<hbm>>
      %dma_wait3A_60 = tpu.memref_squeeze %dma_wait3A_59 : memref<1x128x128xf32, #tpu.memory_space<hbm>> -> memref<128x128xf32, #tpu.memory_space<hbm>>
      %dma_wait3A_61 = arith.constant 0 : i32
      %dma_wait3A_62 = tpu.memref_slice %arg9[%add3A_54, %dma_wait3A_61] : memref<10240x128xf32, #tpu.memory_space<vmem_shared>> -> memref<128x128xf32, #tpu.memory_space<vmem_shared>>
      tpu.wait_dma2 semaphore(%run_scoped3A : memref<!tpu.dma_semaphore, #tpu.memory_space<semaphore_mem>>) src(%dma_wait3A_62 : memref<128x128xf32, #tpu.memory_space<vmem_shared>>) dst(%dma_wait3A_60 : memref<128x128xf32, #tpu.memory_space<hbm>>)
      tpu.yield
    }) : () -> ()
    return
  }
}

#map = affine_map<(d0, d1) -> (0, 0)>
#map1 = affine_map<(d0, d1) -> (0, 0, 0)>
module attributes {stable_mosaic.version = 14 : i64} {
  func.func @body(%arg0: i32, %arg1: i32, %arg2: memref<10000x128xf32, #tpu.memory_space<hbm>>, %arg3: memref<32x79x128xi32, #tpu.memory_space<hbm>>, %arg4: memref<32x79x128xi32, #tpu.memory_space<hbm>>, %arg5: memref<2x10240x128xf32, #tpu.memory_space<hbm>>, %arg6: memref<2x10240xf32, #tpu.memory_space<hbm>>, %arg7: memref<79x128xi32, #tpu.memory_space<vmem>>, %arg8: memref<79x128xi32, #tpu.memory_space<vmem>>, %arg9: memref<128x128xf32, #tpu.memory_space<vmem>>, %arg10: memref<10240x128xf32, #tpu.memory_space<vmem_shared>>, %arg11: memref<!tpu.dma_semaphore, #tpu.memory_space<semaphore_mem>>, %arg12: memref<128xf32, #tpu.memory_space<vmem>>, %arg13: memref<640xf32, #tpu.memory_space<vmem>>, %arg14: memref<10240xf32, #tpu.memory_space<vmem_shared>>) attributes {dimension_semantics = [#tpu.dimension_semantics<core_parallel>, #tpu.dimension_semantics<subcore_parallel>], iteration_bounds = array<i64: 2, 16>, scalar_prefetch = 0 : i64, scratch_operands = 8 : i64, tpu.core_type = #tpu.core_type<sc_vector_subcore>, window_params = [{transform_indices = #map}, {transform_indices = #map1}, {transform_indices = #map1}, {transform_indices = #map1}, {transform_indices = #map}]} {
    %mul3A = arith.constant 2 : i32
    %mul3A_0 = arith.muli %arg1, %mul3A : i32
    %add3A = arith.addi %mul3A_0, %arg0 : i32
    "tpu.region"() ({
      %run_scoped3A = tpu.sem_alloc : memref<!tpu.dma_semaphore, #tpu.memory_space<semaphore_mem>>
      %dma_start3A = arith.constant 0 : i32
      %dma_start3A_75 = arith.constant 0 : i32
      %dma_start3A_76 = tpu.memref_slice %arg3[%add3A, %dma_start3A, %dma_start3A_75] : memref<32x79x128xi32, #tpu.memory_space<hbm>> -> memref<1x79x128xi32, #tpu.memory_space<hbm>>
      %dma_start3A_77 = tpu.memref_squeeze %dma_start3A_76 : memref<1x79x128xi32, #tpu.memory_space<hbm>> -> memref<79x128xi32, #tpu.memory_space<hbm>>
      %dma_start3A_78 = arith.constant 0 : i32
      %dma_start3A_79 = arith.constant 0 : i32
      %dma_start3A_80 = tpu.memref_slice %arg3[%add3A, %dma_start3A_78, %dma_start3A_79] : memref<32x79x128xi32, #tpu.memory_space<hbm>> -> memref<1x79x128xi32, #tpu.memory_space<hbm>>
      %dma_start3A_81 = tpu.memref_squeeze %dma_start3A_80 : memref<1x79x128xi32, #tpu.memory_space<hbm>> -> memref<79x128xi32, #tpu.memory_space<hbm>>
      tpu.enqueue_dma source(%dma_start3A_81 : memref<79x128xi32, #tpu.memory_space<hbm>>) target(%arg7 : memref<79x128xi32, #tpu.memory_space<vmem>>) target_semaphore(%run_scoped3A : memref<!tpu.dma_semaphore, #tpu.memory_space<semaphore_mem>>)
      %dma_wait3A = arith.constant 0 : i32
      %dma_wait3A_82 = arith.constant 0 : i32
      %dma_wait3A_83 = tpu.memref_slice %arg3[%add3A, %dma_wait3A, %dma_wait3A_82] : memref<32x79x128xi32, #tpu.memory_space<hbm>> -> memref<1x79x128xi32, #tpu.memory_space<hbm>>
      %dma_wait3A_84 = tpu.memref_squeeze %dma_wait3A_83 : memref<1x79x128xi32, #tpu.memory_space<hbm>> -> memref<79x128xi32, #tpu.memory_space<hbm>>
      %dma_wait3A_85 = arith.constant 0 : i32
      %dma_wait3A_86 = arith.constant 0 : i32
      %dma_wait3A_87 = tpu.memref_slice %arg3[%add3A, %dma_wait3A_85, %dma_wait3A_86] : memref<32x79x128xi32, #tpu.memory_space<hbm>> -> memref<1x79x128xi32, #tpu.memory_space<hbm>>
      %dma_wait3A_88 = tpu.memref_squeeze %dma_wait3A_87 : memref<1x79x128xi32, #tpu.memory_space<hbm>> -> memref<79x128xi32, #tpu.memory_space<hbm>>
      tpu.wait_dma2 semaphore(%run_scoped3A : memref<!tpu.dma_semaphore, #tpu.memory_space<semaphore_mem>>) src(%dma_wait3A_88 : memref<79x128xi32, #tpu.memory_space<hbm>>) dst(%arg7 : memref<79x128xi32, #tpu.memory_space<vmem>>)
      tpu.yield
    }) : () -> ()
    "tpu.region"() ({
      %run_scoped3A = tpu.sem_alloc : memref<!tpu.dma_semaphore, #tpu.memory_space<semaphore_mem>>
      %dma_start3A = arith.constant 0 : i32
      %dma_start3A_75 = arith.constant 0 : i32
      %dma_start3A_76 = tpu.memref_slice %arg4[%add3A, %dma_start3A, %dma_start3A_75] : memref<32x79x128xi32, #tpu.memory_space<hbm>> -> memref<1x79x128xi32, #tpu.memory_space<hbm>>
      %dma_start3A_77 = tpu.memref_squeeze %dma_start3A_76 : memref<1x79x128xi32, #tpu.memory_space<hbm>> -> memref<79x128xi32, #tpu.memory_space<hbm>>
      %dma_start3A_78 = arith.constant 0 : i32
      %dma_start3A_79 = arith.constant 0 : i32
      %dma_start3A_80 = tpu.memref_slice %arg4[%add3A, %dma_start3A_78, %dma_start3A_79] : memref<32x79x128xi32, #tpu.memory_space<hbm>> -> memref<1x79x128xi32, #tpu.memory_space<hbm>>
      %dma_start3A_81 = tpu.memref_squeeze %dma_start3A_80 : memref<1x79x128xi32, #tpu.memory_space<hbm>> -> memref<79x128xi32, #tpu.memory_space<hbm>>
      tpu.enqueue_dma source(%dma_start3A_81 : memref<79x128xi32, #tpu.memory_space<hbm>>) target(%arg8 : memref<79x128xi32, #tpu.memory_space<vmem>>) target_semaphore(%run_scoped3A : memref<!tpu.dma_semaphore, #tpu.memory_space<semaphore_mem>>)
      %dma_wait3A = arith.constant 0 : i32
      %dma_wait3A_82 = arith.constant 0 : i32
      %dma_wait3A_83 = tpu.memref_slice %arg4[%add3A, %dma_wait3A, %dma_wait3A_82] : memref<32x79x128xi32, #tpu.memory_space<hbm>> -> memref<1x79x128xi32, #tpu.memory_space<hbm>>
      %dma_wait3A_84 = tpu.memref_squeeze %dma_wait3A_83 : memref<1x79x128xi32, #tpu.memory_space<hbm>> -> memref<79x128xi32, #tpu.memory_space<hbm>>
      %dma_wait3A_85 = arith.constant 0 : i32
      %dma_wait3A_86 = arith.constant 0 : i32
      %dma_wait3A_87 = tpu.memref_slice %arg4[%add3A, %dma_wait3A_85, %dma_wait3A_86] : memref<32x79x128xi32, #tpu.memory_space<hbm>> -> memref<1x79x128xi32, #tpu.memory_space<hbm>>
      %dma_wait3A_88 = tpu.memref_squeeze %dma_wait3A_87 : memref<1x79x128xi32, #tpu.memory_space<hbm>> -> memref<79x128xi32, #tpu.memory_space<hbm>>
      tpu.wait_dma2 semaphore(%run_scoped3A : memref<!tpu.dma_semaphore, #tpu.memory_space<semaphore_mem>>) src(%dma_wait3A_88 : memref<79x128xi32, #tpu.memory_space<hbm>>) dst(%arg8 : memref<79x128xi32, #tpu.memory_space<vmem>>)
      tpu.yield
    }) : () -> ()
    %scan3A = arith.constant 0 : i32
    %scan3A_1 = arith.constant 0 : i32
    %scan3A_2 = arith.constant 128 : i32
    %scan3A_3 = arith.addi %scan3A_1, %scan3A_2 : i32
    %scan3A_4 = arith.constant 1 : i32
    %scan3A_5 = scf.for %scan3A_75 = %scan3A_1 to %scan3A_3 step %scan3A_4 iter_args(%scan3A_76 = %scan3A) -> (i32)  : i32 {
      %broadcast_in_dim3A = arith.constant 0.000000e+00 : f32
      %broadcast_in_dim3A_77 = vector.broadcast %broadcast_in_dim3A : f32 to vector<16xf32>
      %swap3A = arith.index_cast %scan3A_75 : i32 to index
      %swap3A_78 = arith.constant 0 : index
      %swap3A_79 = tpu.vector_load %arg9[%swap3A, %swap3A_78] {strides = array<i32>} : memref<128x128xf32, #tpu.memory_space<vmem>>, vector<1x16xf32>,
      %swap3A_80 = vector.shape_cast %swap3A_79 : vector<1x16xf32> to vector<16xf32>
      %swap3A_81 = vector.shape_cast %broadcast_in_dim3A_77 : vector<16xf32> to vector<1x16xf32>
      tpu.vector_store %arg9[%swap3A, %swap3A_78], %swap3A_81 {strides = array<i32>} : memref<128x128xf32, #tpu.memory_space<vmem>>, vector<1x16xf32>,
      %broadcast_in_dim3A_82 = arith.constant 0.000000e+00 : f32
      %broadcast_in_dim3A_83 = vector.broadcast %broadcast_in_dim3A_82 : f32 to vector<16xf32>
      %swap3A_84 = arith.index_cast %scan3A_75 : i32 to index
      %swap3A_85 = arith.constant 16 : index
      %swap3A_86 = tpu.vector_load %arg9[%swap3A_84, %swap3A_85] {strides = array<i32>} : memref<128x128xf32, #tpu.memory_space<vmem>>, vector<1x16xf32>,
      %swap3A_87 = vector.shape_cast %swap3A_86 : vector<1x16xf32> to vector<16xf32>
      %swap3A_88 = vector.shape_cast %broadcast_in_dim3A_83 : vector<16xf32> to vector<1x16xf32>
      tpu.vector_store %arg9[%swap3A_84, %swap3A_85], %swap3A_88 {strides = array<i32>} : memref<128x128xf32, #tpu.memory_space<vmem>>, vector<1x16xf32>,
      %broadcast_in_dim3A_89 = arith.constant 0.000000e+00 : f32
      %broadcast_in_dim3A_90 = vector.broadcast %broadcast_in_dim3A_89 : f32 to vector<16xf32>
      %swap3A_91 = arith.index_cast %scan3A_75 : i32 to index
      %swap3A_92 = arith.constant 32 : index
      %swap3A_93 = tpu.vector_load %arg9[%swap3A_91, %swap3A_92] {strides = array<i32>} : memref<128x128xf32, #tpu.memory_space<vmem>>, vector<1x16xf32>,
      %swap3A_94 = vector.shape_cast %swap3A_93 : vector<1x16xf32> to vector<16xf32>
      %swap3A_95 = vector.shape_cast %broadcast_in_dim3A_90 : vector<16xf32> to vector<1x16xf32>
      tpu.vector_store %arg9[%swap3A_91, %swap3A_92], %swap3A_95 {strides = array<i32>} : memref<128x128xf32, #tpu.memory_space<vmem>>, vector<1x16xf32>,
      %broadcast_in_dim3A_96 = arith.constant 0.000000e+00 : f32
      %broadcast_in_dim3A_97 = vector.broadcast %broadcast_in_dim3A_96 : f32 to vector<16xf32>
      %swap3A_98 = arith.index_cast %scan3A_75 : i32 to index
      %swap3A_99 = arith.constant 48 : index
      %swap3A_100 = tpu.vector_load %arg9[%swap3A_98, %swap3A_99] {strides = array<i32>} : memref<128x128xf32, #tpu.memory_space<vmem>>, vector<1x16xf32>,
      %swap3A_101 = vector.shape_cast %swap3A_100 : vector<1x16xf32> to vector<16xf32>
      %swap3A_102 = vector.shape_cast %broadcast_in_dim3A_97 : vector<16xf32> to vector<1x16xf32>
      tpu.vector_store %arg9[%swap3A_98, %swap3A_99], %swap3A_102 {strides = array<i32>} : memref<128x128xf32, #tpu.memory_space<vmem>>, vector<1x16xf32>,
      %broadcast_in_dim3A_103 = arith.constant 0.000000e+00 : f32
      %broadcast_in_dim3A_104 = vector.broadcast %broadcast_in_dim3A_103 : f32 to vector<16xf32>
      %swap3A_105 = arith.index_cast %scan3A_75 : i32 to index
      %swap3A_106 = arith.constant 64 : index
      %swap3A_107 = tpu.vector_load %arg9[%swap3A_105, %swap3A_106] {strides = array<i32>} : memref<128x128xf32, #tpu.memory_space<vmem>>, vector<1x16xf32>,
      %swap3A_108 = vector.shape_cast %swap3A_107 : vector<1x16xf32> to vector<16xf32>
      %swap3A_109 = vector.shape_cast %broadcast_in_dim3A_104 : vector<16xf32> to vector<1x16xf32>
      tpu.vector_store %arg9[%swap3A_105, %swap3A_106], %swap3A_109 {strides = array<i32>} : memref<128x128xf32, #tpu.memory_space<vmem>>, vector<1x16xf32>,
      %broadcast_in_dim3A_110 = arith.constant 0.000000e+00 : f32
      %broadcast_in_dim3A_111 = vector.broadcast %broadcast_in_dim3A_110 : f32 to vector<16xf32>
      %swap3A_112 = arith.index_cast %scan3A_75 : i32 to index
      %swap3A_113 = arith.constant 80 : index
      %swap3A_114 = tpu.vector_load %arg9[%swap3A_112, %swap3A_113] {strides = array<i32>} : memref<128x128xf32, #tpu.memory_space<vmem>>, vector<1x16xf32>,
      %swap3A_115 = vector.shape_cast %swap3A_114 : vector<1x16xf32> to vector<16xf32>
      %swap3A_116 = vector.shape_cast %broadcast_in_dim3A_111 : vector<16xf32> to vector<1x16xf32>
      tpu.vector_store %arg9[%swap3A_112, %swap3A_113], %swap3A_116 {strides = array<i32>} : memref<128x128xf32, #tpu.memory_space<vmem>>, vector<1x16xf32>,
      %broadcast_in_dim3A_117 = arith.constant 0.000000e+00 : f32
      %broadcast_in_dim3A_118 = vector.broadcast %broadcast_in_dim3A_117 : f32 to vector<16xf32>
      %swap3A_119 = arith.index_cast %scan3A_75 : i32 to index
      %swap3A_120 = arith.constant 96 : index
      %swap3A_121 = tpu.vector_load %arg9[%swap3A_119, %swap3A_120] {strides = array<i32>} : memref<128x128xf32, #tpu.memory_space<vmem>>, vector<1x16xf32>,
      %swap3A_122 = vector.shape_cast %swap3A_121 : vector<1x16xf32> to vector<16xf32>
      %swap3A_123 = vector.shape_cast %broadcast_in_dim3A_118 : vector<16xf32> to vector<1x16xf32>
      tpu.vector_store %arg9[%swap3A_119, %swap3A_120], %swap3A_123 {strides = array<i32>} : memref<128x128xf32, #tpu.memory_space<vmem>>, vector<1x16xf32>,
      %broadcast_in_dim3A_124 = arith.constant 0.000000e+00 : f32
      %broadcast_in_dim3A_125 = vector.broadcast %broadcast_in_dim3A_124 : f32 to vector<16xf32>
      %swap3A_126 = arith.index_cast %scan3A_75 : i32 to index
      %swap3A_127 = arith.constant 112 : index
      %swap3A_128 = tpu.vector_load %arg9[%swap3A_126, %swap3A_127] {strides = array<i32>} : memref<128x128xf32, #tpu.memory_space<vmem>>, vector<1x16xf32>,
      %swap3A_129 = vector.shape_cast %swap3A_128 : vector<1x16xf32> to vector<16xf32>
      %swap3A_130 = vector.shape_cast %broadcast_in_dim3A_125 : vector<16xf32> to vector<1x16xf32>
      tpu.vector_store %arg9[%swap3A_126, %swap3A_127], %swap3A_130 {strides = array<i32>} : memref<128x128xf32, #tpu.memory_space<vmem>>, vector<1x16xf32>,
      %scan3A_131 = arith.constant 0 : i32
      scf.yield %scan3A_131 : i32
    }
    %scan3A_6 = arith.constant 128 : i32
    %mul3A_7 = arith.constant 640 : i32
    %mul3A_8 = arith.muli %arg1, %mul3A_7 : i32
    %add3A_9 = arith.constant 0 : i32
    %add3A_10 = arith.addi %mul3A_8, %add3A_9 : i32
    "tpu.region"() ({
      %run_scoped3A = tpu.sem_alloc : memref<!tpu.dma_semaphore, #tpu.memory_space<semaphore_mem>>
      %dma_start3A = arith.constant 0 : i32
      %dma_start3A_75 = tpu.memref_slice %arg10[%add3A_10, %dma_start3A] : memref<10240x128xf32, #tpu.memory_space<vmem_shared>> -> memref<128x128xf32, #tpu.memory_space<vmem_shared>>
      %dma_start3A_76 = arith.constant 0 : i32
      %dma_start3A_77 = tpu.memref_slice %arg10[%add3A_10, %dma_start3A_76] : memref<10240x128xf32, #tpu.memory_space<vmem_shared>> -> memref<128x128xf32, #tpu.memory_space<vmem_shared>>
      tpu.enqueue_dma source(%arg9 : memref<128x128xf32, #tpu.memory_space<vmem>>) target(%dma_start3A_77 : memref<128x128xf32, #tpu.memory_space<vmem_shared>>) target_semaphore(%run_scoped3A : memref<!tpu.dma_semaphore, #tpu.memory_space<semaphore_mem>>)
      %dma_wait3A = arith.constant 0 : i32
      %dma_wait3A_78 = tpu.memref_slice %arg10[%add3A_10, %dma_wait3A] : memref<10240x128xf32, #tpu.memory_space<vmem_shared>> -> memref<128x128xf32, #tpu.memory_space<vmem_shared>>
      %dma_wait3A_79 = arith.constant 0 : i32
      %dma_wait3A_80 = tpu.memref_slice %arg10[%add3A_10, %dma_wait3A_79] : memref<10240x128xf32, #tpu.memory_space<vmem_shared>> -> memref<128x128xf32, #tpu.memory_space<vmem_shared>>
      tpu.wait_dma2 semaphore(%run_scoped3A : memref<!tpu.dma_semaphore, #tpu.memory_space<semaphore_mem>>) src(%arg9 : memref<128x128xf32, #tpu.memory_space<vmem>>) dst(%dma_wait3A_80 : memref<128x128xf32, #tpu.memory_space<vmem_shared>>)
      tpu.yield
    }) : () -> ()
    %mul3A_11 = arith.constant 640 : i32
    %mul3A_12 = arith.muli %arg1, %mul3A_11 : i32
    %add3A_13 = arith.constant 128 : i32
    %add3A_14 = arith.addi %mul3A_12, %add3A_13 : i32
    "tpu.region"() ({
      %run_scoped3A = tpu.sem_alloc : memref<!tpu.dma_semaphore, #tpu.memory_space<semaphore_mem>>
      %dma_start3A = arith.constant 0 : i32
      %dma_start3A_75 = tpu.memref_slice %arg10[%add3A_14, %dma_start3A] : memref<10240x128xf32, #tpu.memory_space<vmem_shared>> -> memref<128x128xf32, #tpu.memory_space<vmem_shared>>
      %dma_start3A_76 = arith.constant 0 : i32
      %dma_start3A_77 = tpu.memref_slice %arg10[%add3A_14, %dma_start3A_76] : memref<10240x128xf32, #tpu.memory_space<vmem_shared>> -> memref<128x128xf32, #tpu.memory_space<vmem_shared>>
      tpu.enqueue_dma source(%arg9 : memref<128x128xf32, #tpu.memory_space<vmem>>) target(%dma_start3A_77 : memref<128x128xf32, #tpu.memory_space<vmem_shared>>) target_semaphore(%run_scoped3A : memref<!tpu.dma_semaphore, #tpu.memory_space<semaphore_mem>>)
      %dma_wait3A = arith.constant 0 : i32
      %dma_wait3A_78 = tpu.memref_slice %arg10[%add3A_14, %dma_wait3A] : memref<10240x128xf32, #tpu.memory_space<vmem_shared>> -> memref<128x128xf32, #tpu.memory_space<vmem_shared>>
      %dma_wait3A_79 = arith.constant 0 : i32
      %dma_wait3A_80 = tpu.memref_slice %arg10[%add3A_14, %dma_wait3A_79] : memref<10240x128xf32, #tpu.memory_space<vmem_shared>> -> memref<128x128xf32, #tpu.memory_space<vmem_shared>>
      tpu.wait_dma2 semaphore(%run_scoped3A : memref<!tpu.dma_semaphore, #tpu.memory_space<semaphore_mem>>) src(%arg9 : memref<128x128xf32, #tpu.memory_space<vmem>>) dst(%dma_wait3A_80 : memref<128x128xf32, #tpu.memory_space<vmem_shared>>)
      tpu.yield
    }) : () -> ()
    %mul3A_15 = arith.constant 640 : i32
    %mul3A_16 = arith.muli %arg1, %mul3A_15 : i32
    %add3A_17 = arith.constant 256 : i32
    %add3A_18 = arith.addi %mul3A_16, %add3A_17 : i32
    "tpu.region"() ({
      %run_scoped3A = tpu.sem_alloc : memref<!tpu.dma_semaphore, #tpu.memory_space<semaphore_mem>>
      %dma_start3A = arith.constant 0 : i32
      %dma_start3A_75 = tpu.memref_slice %arg10[%add3A_18, %dma_start3A] : memref<10240x128xf32, #tpu.memory_space<vmem_shared>> -> memref<128x128xf32, #tpu.memory_space<vmem_shared>>
      %dma_start3A_76 = arith.constant 0 : i32
      %dma_start3A_77 = tpu.memref_slice %arg10[%add3A_18, %dma_start3A_76] : memref<10240x128xf32, #tpu.memory_space<vmem_shared>> -> memref<128x128xf32, #tpu.memory_space<vmem_shared>>
      tpu.enqueue_dma source(%arg9 : memref<128x128xf32, #tpu.memory_space<vmem>>) target(%dma_start3A_77 : memref<128x128xf32, #tpu.memory_space<vmem_shared>>) target_semaphore(%run_scoped3A : memref<!tpu.dma_semaphore, #tpu.memory_space<semaphore_mem>>)
      %dma_wait3A = arith.constant 0 : i32
      %dma_wait3A_78 = tpu.memref_slice %arg10[%add3A_18, %dma_wait3A] : memref<10240x128xf32, #tpu.memory_space<vmem_shared>> -> memref<128x128xf32, #tpu.memory_space<vmem_shared>>
      %dma_wait3A_79 = arith.constant 0 : i32
      %dma_wait3A_80 = tpu.memref_slice %arg10[%add3A_18, %dma_wait3A_79] : memref<10240x128xf32, #tpu.memory_space<vmem_shared>> -> memref<128x128xf32, #tpu.memory_space<vmem_shared>>
      tpu.wait_dma2 semaphore(%run_scoped3A : memref<!tpu.dma_semaphore, #tpu.memory_space<semaphore_mem>>) src(%arg9 : memref<128x128xf32, #tpu.memory_space<vmem>>) dst(%dma_wait3A_80 : memref<128x128xf32, #tpu.memory_space<vmem_shared>>)
      tpu.yield
    }) : () -> ()
    %mul3A_19 = arith.constant 640 : i32
    %mul3A_20 = arith.muli %arg1, %mul3A_19 : i32
    %add3A_21 = arith.constant 384 : i32
    %add3A_22 = arith.addi %mul3A_20, %add3A_21 : i32
    "tpu.region"() ({
      %run_scoped3A = tpu.sem_alloc : memref<!tpu.dma_semaphore, #tpu.memory_space<semaphore_mem>>
      %dma_start3A = arith.constant 0 : i32
      %dma_start3A_75 = tpu.memref_slice %arg10[%add3A_22, %dma_start3A] : memref<10240x128xf32, #tpu.memory_space<vmem_shared>> -> memref<128x128xf32, #tpu.memory_space<vmem_shared>>
      %dma_start3A_76 = arith.constant 0 : i32
      %dma_start3A_77 = tpu.memref_slice %arg10[%add3A_22, %dma_start3A_76] : memref<10240x128xf32, #tpu.memory_space<vmem_shared>> -> memref<128x128xf32, #tpu.memory_space<vmem_shared>>
      tpu.enqueue_dma source(%arg9 : memref<128x128xf32, #tpu.memory_space<vmem>>) target(%dma_start3A_77 : memref<128x128xf32, #tpu.memory_space<vmem_shared>>) target_semaphore(%run_scoped3A : memref<!tpu.dma_semaphore, #tpu.memory_space<semaphore_mem>>)
      %dma_wait3A = arith.constant 0 : i32
      %dma_wait3A_78 = tpu.memref_slice %arg10[%add3A_22, %dma_wait3A] : memref<10240x128xf32, #tpu.memory_space<vmem_shared>> -> memref<128x128xf32, #tpu.memory_space<vmem_shared>>
      %dma_wait3A_79 = arith.constant 0 : i32
      %dma_wait3A_80 = tpu.memref_slice %arg10[%add3A_22, %dma_wait3A_79] : memref<10240x128xf32, #tpu.memory_space<vmem_shared>> -> memref<128x128xf32, #tpu.memory_space<vmem_shared>>
      tpu.wait_dma2 semaphore(%run_scoped3A : memref<!tpu.dma_semaphore, #tpu.memory_space<semaphore_mem>>) src(%arg9 : memref<128x128xf32, #tpu.memory_space<vmem>>) dst(%dma_wait3A_80 : memref<128x128xf32, #tpu.memory_space<vmem_shared>>)
      tpu.yield
    }) : () -> ()
    %mul3A_23 = arith.constant 640 : i32
    %mul3A_24 = arith.muli %arg1, %mul3A_23 : i32
    %add3A_25 = arith.constant 512 : i32
    %add3A_26 = arith.addi %mul3A_24, %add3A_25 : i32
    "tpu.region"() ({
      %run_scoped3A = tpu.sem_alloc : memref<!tpu.dma_semaphore, #tpu.memory_space<semaphore_mem>>
      %dma_start3A = arith.constant 0 : i32
      %dma_start3A_75 = tpu.memref_slice %arg10[%add3A_26, %dma_start3A] : memref<10240x128xf32, #tpu.memory_space<vmem_shared>> -> memref<128x128xf32, #tpu.memory_space<vmem_shared>>
      %dma_start3A_76 = arith.constant 0 : i32
      %dma_start3A_77 = tpu.memref_slice %arg10[%add3A_26, %dma_start3A_76] : memref<10240x128xf32, #tpu.memory_space<vmem_shared>> -> memref<128x128xf32, #tpu.memory_space<vmem_shared>>
      tpu.enqueue_dma source(%arg9 : memref<128x128xf32, #tpu.memory_space<vmem>>) target(%dma_start3A_77 : memref<128x128xf32, #tpu.memory_space<vmem_shared>>) target_semaphore(%run_scoped3A : memref<!tpu.dma_semaphore, #tpu.memory_space<semaphore_mem>>)
      %dma_wait3A = arith.constant 0 : i32
      %dma_wait3A_78 = tpu.memref_slice %arg10[%add3A_26, %dma_wait3A] : memref<10240x128xf32, #tpu.memory_space<vmem_shared>> -> memref<128x128xf32, #tpu.memory_space<vmem_shared>>
      %dma_wait3A_79 = arith.constant 0 : i32
      %dma_wait3A_80 = tpu.memref_slice %arg10[%add3A_26, %dma_wait3A_79] : memref<10240x128xf32, #tpu.memory_space<vmem_shared>> -> memref<128x128xf32, #tpu.memory_space<vmem_shared>>
      tpu.wait_dma2 semaphore(%run_scoped3A : memref<!tpu.dma_semaphore, #tpu.memory_space<semaphore_mem>>) src(%arg9 : memref<128x128xf32, #tpu.memory_space<vmem>>) dst(%dma_wait3A_80 : memref<128x128xf32, #tpu.memory_space<vmem_shared>>)
      tpu.yield
    }) : () -> ()
    %scan3A_27 = arith.constant 0 : i32
    %scan3A_28 = arith.constant 0 : i32
    %scan3A_29 = arith.constant 8 : i32
    %scan3A_30 = arith.addi %scan3A_28, %scan3A_29 : i32
    %scan3A_31 = arith.constant 1 : i32
    %scan3A_32 = scf.for %scan3A_75 = %scan3A_28 to %scan3A_30 step %scan3A_31 iter_args(%scan3A_76 = %scan3A_27) -> (i32)  : i32 {
      %broadcast_in_dim3A = arith.constant 1.000000e+00 : f32
      %broadcast_in_dim3A_77 = vector.broadcast %broadcast_in_dim3A : f32 to vector<16xf32>
      %mul3A_78 = arith.constant 16 : i32
      %mul3A_79 = arith.muli %scan3A_75, %mul3A_78 : i32
      %swap3A = arith.index_cast %mul3A_79 : i32 to index
      %swap3A_80 = tpu.vector_load %arg12[%swap3A] {strides = array<i32>} : memref<128xf32, #tpu.memory_space<vmem>>, vector<16xf32>,
      %swap3A_81 = vector.shape_cast %swap3A_80 : vector<16xf32> to vector<16xf32>
      %swap3A_82 = vector.shape_cast %broadcast_in_dim3A_77 : vector<16xf32> to vector<16xf32>
      tpu.vector_store %arg12[%swap3A], %swap3A_82 {strides = array<i32>} : memref<128xf32, #tpu.memory_space<vmem>>, vector<16xf32>,
      %scan3A_83 = arith.constant 0 : i32
      scf.yield %scan3A_83 : i32
    }
    %scan3A_33 = arith.constant 8 : i32
    %scan3A_34 = arith.constant 0 : i32
    %scan3A_35 = arith.constant 0 : i32
    %scan3A_36 = arith.constant 40 : i32
    %scan3A_37 = arith.addi %scan3A_35, %scan3A_36 : i32
    %scan3A_38 = arith.constant 1 : i32
    %scan3A_39 = scf.for %scan3A_75 = %scan3A_35 to %scan3A_37 step %scan3A_38 iter_args(%scan3A_76 = %scan3A_34) -> (i32)  : i32 {
      %broadcast_in_dim3A = arith.constant 0.000000e+00 : f32
      %broadcast_in_dim3A_77 = vector.broadcast %broadcast_in_dim3A : f32 to vector<16xf32>
      %mul3A_78 = arith.constant 16 : i32
      %mul3A_79 = arith.muli %scan3A_75, %mul3A_78 : i32
      %swap3A = arith.index_cast %mul3A_79 : i32 to index
      %swap3A_80 = tpu.vector_load %arg13[%swap3A] {strides = array<i32>} : memref<640xf32, #tpu.memory_space<vmem>>, vector<16xf32>,
      %swap3A_81 = vector.shape_cast %swap3A_80 : vector<16xf32> to vector<16xf32>
      %swap3A_82 = vector.shape_cast %broadcast_in_dim3A_77 : vector<16xf32> to vector<16xf32>
      tpu.vector_store %arg13[%swap3A], %swap3A_82 {strides = array<i32>} : memref<640xf32, #tpu.memory_space<vmem>>, vector<16xf32>,
      %scan3A_83 = arith.constant 0 : i32
      scf.yield %scan3A_83 : i32
    }
    %scan3A_40 = arith.constant 40 : i32
    %mul3A_41 = arith.constant 640 : i32
    %mul3A_42 = arith.muli %arg1, %mul3A_41 : i32
    "tpu.region"() ({
      %run_scoped3A = tpu.sem_alloc : memref<!tpu.dma_semaphore, #tpu.memory_space<semaphore_mem>>
      %dma_start3A = tpu.memref_slice %arg14[%mul3A_42] : memref<10240xf32, #tpu.memory_space<vmem_shared>> -> memref<640xf32, #tpu.memory_space<vmem_shared>>
      %dma_start3A_75 = tpu.memref_slice %arg14[%mul3A_42] : memref<10240xf32, #tpu.memory_space<vmem_shared>> -> memref<640xf32, #tpu.memory_space<vmem_shared>>
      tpu.enqueue_dma source(%arg13 : memref<640xf32, #tpu.memory_space<vmem>>) target(%dma_start3A_75 : memref<640xf32, #tpu.memory_space<vmem_shared>>) target_semaphore(%run_scoped3A : memref<!tpu.dma_semaphore, #tpu.memory_space<semaphore_mem>>)
      %dma_wait3A = tpu.memref_slice %arg14[%mul3A_42] : memref<10240xf32, #tpu.memory_space<vmem_shared>> -> memref<640xf32, #tpu.memory_space<vmem_shared>>
      %dma_wait3A_76 = tpu.memref_slice %arg14[%mul3A_42] : memref<10240xf32, #tpu.memory_space<vmem_shared>> -> memref<640xf32, #tpu.memory_space<vmem_shared>>
      tpu.wait_dma2 semaphore(%run_scoped3A : memref<!tpu.dma_semaphore, #tpu.memory_space<semaphore_mem>>) src(%arg13 : memref<640xf32, #tpu.memory_space<vmem>>) dst(%dma_wait3A_76 : memref<640xf32, #tpu.memory_space<vmem_shared>>)
      tpu.yield
    }) : () -> ()
    %barrier3A = arith.constant 0 : index
    tpu.barrier barrier_id(%barrier3A)
    %scan3A_43 = arith.constant 0 : i32
    %scan3A_44 = arith.constant 0 : i32
    %scan3A_45 = arith.constant 79 : i32
    %scan3A_46 = arith.addi %scan3A_44, %scan3A_45 : i32
    %scan3A_47 = arith.constant 1 : i32
    %scan3A_48 = scf.for %scan3A_75 = %scan3A_44 to %scan3A_46 step %scan3A_47 iter_args(%scan3A_76 = %scan3A_43) -> (i32)  : i32 {
      %dma_start3A = arith.constant 0 : i32
      %dma_start3A_77 = tpu.memref_slice %arg7[%scan3A_75, %dma_start3A] : memref<79x128xi32, #tpu.memory_space<vmem>> -> memref<1x128xi32, #tpu.memory_space<vmem>>
      %dma_start3A_78 = tpu.memref_squeeze %dma_start3A_77 : memref<1x128xi32, #tpu.memory_space<vmem>> -> memref<128xi32, #tpu.memory_space<vmem>>
      %dma_start3A_79 = arith.constant 0 : i32
      %dma_start3A_80 = arith.constant 0 : i32
      %dma_start3A_81 = tpu.memref_slice %arg2[%dma_start3A_79, %dma_start3A_80] : memref<10000x128xf32, #tpu.memory_space<hbm>> -> memref<10000x128xf32, #tpu.memory_space<hbm>>
      tpu.enqueue_indirect_dma source(%dma_start3A_81 : memref<10000x128xf32, #tpu.memory_space<hbm>>) target(%arg9 : memref<128x128xf32, #tpu.memory_space<vmem>>) offsets(%dma_start3A_78 : memref<128xi32, #tpu.memory_space<vmem>>) semaphore(%arg11 : memref<!tpu.dma_semaphore, #tpu.memory_space<semaphore_mem>>)
      %dma_wait3A = arith.constant 0 : i32
      %dma_wait3A_82 = tpu.memref_slice %arg7[%scan3A_75, %dma_wait3A] : memref<79x128xi32, #tpu.memory_space<vmem>> -> memref<1x128xi32, #tpu.memory_space<vmem>>
      %dma_wait3A_83 = tpu.memref_squeeze %dma_wait3A_82 : memref<1x128xi32, #tpu.memory_space<vmem>> -> memref<128xi32, #tpu.memory_space<vmem>>
      %dma_wait3A_84 = arith.constant 0 : i32
      %dma_wait3A_85 = arith.constant 0 : i32
      %dma_wait3A_86 = tpu.memref_slice %arg2[%dma_wait3A_84, %dma_wait3A_85] : memref<10000x128xf32, #tpu.memory_space<hbm>> -> memref<10000x128xf32, #tpu.memory_space<hbm>>
      tpu.wait_indirect_dma semaphore(%arg11 : memref<!tpu.dma_semaphore, #tpu.memory_space<semaphore_mem>>) src(%dma_wait3A_86 : memref<10000x128xf32, #tpu.memory_space<hbm>>) dst(%arg9 : memref<128x128xf32, #tpu.memory_space<vmem>>)
      "tpu.region"() ({
        %run_scoped3A = tpu.sem_alloc : memref<!tpu.dma_semaphore, #tpu.memory_space<semaphore_mem>>
        %dma_start3A_88 = arith.constant 0 : i32
        %dma_start3A_89 = tpu.memref_slice %arg8[%scan3A_75, %dma_start3A_88] : memref<79x128xi32, #tpu.memory_space<vmem>> -> memref<1x128xi32, #tpu.memory_space<vmem>>
        %dma_start3A_90 = tpu.memref_squeeze %dma_start3A_89 : memref<1x128xi32, #tpu.memory_space<vmem>> -> memref<128xi32, #tpu.memory_space<vmem>>
        %dma_start3A_91 = arith.constant 0 : i32
        %dma_start3A_92 = arith.constant 0 : i32
        %dma_start3A_93 = tpu.memref_slice %arg10[%dma_start3A_91, %dma_start3A_92] : memref<10240x128xf32, #tpu.memory_space<vmem_shared>> -> memref<10240x128xf32, #tpu.memory_space<vmem_shared>>
        tpu.enqueue_indirect_dma source(%arg9 : memref<128x128xf32, #tpu.memory_space<vmem>>) target(%dma_start3A_93 : memref<10240x128xf32, #tpu.memory_space<vmem_shared>>) offsets(%dma_start3A_90 : memref<128xi32, #tpu.memory_space<vmem>>) semaphore(%run_scoped3A : memref<!tpu.dma_semaphore, #tpu.memory_space<semaphore_mem>>) {add = true}
        %dma_wait3A_94 = arith.constant 0 : i32
        %dma_wait3A_95 = tpu.memref_slice %arg8[%scan3A_75, %dma_wait3A_94] : memref<79x128xi32, #tpu.memory_space<vmem>> -> memref<1x128xi32, #tpu.memory_space<vmem>>
        %dma_wait3A_96 = tpu.memref_squeeze %dma_wait3A_95 : memref<1x128xi32, #tpu.memory_space<vmem>> -> memref<128xi32, #tpu.memory_space<vmem>>
        %dma_wait3A_97 = arith.constant 0 : i32
        %dma_wait3A_98 = arith.constant 0 : i32
        %dma_wait3A_99 = tpu.memref_slice %arg10[%dma_wait3A_97, %dma_wait3A_98] : memref<10240x128xf32, #tpu.memory_space<vmem_shared>> -> memref<10240x128xf32, #tpu.memory_space<vmem_shared>>
        tpu.wait_indirect_dma semaphore(%run_scoped3A : memref<!tpu.dma_semaphore, #tpu.memory_space<semaphore_mem>>) src(%arg9 : memref<128x128xf32, #tpu.memory_space<vmem>>) dst(%dma_wait3A_99 : memref<10240x128xf32, #tpu.memory_space<vmem_shared>>)
        tpu.yield
      }) : () -> ()
      "tpu.region"() ({
        %run_scoped3A = tpu.sem_alloc : memref<!tpu.dma_semaphore, #tpu.memory_space<semaphore_mem>>
        %dma_start3A_88 = arith.constant 0 : i32
        %dma_start3A_89 = tpu.memref_slice %arg8[%scan3A_75, %dma_start3A_88] : memref<79x128xi32, #tpu.memory_space<vmem>> -> memref<1x128xi32, #tpu.memory_space<vmem>>
        %dma_start3A_90 = tpu.memref_squeeze %dma_start3A_89 : memref<1x128xi32, #tpu.memory_space<vmem>> -> memref<128xi32, #tpu.memory_space<vmem>>
        %dma_start3A_91 = arith.constant 0 : i32
        %dma_start3A_92 = tpu.memref_slice %arg14[%dma_start3A_91] : memref<10240xf32, #tpu.memory_space<vmem_shared>> -> memref<10240xf32, #tpu.memory_space<vmem_shared>>
        tpu.enqueue_indirect_dma source(%arg12 : memref<128xf32, #tpu.memory_space<vmem>>) target(%dma_start3A_92 : memref<10240xf32, #tpu.memory_space<vmem_shared>>) offsets(%dma_start3A_90 : memref<128xi32, #tpu.memory_space<vmem>>) semaphore(%run_scoped3A : memref<!tpu.dma_semaphore, #tpu.memory_space<semaphore_mem>>) {add = true}
        %dma_wait3A_93 = arith.constant 0 : i32
        %dma_wait3A_94 = tpu.memref_slice %arg8[%scan3A_75, %dma_wait3A_93] : memref<79x128xi32, #tpu.memory_space<vmem>> -> memref<1x128xi32, #tpu.memory_space<vmem>>
        %dma_wait3A_95 = tpu.memref_squeeze %dma_wait3A_94 : memref<1x128xi32, #tpu.memory_space<vmem>> -> memref<128xi32, #tpu.memory_space<vmem>>
        %dma_wait3A_96 = arith.constant 0 : i32
        %dma_wait3A_97 = tpu.memref_slice %arg14[%dma_wait3A_96] : memref<10240xf32, #tpu.memory_space<vmem_shared>> -> memref<10240xf32, #tpu.memory_space<vmem_shared>>
        tpu.wait_indirect_dma semaphore(%run_scoped3A : memref<!tpu.dma_semaphore, #tpu.memory_space<semaphore_mem>>) src(%arg12 : memref<128xf32, #tpu.memory_space<vmem>>) dst(%dma_wait3A_97 : memref<10240xf32, #tpu.memory_space<vmem_shared>>)
        tpu.yield
      }) : () -> ()
      %scan3A_87 = arith.constant 0 : i32
      scf.yield %scan3A_87 : i32
    }
    %scan3A_49 = arith.constant 79 : i32
    %barrier3A_50 = arith.constant 0 : index
    tpu.barrier barrier_id(%barrier3A_50)
    %mul3A_51 = arith.constant 640 : i32
    %mul3A_52 = arith.muli %arg1, %mul3A_51 : i32
    %add3A_53 = arith.constant 0 : i32
    %add3A_54 = arith.addi %mul3A_52, %add3A_53 : i32
    "tpu.region"() ({
      %run_scoped3A = tpu.sem_alloc : memref<!tpu.dma_semaphore, #tpu.memory_space<semaphore_mem>>
      %dma_start3A = arith.constant 0 : i32
      %dma_start3A_75 = tpu.memref_slice %arg5[%arg0, %add3A_54, %dma_start3A] : memref<2x10240x128xf32, #tpu.memory_space<hbm>> -> memref<1x128x128xf32, #tpu.memory_space<hbm>>
      %dma_start3A_76 = tpu.memref_squeeze %dma_start3A_75 : memref<1x128x128xf32, #tpu.memory_space<hbm>> -> memref<128x128xf32, #tpu.memory_space<hbm>>
      %dma_start3A_77 = arith.constant 0 : i32
      %dma_start3A_78 = tpu.memref_slice %arg10[%add3A_54, %dma_start3A_77] : memref<10240x128xf32, #tpu.memory_space<vmem_shared>> -> memref<128x128xf32, #tpu.memory_space<vmem_shared>>
      tpu.enqueue_dma source(%dma_start3A_78 : memref<128x128xf32, #tpu.memory_space<vmem_shared>>) target(%dma_start3A_76 : memref<128x128xf32, #tpu.memory_space<hbm>>) target_semaphore(%run_scoped3A : memref<!tpu.dma_semaphore, #tpu.memory_space<semaphore_mem>>)
      %dma_wait3A = arith.constant 0 : i32
      %dma_wait3A_79 = tpu.memref_slice %arg5[%arg0, %add3A_54, %dma_wait3A] : memref<2x10240x128xf32, #tpu.memory_space<hbm>> -> memref<1x128x128xf32, #tpu.memory_space<hbm>>
      %dma_wait3A_80 = tpu.memref_squeeze %dma_wait3A_79 : memref<1x128x128xf32, #tpu.memory_space<hbm>> -> memref<128x128xf32, #tpu.memory_space<hbm>>
      %dma_wait3A_81 = arith.constant 0 : i32
      %dma_wait3A_82 = tpu.memref_slice %arg10[%add3A_54, %dma_wait3A_81] : memref<10240x128xf32, #tpu.memory_space<vmem_shared>> -> memref<128x128xf32, #tpu.memory_space<vmem_shared>>
      tpu.wait_dma2 semaphore(%run_scoped3A : memref<!tpu.dma_semaphore, #tpu.memory_space<semaphore_mem>>) src(%dma_wait3A_82 : memref<128x128xf32, #tpu.memory_space<vmem_shared>>) dst(%dma_wait3A_80 : memref<128x128xf32, #tpu.memory_space<hbm>>)
      tpu.yield
    }) : () -> ()
    %mul3A_55 = arith.constant 640 : i32
    %mul3A_56 = arith.muli %arg1, %mul3A_55 : i32
    %add3A_57 = arith.constant 128 : i32
    %add3A_58 = arith.addi %mul3A_56, %add3A_57 : i32
    "tpu.region"() ({
      %run_scoped3A = tpu.sem_alloc : memref<!tpu.dma_semaphore, #tpu.memory_space<semaphore_mem>>
      %dma_start3A = arith.constant 0 : i32
      %dma_start3A_75 = tpu.memref_slice %arg5[%arg0, %add3A_58, %dma_start3A] : memref<2x10240x128xf32, #tpu.memory_space<hbm>> -> memref<1x128x128xf32, #tpu.memory_space<hbm>>
      %dma_start3A_76 = tpu.memref_squeeze %dma_start3A_75 : memref<1x128x128xf32, #tpu.memory_space<hbm>> -> memref<128x128xf32, #tpu.memory_space<hbm>>
      %dma_start3A_77 = arith.constant 0 : i32
      %dma_start3A_78 = tpu.memref_slice %arg10[%add3A_58, %dma_start3A_77] : memref<10240x128xf32, #tpu.memory_space<vmem_shared>> -> memref<128x128xf32, #tpu.memory_space<vmem_shared>>
      tpu.enqueue_dma source(%dma_start3A_78 : memref<128x128xf32, #tpu.memory_space<vmem_shared>>) target(%dma_start3A_76 : memref<128x128xf32, #tpu.memory_space<hbm>>) target_semaphore(%run_scoped3A : memref<!tpu.dma_semaphore, #tpu.memory_space<semaphore_mem>>)
      %dma_wait3A = arith.constant 0 : i32
      %dma_wait3A_79 = tpu.memref_slice %arg5[%arg0, %add3A_58, %dma_wait3A] : memref<2x10240x128xf32, #tpu.memory_space<hbm>> -> memref<1x128x128xf32, #tpu.memory_space<hbm>>
      %dma_wait3A_80 = tpu.memref_squeeze %dma_wait3A_79 : memref<1x128x128xf32, #tpu.memory_space<hbm>> -> memref<128x128xf32, #tpu.memory_space<hbm>>
      %dma_wait3A_81 = arith.constant 0 : i32
      %dma_wait3A_82 = tpu.memref_slice %arg10[%add3A_58, %dma_wait3A_81] : memref<10240x128xf32, #tpu.memory_space<vmem_shared>> -> memref<128x128xf32, #tpu.memory_space<vmem_shared>>
      tpu.wait_dma2 semaphore(%run_scoped3A : memref<!tpu.dma_semaphore, #tpu.memory_space<semaphore_mem>>) src(%dma_wait3A_82 : memref<128x128xf32, #tpu.memory_space<vmem_shared>>) dst(%dma_wait3A_80 : memref<128x128xf32, #tpu.memory_space<hbm>>)
      tpu.yield
    }) : () -> ()
    %mul3A_59 = arith.constant 640 : i32
    %mul3A_60 = arith.muli %arg1, %mul3A_59 : i32
    %add3A_61 = arith.constant 256 : i32
    %add3A_62 = arith.addi %mul3A_60, %add3A_61 : i32
    "tpu.region"() ({
      %run_scoped3A = tpu.sem_alloc : memref<!tpu.dma_semaphore, #tpu.memory_space<semaphore_mem>>
      %dma_start3A = arith.constant 0 : i32
      %dma_start3A_75 = tpu.memref_slice %arg5[%arg0, %add3A_62, %dma_start3A] : memref<2x10240x128xf32, #tpu.memory_space<hbm>> -> memref<1x128x128xf32, #tpu.memory_space<hbm>>
      %dma_start3A_76 = tpu.memref_squeeze %dma_start3A_75 : memref<1x128x128xf32, #tpu.memory_space<hbm>> -> memref<128x128xf32, #tpu.memory_space<hbm>>
      %dma_start3A_77 = arith.constant 0 : i32
      %dma_start3A_78 = tpu.memref_slice %arg10[%add3A_62, %dma_start3A_77] : memref<10240x128xf32, #tpu.memory_space<vmem_shared>> -> memref<128x128xf32, #tpu.memory_space<vmem_shared>>
      tpu.enqueue_dma source(%dma_start3A_78 : memref<128x128xf32, #tpu.memory_space<vmem_shared>>) target(%dma_start3A_76 : memref<128x128xf32, #tpu.memory_space<hbm>>) target_semaphore(%run_scoped3A : memref<!tpu.dma_semaphore, #tpu.memory_space<semaphore_mem>>)
      %dma_wait3A = arith.constant 0 : i32
      %dma_wait3A_79 = tpu.memref_slice %arg5[%arg0, %add3A_62, %dma_wait3A] : memref<2x10240x128xf32, #tpu.memory_space<hbm>> -> memref<1x128x128xf32, #tpu.memory_space<hbm>>
      %dma_wait3A_80 = tpu.memref_squeeze %dma_wait3A_79 : memref<1x128x128xf32, #tpu.memory_space<hbm>> -> memref<128x128xf32, #tpu.memory_space<hbm>>
      %dma_wait3A_81 = arith.constant 0 : i32
      %dma_wait3A_82 = tpu.memref_slice %arg10[%add3A_62, %dma_wait3A_81] : memref<10240x128xf32, #tpu.memory_space<vmem_shared>> -> memref<128x128xf32, #tpu.memory_space<vmem_shared>>
      tpu.wait_dma2 semaphore(%run_scoped3A : memref<!tpu.dma_semaphore, #tpu.memory_space<semaphore_mem>>) src(%dma_wait3A_82 : memref<128x128xf32, #tpu.memory_space<vmem_shared>>) dst(%dma_wait3A_80 : memref<128x128xf32, #tpu.memory_space<hbm>>)
      tpu.yield
    }) : () -> ()
    %mul3A_63 = arith.constant 640 : i32
    %mul3A_64 = arith.muli %arg1, %mul3A_63 : i32
    %add3A_65 = arith.constant 384 : i32
    %add3A_66 = arith.addi %mul3A_64, %add3A_65 : i32
    "tpu.region"() ({
      %run_scoped3A = tpu.sem_alloc : memref<!tpu.dma_semaphore, #tpu.memory_space<semaphore_mem>>
      %dma_start3A = arith.constant 0 : i32
      %dma_start3A_75 = tpu.memref_slice %arg5[%arg0, %add3A_66, %dma_start3A] : memref<2x10240x128xf32, #tpu.memory_space<hbm>> -> memref<1x128x128xf32, #tpu.memory_space<hbm>>
      %dma_start3A_76 = tpu.memref_squeeze %dma_start3A_75 : memref<1x128x128xf32, #tpu.memory_space<hbm>> -> memref<128x128xf32, #tpu.memory_space<hbm>>
      %dma_start3A_77 = arith.constant 0 : i32
      %dma_start3A_78 = tpu.memref_slice %arg10[%add3A_66, %dma_start3A_77] : memref<10240x128xf32, #tpu.memory_space<vmem_shared>> -> memref<128x128xf32, #tpu.memory_space<vmem_shared>>
      tpu.enqueue_dma source(%dma_start3A_78 : memref<128x128xf32, #tpu.memory_space<vmem_shared>>) target(%dma_start3A_76 : memref<128x128xf32, #tpu.memory_space<hbm>>) target_semaphore(%run_scoped3A : memref<!tpu.dma_semaphore, #tpu.memory_space<semaphore_mem>>)
      %dma_wait3A = arith.constant 0 : i32
      %dma_wait3A_79 = tpu.memref_slice %arg5[%arg0, %add3A_66, %dma_wait3A] : memref<2x10240x128xf32, #tpu.memory_space<hbm>> -> memref<1x128x128xf32, #tpu.memory_space<hbm>>
      %dma_wait3A_80 = tpu.memref_squeeze %dma_wait3A_79 : memref<1x128x128xf32, #tpu.memory_space<hbm>> -> memref<128x128xf32, #tpu.memory_space<hbm>>
      %dma_wait3A_81 = arith.constant 0 : i32
      %dma_wait3A_82 = tpu.memref_slice %arg10[%add3A_66, %dma_wait3A_81] : memref<10240x128xf32, #tpu.memory_space<vmem_shared>> -> memref<128x128xf32, #tpu.memory_space<vmem_shared>>
      tpu.wait_dma2 semaphore(%run_scoped3A : memref<!tpu.dma_semaphore, #tpu.memory_space<semaphore_mem>>) src(%dma_wait3A_82 : memref<128x128xf32, #tpu.memory_space<vmem_shared>>) dst(%dma_wait3A_80 : memref<128x128xf32, #tpu.memory_space<hbm>>)
      tpu.yield
    }) : () -> ()
    %mul3A_67 = arith.constant 640 : i32
    %mul3A_68 = arith.muli %arg1, %mul3A_67 : i32
    %add3A_69 = arith.constant 512 : i32
    %add3A_70 = arith.addi %mul3A_68, %add3A_69 : i32
    "tpu.region"() ({
      %run_scoped3A = tpu.sem_alloc : memref<!tpu.dma_semaphore, #tpu.memory_space<semaphore_mem>>
      %dma_start3A = arith.constant 0 : i32
      %dma_start3A_75 = tpu.memref_slice %arg5[%arg0, %add3A_70, %dma_start3A] : memref<2x10240x128xf32, #tpu.memory_space<hbm>> -> memref<1x128x128xf32, #tpu.memory_space<hbm>>
      %dma_start3A_76 = tpu.memref_squeeze %dma_start3A_75 : memref<1x128x128xf32, #tpu.memory_space<hbm>> -> memref<128x128xf32, #tpu.memory_space<hbm>>
      %dma_start3A_77 = arith.constant 0 : i32
      %dma_start3A_78 = tpu.memref_slice %arg10[%add3A_70, %dma_start3A_77] : memref<10240x128xf32, #tpu.memory_space<vmem_shared>> -> memref<128x128xf32, #tpu.memory_space<vmem_shared>>
      tpu.enqueue_dma source(%dma_start3A_78 : memref<128x128xf32, #tpu.memory_space<vmem_shared>>) target(%dma_start3A_76 : memref<128x128xf32, #tpu.memory_space<hbm>>) target_semaphore(%run_scoped3A : memref<!tpu.dma_semaphore, #tpu.memory_space<semaphore_mem>>)
      %dma_wait3A = arith.constant 0 : i32
      %dma_wait3A_79 = tpu.memref_slice %arg5[%arg0, %add3A_70, %dma_wait3A] : memref<2x10240x128xf32, #tpu.memory_space<hbm>> -> memref<1x128x128xf32, #tpu.memory_space<hbm>>
      %dma_wait3A_80 = tpu.memref_squeeze %dma_wait3A_79 : memref<1x128x128xf32, #tpu.memory_space<hbm>> -> memref<128x128xf32, #tpu.memory_space<hbm>>
      %dma_wait3A_81 = arith.constant 0 : i32
      %dma_wait3A_82 = tpu.memref_slice %arg10[%add3A_70, %dma_wait3A_81] : memref<10240x128xf32, #tpu.memory_space<vmem_shared>> -> memref<128x128xf32, #tpu.memory_space<vmem_shared>>
      tpu.wait_dma2 semaphore(%run_scoped3A : memref<!tpu.dma_semaphore, #tpu.memory_space<semaphore_mem>>) src(%dma_wait3A_82 : memref<128x128xf32, #tpu.memory_space<vmem_shared>>) dst(%dma_wait3A_80 : memref<128x128xf32, #tpu.memory_space<hbm>>)
      tpu.yield
    }) : () -> ()
    %mul3A_71 = arith.constant 640 : i32
    %mul3A_72 = arith.muli %arg1, %mul3A_71 : i32
    %mul3A_73 = arith.constant 640 : i32
    %mul3A_74 = arith.muli %arg1, %mul3A_73 : i32
    "tpu.region"() ({
      %run_scoped3A = tpu.sem_alloc : memref<!tpu.dma_semaphore, #tpu.memory_space<semaphore_mem>>
      %dma_start3A = tpu.memref_slice %arg6[%arg0, %mul3A_74] : memref<2x10240xf32, #tpu.memory_space<hbm>> -> memref<1x640xf32, #tpu.memory_space<hbm>>
      %dma_start3A_75 = tpu.memref_squeeze %dma_start3A : memref<1x640xf32, #tpu.memory_space<hbm>> -> memref<640xf32, #tpu.memory_space<hbm>>
      %dma_start3A_76 = tpu.memref_slice %arg14[%mul3A_72] : memref<10240xf32, #tpu.memory_space<vmem_shared>> -> memref<640xf32, #tpu.memory_space<vmem_shared>>
      tpu.enqueue_dma source(%dma_start3A_76 : memref<640xf32, #tpu.memory_space<vmem_shared>>) target(%dma_start3A_75 : memref<640xf32, #tpu.memory_space<hbm>>) target_semaphore(%run_scoped3A : memref<!tpu.dma_semaphore, #tpu.memory_space<semaphore_mem>>)
      %dma_wait3A = tpu.memref_slice %arg6[%arg0, %mul3A_74] : memref<2x10240xf32, #tpu.memory_space<hbm>> -> memref<1x640xf32, #tpu.memory_space<hbm>>
      %dma_wait3A_77 = tpu.memref_squeeze %dma_wait3A : memref<1x640xf32, #tpu.memory_space<hbm>> -> memref<640xf32, #tpu.memory_space<hbm>>
      %dma_wait3A_78 = tpu.memref_slice %arg14[%mul3A_72] : memref<10240xf32, #tpu.memory_space<vmem_shared>> -> memref<640xf32, #tpu.memory_space<vmem_shared>>
      tpu.wait_dma2 semaphore(%run_scoped3A : memref<!tpu.dma_semaphore, #tpu.memory_space<semaphore_mem>>) src(%dma_wait3A_78 : memref<640xf32, #tpu.memory_space<vmem_shared>>) dst(%dma_wait3A_77 : memref<640xf32, #tpu.memory_space<hbm>>)
      tpu.yield
    }) : () -> ()
    return
  }
}

#map = affine_map<(d0, d1) -> (0, 0)>
#map1 = affine_map<(d0, d1) -> (0, 0, 0)>
module attributes {stable_mosaic.version = 14 : i64} {
  func.func @body(%arg0: i32, %arg1: i32, %arg2: memref<10000x128xf32, #tpu.memory_space<hbm>>, %arg3: memref<32x79x128xi32, #tpu.memory_space<hbm>>, %arg4: memref<32x79x128xi32, #tpu.memory_space<hbm>>, %arg5: memref<2x10240x128xf32, #tpu.memory_space<hbm>>, %arg6: memref<79x128xi32, #tpu.memory_space<vmem>>, %arg7: memref<79x128xi32, #tpu.memory_space<vmem>>, %arg8: memref<128x128xf32, #tpu.memory_space<vmem>>, %arg9: memref<10240x128xf32, #tpu.memory_space<vmem_shared>>, %arg10: memref<!tpu.dma_semaphore, #tpu.memory_space<semaphore_mem>>) attributes {dimension_semantics = [#tpu.dimension_semantics<core_parallel>, #tpu.dimension_semantics<subcore_parallel>], iteration_bounds = array<i64: 2, 16>, scalar_prefetch = 0 : i64, scratch_operands = 5 : i64, tpu.core_type = #tpu.core_type<sc_vector_subcore>, window_params = [{transform_indices = #map}, {transform_indices = #map1}, {transform_indices = #map1}, {transform_indices = #map1}]} {
    %mul3A = arith.constant 2 : i32
    %mul3A_0 = arith.muli %arg1, %mul3A : i32
    %add3A = arith.addi %mul3A_0, %arg0 : i32
    "tpu.region"() ({
      %run_scoped3A = tpu.sem_alloc : memref<!tpu.dma_semaphore, #tpu.memory_space<semaphore_mem>>
      %dma_start3A = arith.constant 0 : i32
      %dma_start3A_55 = arith.constant 0 : i32
      %dma_start3A_56 = tpu.memref_slice %arg3[%add3A, %dma_start3A, %dma_start3A_55] : memref<32x79x128xi32, #tpu.memory_space<hbm>> -> memref<1x79x128xi32, #tpu.memory_space<hbm>>
      %dma_start3A_57 = tpu.memref_squeeze %dma_start3A_56 : memref<1x79x128xi32, #tpu.memory_space<hbm>> -> memref<79x128xi32, #tpu.memory_space<hbm>>
      %dma_start3A_58 = arith.constant 0 : i32
      %dma_start3A_59 = arith.constant 0 : i32
      %dma_start3A_60 = tpu.memref_slice %arg3[%add3A, %dma_start3A_58, %dma_start3A_59] : memref<32x79x128xi32, #tpu.memory_space<hbm>> -> memref<1x79x128xi32, #tpu.memory_space<hbm>>
      %dma_start3A_61 = tpu.memref_squeeze %dma_start3A_60 : memref<1x79x128xi32, #tpu.memory_space<hbm>> -> memref<79x128xi32, #tpu.memory_space<hbm>>
      tpu.enqueue_dma source(%dma_start3A_61 : memref<79x128xi32, #tpu.memory_space<hbm>>) target(%arg6 : memref<79x128xi32, #tpu.memory_space<vmem>>) target_semaphore(%run_scoped3A : memref<!tpu.dma_semaphore, #tpu.memory_space<semaphore_mem>>)
      %dma_wait3A = arith.constant 0 : i32
      %dma_wait3A_62 = arith.constant 0 : i32
      %dma_wait3A_63 = tpu.memref_slice %arg3[%add3A, %dma_wait3A, %dma_wait3A_62] : memref<32x79x128xi32, #tpu.memory_space<hbm>> -> memref<1x79x128xi32, #tpu.memory_space<hbm>>
      %dma_wait3A_64 = tpu.memref_squeeze %dma_wait3A_63 : memref<1x79x128xi32, #tpu.memory_space<hbm>> -> memref<79x128xi32, #tpu.memory_space<hbm>>
      %dma_wait3A_65 = arith.constant 0 : i32
      %dma_wait3A_66 = arith.constant 0 : i32
      %dma_wait3A_67 = tpu.memref_slice %arg3[%add3A, %dma_wait3A_65, %dma_wait3A_66] : memref<32x79x128xi32, #tpu.memory_space<hbm>> -> memref<1x79x128xi32, #tpu.memory_space<hbm>>
      %dma_wait3A_68 = tpu.memref_squeeze %dma_wait3A_67 : memref<1x79x128xi32, #tpu.memory_space<hbm>> -> memref<79x128xi32, #tpu.memory_space<hbm>>
      tpu.wait_dma2 semaphore(%run_scoped3A : memref<!tpu.dma_semaphore, #tpu.memory_space<semaphore_mem>>) src(%dma_wait3A_68 : memref<79x128xi32, #tpu.memory_space<hbm>>) dst(%arg6 : memref<79x128xi32, #tpu.memory_space<vmem>>)
      tpu.yield
    }) : () -> ()
    "tpu.region"() ({
      %run_scoped3A = tpu.sem_alloc : memref<!tpu.dma_semaphore, #tpu.memory_space<semaphore_mem>>
      %dma_start3A = arith.constant 0 : i32
      %dma_start3A_55 = arith.constant 0 : i32
      %dma_start3A_56 = tpu.memref_slice %arg4[%add3A, %dma_start3A, %dma_start3A_55] : memref<32x79x128xi32, #tpu.memory_space<hbm>> -> memref<1x79x128xi32, #tpu.memory_space<hbm>>
      %dma_start3A_57 = tpu.memref_squeeze %dma_start3A_56 : memref<1x79x128xi32, #tpu.memory_space<hbm>> -> memref<79x128xi32, #tpu.memory_space<hbm>>
      %dma_start3A_58 = arith.constant 0 : i32
      %dma_start3A_59 = arith.constant 0 : i32
      %dma_start3A_60 = tpu.memref_slice %arg4[%add3A, %dma_start3A_58, %dma_start3A_59] : memref<32x79x128xi32, #tpu.memory_space<hbm>> -> memref<1x79x128xi32, #tpu.memory_space<hbm>>
      %dma_start3A_61 = tpu.memref_squeeze %dma_start3A_60 : memref<1x79x128xi32, #tpu.memory_space<hbm>> -> memref<79x128xi32, #tpu.memory_space<hbm>>
      tpu.enqueue_dma source(%dma_start3A_61 : memref<79x128xi32, #tpu.memory_space<hbm>>) target(%arg7 : memref<79x128xi32, #tpu.memory_space<vmem>>) target_semaphore(%run_scoped3A : memref<!tpu.dma_semaphore, #tpu.memory_space<semaphore_mem>>)
      %dma_wait3A = arith.constant 0 : i32
      %dma_wait3A_62 = arith.constant 0 : i32
      %dma_wait3A_63 = tpu.memref_slice %arg4[%add3A, %dma_wait3A, %dma_wait3A_62] : memref<32x79x128xi32, #tpu.memory_space<hbm>> -> memref<1x79x128xi32, #tpu.memory_space<hbm>>
      %dma_wait3A_64 = tpu.memref_squeeze %dma_wait3A_63 : memref<1x79x128xi32, #tpu.memory_space<hbm>> -> memref<79x128xi32, #tpu.memory_space<hbm>>
      %dma_wait3A_65 = arith.constant 0 : i32
      %dma_wait3A_66 = arith.constant 0 : i32
      %dma_wait3A_67 = tpu.memref_slice %arg4[%add3A, %dma_wait3A_65, %dma_wait3A_66] : memref<32x79x128xi32, #tpu.memory_space<hbm>> -> memref<1x79x128xi32, #tpu.memory_space<hbm>>
      %dma_wait3A_68 = tpu.memref_squeeze %dma_wait3A_67 : memref<1x79x128xi32, #tpu.memory_space<hbm>> -> memref<79x128xi32, #tpu.memory_space<hbm>>
      tpu.wait_dma2 semaphore(%run_scoped3A : memref<!tpu.dma_semaphore, #tpu.memory_space<semaphore_mem>>) src(%dma_wait3A_68 : memref<79x128xi32, #tpu.memory_space<hbm>>) dst(%arg7 : memref<79x128xi32, #tpu.memory_space<vmem>>)
      tpu.yield
    }) : () -> ()
    %scan3A = arith.constant 0 : i32
    %scan3A_1 = arith.constant 0 : i32
    %scan3A_2 = arith.constant 128 : i32
    %scan3A_3 = arith.addi %scan3A_1, %scan3A_2 : i32
    %scan3A_4 = arith.constant 1 : i32
    %scan3A_5 = scf.for %scan3A_55 = %scan3A_1 to %scan3A_3 step %scan3A_4 iter_args(%scan3A_56 = %scan3A) -> (i32)  : i32 {
      %broadcast_in_dim3A = arith.constant 0.000000e+00 : f32
      %broadcast_in_dim3A_57 = vector.broadcast %broadcast_in_dim3A : f32 to vector<16xf32>
      %swap3A = arith.index_cast %scan3A_55 : i32 to index
      %swap3A_58 = arith.constant 0 : index
      %swap3A_59 = tpu.vector_load %arg8[%swap3A, %swap3A_58] {strides = array<i32>} : memref<128x128xf32, #tpu.memory_space<vmem>>, vector<1x16xf32>,
      %swap3A_60 = vector.shape_cast %swap3A_59 : vector<1x16xf32> to vector<16xf32>
      %swap3A_61 = vector.shape_cast %broadcast_in_dim3A_57 : vector<16xf32> to vector<1x16xf32>
      tpu.vector_store %arg8[%swap3A, %swap3A_58], %swap3A_61 {strides = array<i32>} : memref<128x128xf32, #tpu.memory_space<vmem>>, vector<1x16xf32>,
      %broadcast_in_dim3A_62 = arith.constant 0.000000e+00 : f32
      %broadcast_in_dim3A_63 = vector.broadcast %broadcast_in_dim3A_62 : f32 to vector<16xf32>
      %swap3A_64 = arith.index_cast %scan3A_55 : i32 to index
      %swap3A_65 = arith.constant 16 : index
      %swap3A_66 = tpu.vector_load %arg8[%swap3A_64, %swap3A_65] {strides = array<i32>} : memref<128x128xf32, #tpu.memory_space<vmem>>, vector<1x16xf32>,
      %swap3A_67 = vector.shape_cast %swap3A_66 : vector<1x16xf32> to vector<16xf32>
      %swap3A_68 = vector.shape_cast %broadcast_in_dim3A_63 : vector<16xf32> to vector<1x16xf32>
      tpu.vector_store %arg8[%swap3A_64, %swap3A_65], %swap3A_68 {strides = array<i32>} : memref<128x128xf32, #tpu.memory_space<vmem>>, vector<1x16xf32>,
      %broadcast_in_dim3A_69 = arith.constant 0.000000e+00 : f32
      %broadcast_in_dim3A_70 = vector.broadcast %broadcast_in_dim3A_69 : f32 to vector<16xf32>
      %swap3A_71 = arith.index_cast %scan3A_55 : i32 to index
      %swap3A_72 = arith.constant 32 : index
      %swap3A_73 = tpu.vector_load %arg8[%swap3A_71, %swap3A_72] {strides = array<i32>} : memref<128x128xf32, #tpu.memory_space<vmem>>, vector<1x16xf32>,
      %swap3A_74 = vector.shape_cast %swap3A_73 : vector<1x16xf32> to vector<16xf32>
      %swap3A_75 = vector.shape_cast %broadcast_in_dim3A_70 : vector<16xf32> to vector<1x16xf32>
      tpu.vector_store %arg8[%swap3A_71, %swap3A_72], %swap3A_75 {strides = array<i32>} : memref<128x128xf32, #tpu.memory_space<vmem>>, vector<1x16xf32>,
      %broadcast_in_dim3A_76 = arith.constant 0.000000e+00 : f32
      %broadcast_in_dim3A_77 = vector.broadcast %broadcast_in_dim3A_76 : f32 to vector<16xf32>
      %swap3A_78 = arith.index_cast %scan3A_55 : i32 to index
      %swap3A_79 = arith.constant 48 : index
      %swap3A_80 = tpu.vector_load %arg8[%swap3A_78, %swap3A_79] {strides = array<i32>} : memref<128x128xf32, #tpu.memory_space<vmem>>, vector<1x16xf32>,
      %swap3A_81 = vector.shape_cast %swap3A_80 : vector<1x16xf32> to vector<16xf32>
      %swap3A_82 = vector.shape_cast %broadcast_in_dim3A_77 : vector<16xf32> to vector<1x16xf32>
      tpu.vector_store %arg8[%swap3A_78, %swap3A_79], %swap3A_82 {strides = array<i32>} : memref<128x128xf32, #tpu.memory_space<vmem>>, vector<1x16xf32>,
      %broadcast_in_dim3A_83 = arith.constant 0.000000e+00 : f32
      %broadcast_in_dim3A_84 = vector.broadcast %broadcast_in_dim3A_83 : f32 to vector<16xf32>
      %swap3A_85 = arith.index_cast %scan3A_55 : i32 to index
      %swap3A_86 = arith.constant 64 : index
      %swap3A_87 = tpu.vector_load %arg8[%swap3A_85, %swap3A_86] {strides = array<i32>} : memref<128x128xf32, #tpu.memory_space<vmem>>, vector<1x16xf32>,
      %swap3A_88 = vector.shape_cast %swap3A_87 : vector<1x16xf32> to vector<16xf32>
      %swap3A_89 = vector.shape_cast %broadcast_in_dim3A_84 : vector<16xf32> to vector<1x16xf32>
      tpu.vector_store %arg8[%swap3A_85, %swap3A_86], %swap3A_89 {strides = array<i32>} : memref<128x128xf32, #tpu.memory_space<vmem>>, vector<1x16xf32>,
      %broadcast_in_dim3A_90 = arith.constant 0.000000e+00 : f32
      %broadcast_in_dim3A_91 = vector.broadcast %broadcast_in_dim3A_90 : f32 to vector<16xf32>
      %swap3A_92 = arith.index_cast %scan3A_55 : i32 to index
      %swap3A_93 = arith.constant 80 : index
      %swap3A_94 = tpu.vector_load %arg8[%swap3A_92, %swap3A_93] {strides = array<i32>} : memref<128x128xf32, #tpu.memory_space<vmem>>, vector<1x16xf32>,
      %swap3A_95 = vector.shape_cast %swap3A_94 : vector<1x16xf32> to vector<16xf32>
      %swap3A_96 = vector.shape_cast %broadcast_in_dim3A_91 : vector<16xf32> to vector<1x16xf32>
      tpu.vector_store %arg8[%swap3A_92, %swap3A_93], %swap3A_96 {strides = array<i32>} : memref<128x128xf32, #tpu.memory_space<vmem>>, vector<1x16xf32>,
      %broadcast_in_dim3A_97 = arith.constant 0.000000e+00 : f32
      %broadcast_in_dim3A_98 = vector.broadcast %broadcast_in_dim3A_97 : f32 to vector<16xf32>
      %swap3A_99 = arith.index_cast %scan3A_55 : i32 to index
      %swap3A_100 = arith.constant 96 : index
      %swap3A_101 = tpu.vector_load %arg8[%swap3A_99, %swap3A_100] {strides = array<i32>} : memref<128x128xf32, #tpu.memory_space<vmem>>, vector<1x16xf32>,
      %swap3A_102 = vector.shape_cast %swap3A_101 : vector<1x16xf32> to vector<16xf32>
      %swap3A_103 = vector.shape_cast %broadcast_in_dim3A_98 : vector<16xf32> to vector<1x16xf32>
      tpu.vector_store %arg8[%swap3A_99, %swap3A_100], %swap3A_103 {strides = array<i32>} : memref<128x128xf32, #tpu.memory_space<vmem>>, vector<1x16xf32>,
      %broadcast_in_dim3A_104 = arith.constant 0.000000e+00 : f32
      %broadcast_in_dim3A_105 = vector.broadcast %broadcast_in_dim3A_104 : f32 to vector<16xf32>
      %swap3A_106 = arith.index_cast %scan3A_55 : i32 to index
      %swap3A_107 = arith.constant 112 : index
      %swap3A_108 = tpu.vector_load %arg8[%swap3A_106, %swap3A_107] {strides = array<i32>} : memref<128x128xf32, #tpu.memory_space<vmem>>, vector<1x16xf32>,
      %swap3A_109 = vector.shape_cast %swap3A_108 : vector<1x16xf32> to vector<16xf32>
      %swap3A_110 = vector.shape_cast %broadcast_in_dim3A_105 : vector<16xf32> to vector<1x16xf32>
      tpu.vector_store %arg8[%swap3A_106, %swap3A_107], %swap3A_110 {strides = array<i32>} : memref<128x128xf32, #tpu.memory_space<vmem>>, vector<1x16xf32>,
      %scan3A_111 = arith.constant 0 : i32
      scf.yield %scan3A_111 : i32
    }
    %scan3A_6 = arith.constant 128 : i32
    %mul3A_7 = arith.constant 640 : i32
    %mul3A_8 = arith.muli %arg1, %mul3A_7 : i32
    %add3A_9 = arith.constant 0 : i32
    %add3A_10 = arith.addi %mul3A_8, %add3A_9 : i32
    "tpu.region"() ({
      %run_scoped3A = tpu.sem_alloc : memref<!tpu.dma_semaphore, #tpu.memory_space<semaphore_mem>>
      %dma_start3A = arith.constant 0 : i32
      %dma_start3A_55 = tpu.memref_slice %arg9[%add3A_10, %dma_start3A] : memref<10240x128xf32, #tpu.memory_space<vmem_shared>> -> memref<128x128xf32, #tpu.memory_space<vmem_shared>>
      %dma_start3A_56 = arith.constant 0 : i32
      %dma_start3A_57 = tpu.memref_slice %arg9[%add3A_10, %dma_start3A_56] : memref<10240x128xf32, #tpu.memory_space<vmem_shared>> -> memref<128x128xf32, #tpu.memory_space<vmem_shared>>
      tpu.enqueue_dma source(%arg8 : memref<128x128xf32, #tpu.memory_space<vmem>>) target(%dma_start3A_57 : memref<128x128xf32, #tpu.memory_space<vmem_shared>>) target_semaphore(%run_scoped3A : memref<!tpu.dma_semaphore, #tpu.memory_space<semaphore_mem>>)
      %dma_wait3A = arith.constant 0 : i32
      %dma_wait3A_58 = tpu.memref_slice %arg9[%add3A_10, %dma_wait3A] : memref<10240x128xf32, #tpu.memory_space<vmem_shared>> -> memref<128x128xf32, #tpu.memory_space<vmem_shared>>
      %dma_wait3A_59 = arith.constant 0 : i32
      %dma_wait3A_60 = tpu.memref_slice %arg9[%add3A_10, %dma_wait3A_59] : memref<10240x128xf32, #tpu.memory_space<vmem_shared>> -> memref<128x128xf32, #tpu.memory_space<vmem_shared>>
      tpu.wait_dma2 semaphore(%run_scoped3A : memref<!tpu.dma_semaphore, #tpu.memory_space<semaphore_mem>>) src(%arg8 : memref<128x128xf32, #tpu.memory_space<vmem>>) dst(%dma_wait3A_60 : memref<128x128xf32, #tpu.memory_space<vmem_shared>>)
      tpu.yield
    }) : () -> ()
    %mul3A_11 = arith.constant 640 : i32
    %mul3A_12 = arith.muli %arg1, %mul3A_11 : i32
    %add3A_13 = arith.constant 128 : i32
    %add3A_14 = arith.addi %mul3A_12, %add3A_13 : i32
    "tpu.region"() ({
      %run_scoped3A = tpu.sem_alloc : memref<!tpu.dma_semaphore, #tpu.memory_space<semaphore_mem>>
      %dma_start3A = arith.constant 0 : i32
      %dma_start3A_55 = tpu.memref_slice %arg9[%add3A_14, %dma_start3A] : memref<10240x128xf32, #tpu.memory_space<vmem_shared>> -> memref<128x128xf32, #tpu.memory_space<vmem_shared>>
      %dma_start3A_56 = arith.constant 0 : i32
      %dma_start3A_57 = tpu.memref_slice %arg9[%add3A_14, %dma_start3A_56] : memref<10240x128xf32, #tpu.memory_space<vmem_shared>> -> memref<128x128xf32, #tpu.memory_space<vmem_shared>>
      tpu.enqueue_dma source(%arg8 : memref<128x128xf32, #tpu.memory_space<vmem>>) target(%dma_start3A_57 : memref<128x128xf32, #tpu.memory_space<vmem_shared>>) target_semaphore(%run_scoped3A : memref<!tpu.dma_semaphore, #tpu.memory_space<semaphore_mem>>)
      %dma_wait3A = arith.constant 0 : i32
      %dma_wait3A_58 = tpu.memref_slice %arg9[%add3A_14, %dma_wait3A] : memref<10240x128xf32, #tpu.memory_space<vmem_shared>> -> memref<128x128xf32, #tpu.memory_space<vmem_shared>>
      %dma_wait3A_59 = arith.constant 0 : i32
      %dma_wait3A_60 = tpu.memref_slice %arg9[%add3A_14, %dma_wait3A_59] : memref<10240x128xf32, #tpu.memory_space<vmem_shared>> -> memref<128x128xf32, #tpu.memory_space<vmem_shared>>
      tpu.wait_dma2 semaphore(%run_scoped3A : memref<!tpu.dma_semaphore, #tpu.memory_space<semaphore_mem>>) src(%arg8 : memref<128x128xf32, #tpu.memory_space<vmem>>) dst(%dma_wait3A_60 : memref<128x128xf32, #tpu.memory_space<vmem_shared>>)
      tpu.yield
    }) : () -> ()
    %mul3A_15 = arith.constant 640 : i32
    %mul3A_16 = arith.muli %arg1, %mul3A_15 : i32
    %add3A_17 = arith.constant 256 : i32
    %add3A_18 = arith.addi %mul3A_16, %add3A_17 : i32
    "tpu.region"() ({
      %run_scoped3A = tpu.sem_alloc : memref<!tpu.dma_semaphore, #tpu.memory_space<semaphore_mem>>
      %dma_start3A = arith.constant 0 : i32
      %dma_start3A_55 = tpu.memref_slice %arg9[%add3A_18, %dma_start3A] : memref<10240x128xf32, #tpu.memory_space<vmem_shared>> -> memref<128x128xf32, #tpu.memory_space<vmem_shared>>
      %dma_start3A_56 = arith.constant 0 : i32
      %dma_start3A_57 = tpu.memref_slice %arg9[%add3A_18, %dma_start3A_56] : memref<10240x128xf32, #tpu.memory_space<vmem_shared>> -> memref<128x128xf32, #tpu.memory_space<vmem_shared>>
      tpu.enqueue_dma source(%arg8 : memref<128x128xf32, #tpu.memory_space<vmem>>) target(%dma_start3A_57 : memref<128x128xf32, #tpu.memory_space<vmem_shared>>) target_semaphore(%run_scoped3A : memref<!tpu.dma_semaphore, #tpu.memory_space<semaphore_mem>>)
      %dma_wait3A = arith.constant 0 : i32
      %dma_wait3A_58 = tpu.memref_slice %arg9[%add3A_18, %dma_wait3A] : memref<10240x128xf32, #tpu.memory_space<vmem_shared>> -> memref<128x128xf32, #tpu.memory_space<vmem_shared>>
      %dma_wait3A_59 = arith.constant 0 : i32
      %dma_wait3A_60 = tpu.memref_slice %arg9[%add3A_18, %dma_wait3A_59] : memref<10240x128xf32, #tpu.memory_space<vmem_shared>> -> memref<128x128xf32, #tpu.memory_space<vmem_shared>>
      tpu.wait_dma2 semaphore(%run_scoped3A : memref<!tpu.dma_semaphore, #tpu.memory_space<semaphore_mem>>) src(%arg8 : memref<128x128xf32, #tpu.memory_space<vmem>>) dst(%dma_wait3A_60 : memref<128x128xf32, #tpu.memory_space<vmem_shared>>)
      tpu.yield
    }) : () -> ()
    %mul3A_19 = arith.constant 640 : i32
    %mul3A_20 = arith.muli %arg1, %mul3A_19 : i32
    %add3A_21 = arith.constant 384 : i32
    %add3A_22 = arith.addi %mul3A_20, %add3A_21 : i32
    "tpu.region"() ({
      %run_scoped3A = tpu.sem_alloc : memref<!tpu.dma_semaphore, #tpu.memory_space<semaphore_mem>>
      %dma_start3A = arith.constant 0 : i32
      %dma_start3A_55 = tpu.memref_slice %arg9[%add3A_22, %dma_start3A] : memref<10240x128xf32, #tpu.memory_space<vmem_shared>> -> memref<128x128xf32, #tpu.memory_space<vmem_shared>>
      %dma_start3A_56 = arith.constant 0 : i32
      %dma_start3A_57 = tpu.memref_slice %arg9[%add3A_22, %dma_start3A_56] : memref<10240x128xf32, #tpu.memory_space<vmem_shared>> -> memref<128x128xf32, #tpu.memory_space<vmem_shared>>
      tpu.enqueue_dma source(%arg8 : memref<128x128xf32, #tpu.memory_space<vmem>>) target(%dma_start3A_57 : memref<128x128xf32, #tpu.memory_space<vmem_shared>>) target_semaphore(%run_scoped3A : memref<!tpu.dma_semaphore, #tpu.memory_space<semaphore_mem>>)
      %dma_wait3A = arith.constant 0 : i32
      %dma_wait3A_58 = tpu.memref_slice %arg9[%add3A_22, %dma_wait3A] : memref<10240x128xf32, #tpu.memory_space<vmem_shared>> -> memref<128x128xf32, #tpu.memory_space<vmem_shared>>
      %dma_wait3A_59 = arith.constant 0 : i32
      %dma_wait3A_60 = tpu.memref_slice %arg9[%add3A_22, %dma_wait3A_59] : memref<10240x128xf32, #tpu.memory_space<vmem_shared>> -> memref<128x128xf32, #tpu.memory_space<vmem_shared>>
      tpu.wait_dma2 semaphore(%run_scoped3A : memref<!tpu.dma_semaphore, #tpu.memory_space<semaphore_mem>>) src(%arg8 : memref<128x128xf32, #tpu.memory_space<vmem>>) dst(%dma_wait3A_60 : memref<128x128xf32, #tpu.memory_space<vmem_shared>>)
      tpu.yield
    }) : () -> ()
    %mul3A_23 = arith.constant 640 : i32
    %mul3A_24 = arith.muli %arg1, %mul3A_23 : i32
    %add3A_25 = arith.constant 512 : i32
    %add3A_26 = arith.addi %mul3A_24, %add3A_25 : i32
    "tpu.region"() ({
      %run_scoped3A = tpu.sem_alloc : memref<!tpu.dma_semaphore, #tpu.memory_space<semaphore_mem>>
      %dma_start3A = arith.constant 0 : i32
      %dma_start3A_55 = tpu.memref_slice %arg9[%add3A_26, %dma_start3A] : memref<10240x128xf32, #tpu.memory_space<vmem_shared>> -> memref<128x128xf32, #tpu.memory_space<vmem_shared>>
      %dma_start3A_56 = arith.constant 0 : i32
      %dma_start3A_57 = tpu.memref_slice %arg9[%add3A_26, %dma_start3A_56] : memref<10240x128xf32, #tpu.memory_space<vmem_shared>> -> memref<128x128xf32, #tpu.memory_space<vmem_shared>>
      tpu.enqueue_dma source(%arg8 : memref<128x128xf32, #tpu.memory_space<vmem>>) target(%dma_start3A_57 : memref<128x128xf32, #tpu.memory_space<vmem_shared>>) target_semaphore(%run_scoped3A : memref<!tpu.dma_semaphore, #tpu.memory_space<semaphore_mem>>)
      %dma_wait3A = arith.constant 0 : i32
      %dma_wait3A_58 = tpu.memref_slice %arg9[%add3A_26, %dma_wait3A] : memref<10240x128xf32, #tpu.memory_space<vmem_shared>> -> memref<128x128xf32, #tpu.memory_space<vmem_shared>>
      %dma_wait3A_59 = arith.constant 0 : i32
      %dma_wait3A_60 = tpu.memref_slice %arg9[%add3A_26, %dma_wait3A_59] : memref<10240x128xf32, #tpu.memory_space<vmem_shared>> -> memref<128x128xf32, #tpu.memory_space<vmem_shared>>
      tpu.wait_dma2 semaphore(%run_scoped3A : memref<!tpu.dma_semaphore, #tpu.memory_space<semaphore_mem>>) src(%arg8 : memref<128x128xf32, #tpu.memory_space<vmem>>) dst(%dma_wait3A_60 : memref<128x128xf32, #tpu.memory_space<vmem_shared>>)
      tpu.yield
    }) : () -> ()
    %barrier3A = arith.constant 0 : index
    tpu.barrier barrier_id(%barrier3A)
    %scan3A_27 = arith.constant 0 : i32
    %scan3A_28 = arith.constant 0 : i32
    %scan3A_29 = arith.constant 79 : i32
    %scan3A_30 = arith.addi %scan3A_28, %scan3A_29 : i32
    %scan3A_31 = arith.constant 1 : i32
    %scan3A_32 = scf.for %scan3A_55 = %scan3A_28 to %scan3A_30 step %scan3A_31 iter_args(%scan3A_56 = %scan3A_27) -> (i32)  : i32 {
      %dma_start3A = arith.constant 0 : i32
      %dma_start3A_57 = tpu.memref_slice %arg6[%scan3A_55, %dma_start3A] : memref<79x128xi32, #tpu.memory_space<vmem>> -> memref<1x128xi32, #tpu.memory_space<vmem>>
      %dma_start3A_58 = tpu.memref_squeeze %dma_start3A_57 : memref<1x128xi32, #tpu.memory_space<vmem>> -> memref<128xi32, #tpu.memory_space<vmem>>
      %dma_start3A_59 = arith.constant 0 : i32
      %dma_start3A_60 = arith.constant 0 : i32
      %dma_start3A_61 = tpu.memref_slice %arg2[%dma_start3A_59, %dma_start3A_60] : memref<10000x128xf32, #tpu.memory_space<hbm>> -> memref<10000x128xf32, #tpu.memory_space<hbm>>
      tpu.enqueue_indirect_dma source(%dma_start3A_61 : memref<10000x128xf32, #tpu.memory_space<hbm>>) target(%arg8 : memref<128x128xf32, #tpu.memory_space<vmem>>) offsets(%dma_start3A_58 : memref<128xi32, #tpu.memory_space<vmem>>) semaphore(%arg10 : memref<!tpu.dma_semaphore, #tpu.memory_space<semaphore_mem>>)
      %dma_wait3A = arith.constant 0 : i32
      %dma_wait3A_62 = tpu.memref_slice %arg6[%scan3A_55, %dma_wait3A] : memref<79x128xi32, #tpu.memory_space<vmem>> -> memref<1x128xi32, #tpu.memory_space<vmem>>
      %dma_wait3A_63 = tpu.memref_squeeze %dma_wait3A_62 : memref<1x128xi32, #tpu.memory_space<vmem>> -> memref<128xi32, #tpu.memory_space<vmem>>
      %dma_wait3A_64 = arith.constant 0 : i32
      %dma_wait3A_65 = arith.constant 0 : i32
      %dma_wait3A_66 = tpu.memref_slice %arg2[%dma_wait3A_64, %dma_wait3A_65] : memref<10000x128xf32, #tpu.memory_space<hbm>> -> memref<10000x128xf32, #tpu.memory_space<hbm>>
      tpu.wait_indirect_dma semaphore(%arg10 : memref<!tpu.dma_semaphore, #tpu.memory_space<semaphore_mem>>) src(%dma_wait3A_66 : memref<10000x128xf32, #tpu.memory_space<hbm>>) dst(%arg8 : memref<128x128xf32, #tpu.memory_space<vmem>>)
      "tpu.region"() ({
        %run_scoped3A = tpu.sem_alloc : memref<!tpu.dma_semaphore, #tpu.memory_space<semaphore_mem>>
        %dma_start3A_68 = arith.constant 0 : i32
        %dma_start3A_69 = tpu.memref_slice %arg7[%scan3A_55, %dma_start3A_68] : memref<79x128xi32, #tpu.memory_space<vmem>> -> memref<1x128xi32, #tpu.memory_space<vmem>>
        %dma_start3A_70 = tpu.memref_squeeze %dma_start3A_69 : memref<1x128xi32, #tpu.memory_space<vmem>> -> memref<128xi32, #tpu.memory_space<vmem>>
        %dma_start3A_71 = arith.constant 0 : i32
        %dma_start3A_72 = arith.constant 0 : i32
        %dma_start3A_73 = tpu.memref_slice %arg9[%dma_start3A_71, %dma_start3A_72] : memref<10240x128xf32, #tpu.memory_space<vmem_shared>> -> memref<10240x128xf32, #tpu.memory_space<vmem_shared>>
        tpu.enqueue_indirect_dma source(%arg8 : memref<128x128xf32, #tpu.memory_space<vmem>>) target(%dma_start3A_73 : memref<10240x128xf32, #tpu.memory_space<vmem_shared>>) offsets(%dma_start3A_70 : memref<128xi32, #tpu.memory_space<vmem>>) semaphore(%run_scoped3A : memref<!tpu.dma_semaphore, #tpu.memory_space<semaphore_mem>>) {add = true}
        %dma_wait3A_74 = arith.constant 0 : i32
        %dma_wait3A_75 = tpu.memref_slice %arg7[%scan3A_55, %dma_wait3A_74] : memref<79x128xi32, #tpu.memory_space<vmem>> -> memref<1x128xi32, #tpu.memory_space<vmem>>
        %dma_wait3A_76 = tpu.memref_squeeze %dma_wait3A_75 : memref<1x128xi32, #tpu.memory_space<vmem>> -> memref<128xi32, #tpu.memory_space<vmem>>
        %dma_wait3A_77 = arith.constant 0 : i32
        %dma_wait3A_78 = arith.constant 0 : i32
        %dma_wait3A_79 = tpu.memref_slice %arg9[%dma_wait3A_77, %dma_wait3A_78] : memref<10240x128xf32, #tpu.memory_space<vmem_shared>> -> memref<10240x128xf32, #tpu.memory_space<vmem_shared>>
        tpu.wait_indirect_dma semaphore(%run_scoped3A : memref<!tpu.dma_semaphore, #tpu.memory_space<semaphore_mem>>) src(%arg8 : memref<128x128xf32, #tpu.memory_space<vmem>>) dst(%dma_wait3A_79 : memref<10240x128xf32, #tpu.memory_space<vmem_shared>>)
        tpu.yield
      }) : () -> ()
      %scan3A_67 = arith.constant 0 : i32
      scf.yield %scan3A_67 : i32
    }
    %scan3A_33 = arith.constant 79 : i32
    %barrier3A_34 = arith.constant 0 : index
    tpu.barrier barrier_id(%barrier3A_34)
    %mul3A_35 = arith.constant 640 : i32
    %mul3A_36 = arith.muli %arg1, %mul3A_35 : i32
    %add3A_37 = arith.constant 0 : i32
    %add3A_38 = arith.addi %mul3A_36, %add3A_37 : i32
    "tpu.region"() ({
      %run_scoped3A = tpu.sem_alloc : memref<!tpu.dma_semaphore, #tpu.memory_space<semaphore_mem>>
      %dma_start3A = arith.constant 0 : i32
      %dma_start3A_55 = tpu.memref_slice %arg5[%arg0, %add3A_38, %dma_start3A] : memref<2x10240x128xf32, #tpu.memory_space<hbm>> -> memref<1x128x128xf32, #tpu.memory_space<hbm>>
      %dma_start3A_56 = tpu.memref_squeeze %dma_start3A_55 : memref<1x128x128xf32, #tpu.memory_space<hbm>> -> memref<128x128xf32, #tpu.memory_space<hbm>>
      %dma_start3A_57 = arith.constant 0 : i32
      %dma_start3A_58 = tpu.memref_slice %arg9[%add3A_38, %dma_start3A_57] : memref<10240x128xf32, #tpu.memory_space<vmem_shared>> -> memref<128x128xf32, #tpu.memory_space<vmem_shared>>
      tpu.enqueue_dma source(%dma_start3A_58 : memref<128x128xf32, #tpu.memory_space<vmem_shared>>) target(%dma_start3A_56 : memref<128x128xf32, #tpu.memory_space<hbm>>) target_semaphore(%run_scoped3A : memref<!tpu.dma_semaphore, #tpu.memory_space<semaphore_mem>>)
      %dma_wait3A = arith.constant 0 : i32
      %dma_wait3A_59 = tpu.memref_slice %arg5[%arg0, %add3A_38, %dma_wait3A] : memref<2x10240x128xf32, #tpu.memory_space<hbm>> -> memref<1x128x128xf32, #tpu.memory_space<hbm>>
      %dma_wait3A_60 = tpu.memref_squeeze %dma_wait3A_59 : memref<1x128x128xf32, #tpu.memory_space<hbm>> -> memref<128x128xf32, #tpu.memory_space<hbm>>
      %dma_wait3A_61 = arith.constant 0 : i32
      %dma_wait3A_62 = tpu.memref_slice %arg9[%add3A_38, %dma_wait3A_61] : memref<10240x128xf32, #tpu.memory_space<vmem_shared>> -> memref<128x128xf32, #tpu.memory_space<vmem_shared>>
      tpu.wait_dma2 semaphore(%run_scoped3A : memref<!tpu.dma_semaphore, #tpu.memory_space<semaphore_mem>>) src(%dma_wait3A_62 : memref<128x128xf32, #tpu.memory_space<vmem_shared>>) dst(%dma_wait3A_60 : memref<128x128xf32, #tpu.memory_space<hbm>>)
      tpu.yield
    }) : () -> ()
    %mul3A_39 = arith.constant 640 : i32
    %mul3A_40 = arith.muli %arg1, %mul3A_39 : i32
    %add3A_41 = arith.constant 128 : i32
    %add3A_42 = arith.addi %mul3A_40, %add3A_41 : i32
    "tpu.region"() ({
      %run_scoped3A = tpu.sem_alloc : memref<!tpu.dma_semaphore, #tpu.memory_space<semaphore_mem>>
      %dma_start3A = arith.constant 0 : i32
      %dma_start3A_55 = tpu.memref_slice %arg5[%arg0, %add3A_42, %dma_start3A] : memref<2x10240x128xf32, #tpu.memory_space<hbm>> -> memref<1x128x128xf32, #tpu.memory_space<hbm>>
      %dma_start3A_56 = tpu.memref_squeeze %dma_start3A_55 : memref<1x128x128xf32, #tpu.memory_space<hbm>> -> memref<128x128xf32, #tpu.memory_space<hbm>>
      %dma_start3A_57 = arith.constant 0 : i32
      %dma_start3A_58 = tpu.memref_slice %arg9[%add3A_42, %dma_start3A_57] : memref<10240x128xf32, #tpu.memory_space<vmem_shared>> -> memref<128x128xf32, #tpu.memory_space<vmem_shared>>
      tpu.enqueue_dma source(%dma_start3A_58 : memref<128x128xf32, #tpu.memory_space<vmem_shared>>) target(%dma_start3A_56 : memref<128x128xf32, #tpu.memory_space<hbm>>) target_semaphore(%run_scoped3A : memref<!tpu.dma_semaphore, #tpu.memory_space<semaphore_mem>>)
      %dma_wait3A = arith.constant 0 : i32
      %dma_wait3A_59 = tpu.memref_slice %arg5[%arg0, %add3A_42, %dma_wait3A] : memref<2x10240x128xf32, #tpu.memory_space<hbm>> -> memref<1x128x128xf32, #tpu.memory_space<hbm>>
      %dma_wait3A_60 = tpu.memref_squeeze %dma_wait3A_59 : memref<1x128x128xf32, #tpu.memory_space<hbm>> -> memref<128x128xf32, #tpu.memory_space<hbm>>
      %dma_wait3A_61 = arith.constant 0 : i32
      %dma_wait3A_62 = tpu.memref_slice %arg9[%add3A_42, %dma_wait3A_61] : memref<10240x128xf32, #tpu.memory_space<vmem_shared>> -> memref<128x128xf32, #tpu.memory_space<vmem_shared>>
      tpu.wait_dma2 semaphore(%run_scoped3A : memref<!tpu.dma_semaphore, #tpu.memory_space<semaphore_mem>>) src(%dma_wait3A_62 : memref<128x128xf32, #tpu.memory_space<vmem_shared>>) dst(%dma_wait3A_60 : memref<128x128xf32, #tpu.memory_space<hbm>>)
      tpu.yield
    }) : () -> ()
    %mul3A_43 = arith.constant 640 : i32
    %mul3A_44 = arith.muli %arg1, %mul3A_43 : i32
    %add3A_45 = arith.constant 256 : i32
    %add3A_46 = arith.addi %mul3A_44, %add3A_45 : i32
    "tpu.region"() ({
      %run_scoped3A = tpu.sem_alloc : memref<!tpu.dma_semaphore, #tpu.memory_space<semaphore_mem>>
      %dma_start3A = arith.constant 0 : i32
      %dma_start3A_55 = tpu.memref_slice %arg5[%arg0, %add3A_46, %dma_start3A] : memref<2x10240x128xf32, #tpu.memory_space<hbm>> -> memref<1x128x128xf32, #tpu.memory_space<hbm>>
      %dma_start3A_56 = tpu.memref_squeeze %dma_start3A_55 : memref<1x128x128xf32, #tpu.memory_space<hbm>> -> memref<128x128xf32, #tpu.memory_space<hbm>>
      %dma_start3A_57 = arith.constant 0 : i32
      %dma_start3A_58 = tpu.memref_slice %arg9[%add3A_46, %dma_start3A_57] : memref<10240x128xf32, #tpu.memory_space<vmem_shared>> -> memref<128x128xf32, #tpu.memory_space<vmem_shared>>
      tpu.enqueue_dma source(%dma_start3A_58 : memref<128x128xf32, #tpu.memory_space<vmem_shared>>) target(%dma_start3A_56 : memref<128x128xf32, #tpu.memory_space<hbm>>) target_semaphore(%run_scoped3A : memref<!tpu.dma_semaphore, #tpu.memory_space<semaphore_mem>>)
      %dma_wait3A = arith.constant 0 : i32
      %dma_wait3A_59 = tpu.memref_slice %arg5[%arg0, %add3A_46, %dma_wait3A] : memref<2x10240x128xf32, #tpu.memory_space<hbm>> -> memref<1x128x128xf32, #tpu.memory_space<hbm>>
      %dma_wait3A_60 = tpu.memref_squeeze %dma_wait3A_59 : memref<1x128x128xf32, #tpu.memory_space<hbm>> -> memref<128x128xf32, #tpu.memory_space<hbm>>
      %dma_wait3A_61 = arith.constant 0 : i32
      %dma_wait3A_62 = tpu.memref_slice %arg9[%add3A_46, %dma_wait3A_61] : memref<10240x128xf32, #tpu.memory_space<vmem_shared>> -> memref<128x128xf32, #tpu.memory_space<vmem_shared>>
      tpu.wait_dma2 semaphore(%run_scoped3A : memref<!tpu.dma_semaphore, #tpu.memory_space<semaphore_mem>>) src(%dma_wait3A_62 : memref<128x128xf32, #tpu.memory_space<vmem_shared>>) dst(%dma_wait3A_60 : memref<128x128xf32, #tpu.memory_space<hbm>>)
      tpu.yield
    }) : () -> ()
    %mul3A_47 = arith.constant 640 : i32
    %mul3A_48 = arith.muli %arg1, %mul3A_47 : i32
    %add3A_49 = arith.constant 384 : i32
    %add3A_50 = arith.addi %mul3A_48, %add3A_49 : i32
    "tpu.region"() ({
      %run_scoped3A = tpu.sem_alloc : memref<!tpu.dma_semaphore, #tpu.memory_space<semaphore_mem>>
      %dma_start3A = arith.constant 0 : i32
      %dma_start3A_55 = tpu.memref_slice %arg5[%arg0, %add3A_50, %dma_start3A] : memref<2x10240x128xf32, #tpu.memory_space<hbm>> -> memref<1x128x128xf32, #tpu.memory_space<hbm>>
      %dma_start3A_56 = tpu.memref_squeeze %dma_start3A_55 : memref<1x128x128xf32, #tpu.memory_space<hbm>> -> memref<128x128xf32, #tpu.memory_space<hbm>>
      %dma_start3A_57 = arith.constant 0 : i32
      %dma_start3A_58 = tpu.memref_slice %arg9[%add3A_50, %dma_start3A_57] : memref<10240x128xf32, #tpu.memory_space<vmem_shared>> -> memref<128x128xf32, #tpu.memory_space<vmem_shared>>
      tpu.enqueue_dma source(%dma_start3A_58 : memref<128x128xf32, #tpu.memory_space<vmem_shared>>) target(%dma_start3A_56 : memref<128x128xf32, #tpu.memory_space<hbm>>) target_semaphore(%run_scoped3A : memref<!tpu.dma_semaphore, #tpu.memory_space<semaphore_mem>>)
      %dma_wait3A = arith.constant 0 : i32
      %dma_wait3A_59 = tpu.memref_slice %arg5[%arg0, %add3A_50, %dma_wait3A] : memref<2x10240x128xf32, #tpu.memory_space<hbm>> -> memref<1x128x128xf32, #tpu.memory_space<hbm>>
      %dma_wait3A_60 = tpu.memref_squeeze %dma_wait3A_59 : memref<1x128x128xf32, #tpu.memory_space<hbm>> -> memref<128x128xf32, #tpu.memory_space<hbm>>
      %dma_wait3A_61 = arith.constant 0 : i32
      %dma_wait3A_62 = tpu.memref_slice %arg9[%add3A_50, %dma_wait3A_61] : memref<10240x128xf32, #tpu.memory_space<vmem_shared>> -> memref<128x128xf32, #tpu.memory_space<vmem_shared>>
      tpu.wait_dma2 semaphore(%run_scoped3A : memref<!tpu.dma_semaphore, #tpu.memory_space<semaphore_mem>>) src(%dma_wait3A_62 : memref<128x128xf32, #tpu.memory_space<vmem_shared>>) dst(%dma_wait3A_60 : memref<128x128xf32, #tpu.memory_space<hbm>>)
      tpu.yield
    }) : () -> ()
    %mul3A_51 = arith.constant 640 : i32
    %mul3A_52 = arith.muli %arg1, %mul3A_51 : i32
    %add3A_53 = arith.constant 512 : i32
    %add3A_54 = arith.addi %mul3A_52, %add3A_53 : i32
    "tpu.region"() ({
      %run_scoped3A = tpu.sem_alloc : memref<!tpu.dma_semaphore, #tpu.memory_space<semaphore_mem>>
      %dma_start3A = arith.constant 0 : i32
      %dma_start3A_55 = tpu.memref_slice %arg5[%arg0, %add3A_54, %dma_start3A] : memref<2x10240x128xf32, #tpu.memory_space<hbm>> -> memref<1x128x128xf32, #tpu.memory_space<hbm>>
      %dma_start3A_56 = tpu.memref_squeeze %dma_start3A_55 : memref<1x128x128xf32, #tpu.memory_space<hbm>> -> memref<128x128xf32, #tpu.memory_space<hbm>>
      %dma_start3A_57 = arith.constant 0 : i32
      %dma_start3A_58 = tpu.memref_slice %arg9[%add3A_54, %dma_start3A_57] : memref<10240x128xf32, #tpu.memory_space<vmem_shared>> -> memref<128x128xf32, #tpu.memory_space<vmem_shared>>
      tpu.enqueue_dma source(%dma_start3A_58 : memref<128x128xf32, #tpu.memory_space<vmem_shared>>) target(%dma_start3A_56 : memref<128x128xf32, #tpu.memory_space<hbm>>) target_semaphore(%run_scoped3A : memref<!tpu.dma_semaphore, #tpu.memory_space<semaphore_mem>>)
      %dma_wait3A = arith.constant 0 : i32
      %dma_wait3A_59 = tpu.memref_slice %arg5[%arg0, %add3A_54, %dma_wait3A] : memref<2x10240x128xf32, #tpu.memory_space<hbm>> -> memref<1x128x128xf32, #tpu.memory_space<hbm>>
      %dma_wait3A_60 = tpu.memref_squeeze %dma_wait3A_59 : memref<1x128x128xf32, #tpu.memory_space<hbm>> -> memref<128x128xf32, #tpu.memory_space<hbm>>
      %dma_wait3A_61 = arith.constant 0 : i32
      %dma_wait3A_62 = tpu.memref_slice %arg9[%add3A_54, %dma_wait3A_61] : memref<10240x128xf32, #tpu.memory_space<vmem_shared>> -> memref<128x128xf32, #tpu.memory_space<vmem_shared>>
      tpu.wait_dma2 semaphore(%run_scoped3A : memref<!tpu.dma_semaphore, #tpu.memory_space<semaphore_mem>>) src(%dma_wait3A_62 : memref<128x128xf32, #tpu.memory_space<vmem_shared>>) dst(%dma_wait3A_60 : memref<128x128xf32, #tpu.memory_space<hbm>>)
      tpu.yield
    }) : () -> ()
    return
  }
}

#map = affine_map<(d0, d1) -> (0, 0)>
#map1 = affine_map<(d0, d1) -> (0, 0, 0)>
module attributes {stable_mosaic.version = 14 : i64} {
  func.func @body(%arg0: i32, %arg1: i32, %arg2: memref<10000x128xf32, #tpu.memory_space<hbm>>, %arg3: memref<32x79x128xi32, #tpu.memory_space<hbm>>, %arg4: memref<32x79x128xi32, #tpu.memory_space<hbm>>, %arg5: memref<2x10240x128xf32, #tpu.memory_space<hbm>>, %arg6: memref<79x128xi32, #tpu.memory_space<vmem>>, %arg7: memref<79x128xi32, #tpu.memory_space<vmem>>, %arg8: memref<128x128xf32, #tpu.memory_space<vmem>>, %arg9: memref<10240x128xf32, #tpu.memory_space<vmem_shared>>, %arg10: memref<!tpu.dma_semaphore, #tpu.memory_space<semaphore_mem>>) attributes {dimension_semantics = [#tpu.dimension_semantics<core_parallel>, #tpu.dimension_semantics<subcore_parallel>], iteration_bounds = array<i64: 2, 16>, scalar_prefetch = 0 : i64, scratch_operands = 5 : i64, tpu.core_type = #tpu.core_type<sc_vector_subcore>, window_params = [{transform_indices = #map}, {transform_indices = #map1}, {transform_indices = #map1}, {transform_indices = #map1}]} {
    %mul3A = arith.constant 2 : i32
    %mul3A_0 = arith.muli %arg1, %mul3A : i32
    %add3A = arith.addi %mul3A_0, %arg0 : i32
    "tpu.region"() ({
      %run_scoped3A = tpu.sem_alloc : memref<!tpu.dma_semaphore, #tpu.memory_space<semaphore_mem>>
      %dma_start3A = arith.constant 0 : i32
      %dma_start3A_55 = arith.constant 0 : i32
      %dma_start3A_56 = tpu.memref_slice %arg3[%add3A, %dma_start3A, %dma_start3A_55] : memref<32x79x128xi32, #tpu.memory_space<hbm>> -> memref<1x79x128xi32, #tpu.memory_space<hbm>>
      %dma_start3A_57 = tpu.memref_squeeze %dma_start3A_56 : memref<1x79x128xi32, #tpu.memory_space<hbm>> -> memref<79x128xi32, #tpu.memory_space<hbm>>
      %dma_start3A_58 = arith.constant 0 : i32
      %dma_start3A_59 = arith.constant 0 : i32
      %dma_start3A_60 = tpu.memref_slice %arg3[%add3A, %dma_start3A_58, %dma_start3A_59] : memref<32x79x128xi32, #tpu.memory_space<hbm>> -> memref<1x79x128xi32, #tpu.memory_space<hbm>>
      %dma_start3A_61 = tpu.memref_squeeze %dma_start3A_60 : memref<1x79x128xi32, #tpu.memory_space<hbm>> -> memref<79x128xi32, #tpu.memory_space<hbm>>
      tpu.enqueue_dma source(%dma_start3A_61 : memref<79x128xi32, #tpu.memory_space<hbm>>) target(%arg6 : memref<79x128xi32, #tpu.memory_space<vmem>>) target_semaphore(%run_scoped3A : memref<!tpu.dma_semaphore, #tpu.memory_space<semaphore_mem>>)
      %dma_wait3A = arith.constant 0 : i32
      %dma_wait3A_62 = arith.constant 0 : i32
      %dma_wait3A_63 = tpu.memref_slice %arg3[%add3A, %dma_wait3A, %dma_wait3A_62] : memref<32x79x128xi32, #tpu.memory_space<hbm>> -> memref<1x79x128xi32, #tpu.memory_space<hbm>>
      %dma_wait3A_64 = tpu.memref_squeeze %dma_wait3A_63 : memref<1x79x128xi32, #tpu.memory_space<hbm>> -> memref<79x128xi32, #tpu.memory_space<hbm>>
      %dma_wait3A_65 = arith.constant 0 : i32
      %dma_wait3A_66 = arith.constant 0 : i32
      %dma_wait3A_67 = tpu.memref_slice %arg3[%add3A, %dma_wait3A_65, %dma_wait3A_66] : memref<32x79x128xi32, #tpu.memory_space<hbm>> -> memref<1x79x128xi32, #tpu.memory_space<hbm>>
      %dma_wait3A_68 = tpu.memref_squeeze %dma_wait3A_67 : memref<1x79x128xi32, #tpu.memory_space<hbm>> -> memref<79x128xi32, #tpu.memory_space<hbm>>
      tpu.wait_dma2 semaphore(%run_scoped3A : memref<!tpu.dma_semaphore, #tpu.memory_space<semaphore_mem>>) src(%dma_wait3A_68 : memref<79x128xi32, #tpu.memory_space<hbm>>) dst(%arg6 : memref<79x128xi32, #tpu.memory_space<vmem>>)
      tpu.yield
    }) : () -> ()
    "tpu.region"() ({
      %run_scoped3A = tpu.sem_alloc : memref<!tpu.dma_semaphore, #tpu.memory_space<semaphore_mem>>
      %dma_start3A = arith.constant 0 : i32
      %dma_start3A_55 = arith.constant 0 : i32
      %dma_start3A_56 = tpu.memref_slice %arg4[%add3A, %dma_start3A, %dma_start3A_55] : memref<32x79x128xi32, #tpu.memory_space<hbm>> -> memref<1x79x128xi32, #tpu.memory_space<hbm>>
      %dma_start3A_57 = tpu.memref_squeeze %dma_start3A_56 : memref<1x79x128xi32, #tpu.memory_space<hbm>> -> memref<79x128xi32, #tpu.memory_space<hbm>>
      %dma_start3A_58 = arith.constant 0 : i32
      %dma_start3A_59 = arith.constant 0 : i32
      %dma_start3A_60 = tpu.memref_slice %arg4[%add3A, %dma_start3A_58, %dma_start3A_59] : memref<32x79x128xi32, #tpu.memory_space<hbm>> -> memref<1x79x128xi32, #tpu.memory_space<hbm>>
      %dma_start3A_61 = tpu.memref_squeeze %dma_start3A_60 : memref<1x79x128xi32, #tpu.memory_space<hbm>> -> memref<79x128xi32, #tpu.memory_space<hbm>>
      tpu.enqueue_dma source(%dma_start3A_61 : memref<79x128xi32, #tpu.memory_space<hbm>>) target(%arg7 : memref<79x128xi32, #tpu.memory_space<vmem>>) target_semaphore(%run_scoped3A : memref<!tpu.dma_semaphore, #tpu.memory_space<semaphore_mem>>)
      %dma_wait3A = arith.constant 0 : i32
      %dma_wait3A_62 = arith.constant 0 : i32
      %dma_wait3A_63 = tpu.memref_slice %arg4[%add3A, %dma_wait3A, %dma_wait3A_62] : memref<32x79x128xi32, #tpu.memory_space<hbm>> -> memref<1x79x128xi32, #tpu.memory_space<hbm>>
      %dma_wait3A_64 = tpu.memref_squeeze %dma_wait3A_63 : memref<1x79x128xi32, #tpu.memory_space<hbm>> -> memref<79x128xi32, #tpu.memory_space<hbm>>
      %dma_wait3A_65 = arith.constant 0 : i32
      %dma_wait3A_66 = arith.constant 0 : i32
      %dma_wait3A_67 = tpu.memref_slice %arg4[%add3A, %dma_wait3A_65, %dma_wait3A_66] : memref<32x79x128xi32, #tpu.memory_space<hbm>> -> memref<1x79x128xi32, #tpu.memory_space<hbm>>
      %dma_wait3A_68 = tpu.memref_squeeze %dma_wait3A_67 : memref<1x79x128xi32, #tpu.memory_space<hbm>> -> memref<79x128xi32, #tpu.memory_space<hbm>>
      tpu.wait_dma2 semaphore(%run_scoped3A : memref<!tpu.dma_semaphore, #tpu.memory_space<semaphore_mem>>) src(%dma_wait3A_68 : memref<79x128xi32, #tpu.memory_space<hbm>>) dst(%arg7 : memref<79x128xi32, #tpu.memory_space<vmem>>)
      tpu.yield
    }) : () -> ()
    %scan3A = arith.constant 0 : i32
    %scan3A_1 = arith.constant 0 : i32
    %scan3A_2 = arith.constant 128 : i32
    %scan3A_3 = arith.addi %scan3A_1, %scan3A_2 : i32
    %scan3A_4 = arith.constant 1 : i32
    %scan3A_5 = scf.for %scan3A_55 = %scan3A_1 to %scan3A_3 step %scan3A_4 iter_args(%scan3A_56 = %scan3A) -> (i32)  : i32 {
      %broadcast_in_dim3A = arith.constant 0.000000e+00 : f32
      %broadcast_in_dim3A_57 = vector.broadcast %broadcast_in_dim3A : f32 to vector<16xf32>
      %swap3A = arith.index_cast %scan3A_55 : i32 to index
      %swap3A_58 = arith.constant 0 : index
      %swap3A_59 = tpu.vector_load %arg8[%swap3A, %swap3A_58] {strides = array<i32>} : memref<128x128xf32, #tpu.memory_space<vmem>>, vector<1x16xf32>,
      %swap3A_60 = vector.shape_cast %swap3A_59 : vector<1x16xf32> to vector<16xf32>
      %swap3A_61 = vector.shape_cast %broadcast_in_dim3A_57 : vector<16xf32> to vector<1x16xf32>
      tpu.vector_store %arg8[%swap3A, %swap3A_58], %swap3A_61 {strides = array<i32>} : memref<128x128xf32, #tpu.memory_space<vmem>>, vector<1x16xf32>,
      %broadcast_in_dim3A_62 = arith.constant 0.000000e+00 : f32
      %broadcast_in_dim3A_63 = vector.broadcast %broadcast_in_dim3A_62 : f32 to vector<16xf32>
      %swap3A_64 = arith.index_cast %scan3A_55 : i32 to index
      %swap3A_65 = arith.constant 16 : index
      %swap3A_66 = tpu.vector_load %arg8[%swap3A_64, %swap3A_65] {strides = array<i32>} : memref<128x128xf32, #tpu.memory_space<vmem>>, vector<1x16xf32>,
      %swap3A_67 = vector.shape_cast %swap3A_66 : vector<1x16xf32> to vector<16xf32>
      %swap3A_68 = vector.shape_cast %broadcast_in_dim3A_63 : vector<16xf32> to vector<1x16xf32>
      tpu.vector_store %arg8[%swap3A_64, %swap3A_65], %swap3A_68 {strides = array<i32>} : memref<128x128xf32, #tpu.memory_space<vmem>>, vector<1x16xf32>,
      %broadcast_in_dim3A_69 = arith.constant 0.000000e+00 : f32
      %broadcast_in_dim3A_70 = vector.broadcast %broadcast_in_dim3A_69 : f32 to vector<16xf32>
      %swap3A_71 = arith.index_cast %scan3A_55 : i32 to index
      %swap3A_72 = arith.constant 32 : index
      %swap3A_73 = tpu.vector_load %arg8[%swap3A_71, %swap3A_72] {strides = array<i32>} : memref<128x128xf32, #tpu.memory_space<vmem>>, vector<1x16xf32>,
      %swap3A_74 = vector.shape_cast %swap3A_73 : vector<1x16xf32> to vector<16xf32>
      %swap3A_75 = vector.shape_cast %broadcast_in_dim3A_70 : vector<16xf32> to vector<1x16xf32>
      tpu.vector_store %arg8[%swap3A_71, %swap3A_72], %swap3A_75 {strides = array<i32>} : memref<128x128xf32, #tpu.memory_space<vmem>>, vector<1x16xf32>,
      %broadcast_in_dim3A_76 = arith.constant 0.000000e+00 : f32
      %broadcast_in_dim3A_77 = vector.broadcast %broadcast_in_dim3A_76 : f32 to vector<16xf32>
      %swap3A_78 = arith.index_cast %scan3A_55 : i32 to index
      %swap3A_79 = arith.constant 48 : index
      %swap3A_80 = tpu.vector_load %arg8[%swap3A_78, %swap3A_79] {strides = array<i32>} : memref<128x128xf32, #tpu.memory_space<vmem>>, vector<1x16xf32>,
      %swap3A_81 = vector.shape_cast %swap3A_80 : vector<1x16xf32> to vector<16xf32>
      %swap3A_82 = vector.shape_cast %broadcast_in_dim3A_77 : vector<16xf32> to vector<1x16xf32>
      tpu.vector_store %arg8[%swap3A_78, %swap3A_79], %swap3A_82 {strides = array<i32>} : memref<128x128xf32, #tpu.memory_space<vmem>>, vector<1x16xf32>,
      %broadcast_in_dim3A_83 = arith.constant 0.000000e+00 : f32
      %broadcast_in_dim3A_84 = vector.broadcast %broadcast_in_dim3A_83 : f32 to vector<16xf32>
      %swap3A_85 = arith.index_cast %scan3A_55 : i32 to index
      %swap3A_86 = arith.constant 64 : index
      %swap3A_87 = tpu.vector_load %arg8[%swap3A_85, %swap3A_86] {strides = array<i32>} : memref<128x128xf32, #tpu.memory_space<vmem>>, vector<1x16xf32>,
      %swap3A_88 = vector.shape_cast %swap3A_87 : vector<1x16xf32> to vector<16xf32>
      %swap3A_89 = vector.shape_cast %broadcast_in_dim3A_84 : vector<16xf32> to vector<1x16xf32>
      tpu.vector_store %arg8[%swap3A_85, %swap3A_86], %swap3A_89 {strides = array<i32>} : memref<128x128xf32, #tpu.memory_space<vmem>>, vector<1x16xf32>,
      %broadcast_in_dim3A_90 = arith.constant 0.000000e+00 : f32
      %broadcast_in_dim3A_91 = vector.broadcast %broadcast_in_dim3A_90 : f32 to vector<16xf32>
      %swap3A_92 = arith.index_cast %scan3A_55 : i32 to index
      %swap3A_93 = arith.constant 80 : index
      %swap3A_94 = tpu.vector_load %arg8[%swap3A_92, %swap3A_93] {strides = array<i32>} : memref<128x128xf32, #tpu.memory_space<vmem>>, vector<1x16xf32>,
      %swap3A_95 = vector.shape_cast %swap3A_94 : vector<1x16xf32> to vector<16xf32>
      %swap3A_96 = vector.shape_cast %broadcast_in_dim3A_91 : vector<16xf32> to vector<1x16xf32>
      tpu.vector_store %arg8[%swap3A_92, %swap3A_93], %swap3A_96 {strides = array<i32>} : memref<128x128xf32, #tpu.memory_space<vmem>>, vector<1x16xf32>,
      %broadcast_in_dim3A_97 = arith.constant 0.000000e+00 : f32
      %broadcast_in_dim3A_98 = vector.broadcast %broadcast_in_dim3A_97 : f32 to vector<16xf32>
      %swap3A_99 = arith.index_cast %scan3A_55 : i32 to index
      %swap3A_100 = arith.constant 96 : index
      %swap3A_101 = tpu.vector_load %arg8[%swap3A_99, %swap3A_100] {strides = array<i32>} : memref<128x128xf32, #tpu.memory_space<vmem>>, vector<1x16xf32>,
      %swap3A_102 = vector.shape_cast %swap3A_101 : vector<1x16xf32> to vector<16xf32>
      %swap3A_103 = vector.shape_cast %broadcast_in_dim3A_98 : vector<16xf32> to vector<1x16xf32>
      tpu.vector_store %arg8[%swap3A_99, %swap3A_100], %swap3A_103 {strides = array<i32>} : memref<128x128xf32, #tpu.memory_space<vmem>>, vector<1x16xf32>,
      %broadcast_in_dim3A_104 = arith.constant 0.000000e+00 : f32
      %broadcast_in_dim3A_105 = vector.broadcast %broadcast_in_dim3A_104 : f32 to vector<16xf32>
      %swap3A_106 = arith.index_cast %scan3A_55 : i32 to index
      %swap3A_107 = arith.constant 112 : index
      %swap3A_108 = tpu.vector_load %arg8[%swap3A_106, %swap3A_107] {strides = array<i32>} : memref<128x128xf32, #tpu.memory_space<vmem>>, vector<1x16xf32>,
      %swap3A_109 = vector.shape_cast %swap3A_108 : vector<1x16xf32> to vector<16xf32>
      %swap3A_110 = vector.shape_cast %broadcast_in_dim3A_105 : vector<16xf32> to vector<1x16xf32>
      tpu.vector_store %arg8[%swap3A_106, %swap3A_107], %swap3A_110 {strides = array<i32>} : memref<128x128xf32, #tpu.memory_space<vmem>>, vector<1x16xf32>,
      %scan3A_111 = arith.constant 0 : i32
      scf.yield %scan3A_111 : i32
    }
    %scan3A_6 = arith.constant 128 : i32
    %mul3A_7 = arith.constant 640 : i32
    %mul3A_8 = arith.muli %arg1, %mul3A_7 : i32
    %add3A_9 = arith.constant 0 : i32
    %add3A_10 = arith.addi %mul3A_8, %add3A_9 : i32
    "tpu.region"() ({
      %run_scoped3A = tpu.sem_alloc : memref<!tpu.dma_semaphore, #tpu.memory_space<semaphore_mem>>
      %dma_start3A = arith.constant 0 : i32
      %dma_start3A_55 = tpu.memref_slice %arg9[%add3A_10, %dma_start3A] : memref<10240x128xf32, #tpu.memory_space<vmem_shared>> -> memref<128x128xf32, #tpu.memory_space<vmem_shared>>
      %dma_start3A_56 = arith.constant 0 : i32
      %dma_start3A_57 = tpu.memref_slice %arg9[%add3A_10, %dma_start3A_56] : memref<10240x128xf32, #tpu.memory_space<vmem_shared>> -> memref<128x128xf32, #tpu.memory_space<vmem_shared>>
      tpu.enqueue_dma source(%arg8 : memref<128x128xf32, #tpu.memory_space<vmem>>) target(%dma_start3A_57 : memref<128x128xf32, #tpu.memory_space<vmem_shared>>) target_semaphore(%run_scoped3A : memref<!tpu.dma_semaphore, #tpu.memory_space<semaphore_mem>>)
      %dma_wait3A = arith.constant 0 : i32
      %dma_wait3A_58 = tpu.memref_slice %arg9[%add3A_10, %dma_wait3A] : memref<10240x128xf32, #tpu.memory_space<vmem_shared>> -> memref<128x128xf32, #tpu.memory_space<vmem_shared>>
      %dma_wait3A_59 = arith.constant 0 : i32
      %dma_wait3A_60 = tpu.memref_slice %arg9[%add3A_10, %dma_wait3A_59] : memref<10240x128xf32, #tpu.memory_space<vmem_shared>> -> memref<128x128xf32, #tpu.memory_space<vmem_shared>>
      tpu.wait_dma2 semaphore(%run_scoped3A : memref<!tpu.dma_semaphore, #tpu.memory_space<semaphore_mem>>) src(%arg8 : memref<128x128xf32, #tpu.memory_space<vmem>>) dst(%dma_wait3A_60 : memref<128x128xf32, #tpu.memory_space<vmem_shared>>)
      tpu.yield
    }) : () -> ()
    %mul3A_11 = arith.constant 640 : i32
    %mul3A_12 = arith.muli %arg1, %mul3A_11 : i32
    %add3A_13 = arith.constant 128 : i32
    %add3A_14 = arith.addi %mul3A_12, %add3A_13 : i32
    "tpu.region"() ({
      %run_scoped3A = tpu.sem_alloc : memref<!tpu.dma_semaphore, #tpu.memory_space<semaphore_mem>>
      %dma_start3A = arith.constant 0 : i32
      %dma_start3A_55 = tpu.memref_slice %arg9[%add3A_14, %dma_start3A] : memref<10240x128xf32, #tpu.memory_space<vmem_shared>> -> memref<128x128xf32, #tpu.memory_space<vmem_shared>>
      %dma_start3A_56 = arith.constant 0 : i32
      %dma_start3A_57 = tpu.memref_slice %arg9[%add3A_14, %dma_start3A_56] : memref<10240x128xf32, #tpu.memory_space<vmem_shared>> -> memref<128x128xf32, #tpu.memory_space<vmem_shared>>
      tpu.enqueue_dma source(%arg8 : memref<128x128xf32, #tpu.memory_space<vmem>>) target(%dma_start3A_57 : memref<128x128xf32, #tpu.memory_space<vmem_shared>>) target_semaphore(%run_scoped3A : memref<!tpu.dma_semaphore, #tpu.memory_space<semaphore_mem>>)
      %dma_wait3A = arith.constant 0 : i32
      %dma_wait3A_58 = tpu.memref_slice %arg9[%add3A_14, %dma_wait3A] : memref<10240x128xf32, #tpu.memory_space<vmem_shared>> -> memref<128x128xf32, #tpu.memory_space<vmem_shared>>
      %dma_wait3A_59 = arith.constant 0 : i32
      %dma_wait3A_60 = tpu.memref_slice %arg9[%add3A_14, %dma_wait3A_59] : memref<10240x128xf32, #tpu.memory_space<vmem_shared>> -> memref<128x128xf32, #tpu.memory_space<vmem_shared>>
      tpu.wait_dma2 semaphore(%run_scoped3A : memref<!tpu.dma_semaphore, #tpu.memory_space<semaphore_mem>>) src(%arg8 : memref<128x128xf32, #tpu.memory_space<vmem>>) dst(%dma_wait3A_60 : memref<128x128xf32, #tpu.memory_space<vmem_shared>>)
      tpu.yield
    }) : () -> ()
    %mul3A_15 = arith.constant 640 : i32
    %mul3A_16 = arith.muli %arg1, %mul3A_15 : i32
    %add3A_17 = arith.constant 256 : i32
    %add3A_18 = arith.addi %mul3A_16, %add3A_17 : i32
    "tpu.region"() ({
      %run_scoped3A = tpu.sem_alloc : memref<!tpu.dma_semaphore, #tpu.memory_space<semaphore_mem>>
      %dma_start3A = arith.constant 0 : i32
      %dma_start3A_55 = tpu.memref_slice %arg9[%add3A_18, %dma_start3A] : memref<10240x128xf32, #tpu.memory_space<vmem_shared>> -> memref<128x128xf32, #tpu.memory_space<vmem_shared>>
      %dma_start3A_56 = arith.constant 0 : i32
      %dma_start3A_57 = tpu.memref_slice %arg9[%add3A_18, %dma_start3A_56] : memref<10240x128xf32, #tpu.memory_space<vmem_shared>> -> memref<128x128xf32, #tpu.memory_space<vmem_shared>>
      tpu.enqueue_dma source(%arg8 : memref<128x128xf32, #tpu.memory_space<vmem>>) target(%dma_start3A_57 : memref<128x128xf32, #tpu.memory_space<vmem_shared>>) target_semaphore(%run_scoped3A : memref<!tpu.dma_semaphore, #tpu.memory_space<semaphore_mem>>)
      %dma_wait3A = arith.constant 0 : i32
      %dma_wait3A_58 = tpu.memref_slice %arg9[%add3A_18, %dma_wait3A] : memref<10240x128xf32, #tpu.memory_space<vmem_shared>> -> memref<128x128xf32, #tpu.memory_space<vmem_shared>>
      %dma_wait3A_59 = arith.constant 0 : i32
      %dma_wait3A_60 = tpu.memref_slice %arg9[%add3A_18, %dma_wait3A_59] : memref<10240x128xf32, #tpu.memory_space<vmem_shared>> -> memref<128x128xf32, #tpu.memory_space<vmem_shared>>
      tpu.wait_dma2 semaphore(%run_scoped3A : memref<!tpu.dma_semaphore, #tpu.memory_space<semaphore_mem>>) src(%arg8 : memref<128x128xf32, #tpu.memory_space<vmem>>) dst(%dma_wait3A_60 : memref<128x128xf32, #tpu.memory_space<vmem_shared>>)
      tpu.yield
    }) : () -> ()
    %mul3A_19 = arith.constant 640 : i32
    %mul3A_20 = arith.muli %arg1, %mul3A_19 : i32
    %add3A_21 = arith.constant 384 : i32
    %add3A_22 = arith.addi %mul3A_20, %add3A_21 : i32
    "tpu.region"() ({
      %run_scoped3A = tpu.sem_alloc : memref<!tpu.dma_semaphore, #tpu.memory_space<semaphore_mem>>
      %dma_start3A = arith.constant 0 : i32
      %dma_start3A_55 = tpu.memref_slice %arg9[%add3A_22, %dma_start3A] : memref<10240x128xf32, #tpu.memory_space<vmem_shared>> -> memref<128x128xf32, #tpu.memory_space<vmem_shared>>
      %dma_start3A_56 = arith.constant 0 : i32
      %dma_start3A_57 = tpu.memref_slice %arg9[%add3A_22, %dma_start3A_56] : memref<10240x128xf32, #tpu.memory_space<vmem_shared>> -> memref<128x128xf32, #tpu.memory_space<vmem_shared>>
      tpu.enqueue_dma source(%arg8 : memref<128x128xf32, #tpu.memory_space<vmem>>) target(%dma_start3A_57 : memref<128x128xf32, #tpu.memory_space<vmem_shared>>) target_semaphore(%run_scoped3A : memref<!tpu.dma_semaphore, #tpu.memory_space<semaphore_mem>>)
      %dma_wait3A = arith.constant 0 : i32
      %dma_wait3A_58 = tpu.memref_slice %arg9[%add3A_22, %dma_wait3A] : memref<10240x128xf32, #tpu.memory_space<vmem_shared>> -> memref<128x128xf32, #tpu.memory_space<vmem_shared>>
      %dma_wait3A_59 = arith.constant 0 : i32
      %dma_wait3A_60 = tpu.memref_slice %arg9[%add3A_22, %dma_wait3A_59] : memref<10240x128xf32, #tpu.memory_space<vmem_shared>> -> memref<128x128xf32, #tpu.memory_space<vmem_shared>>
      tpu.wait_dma2 semaphore(%run_scoped3A : memref<!tpu.dma_semaphore, #tpu.memory_space<semaphore_mem>>) src(%arg8 : memref<128x128xf32, #tpu.memory_space<vmem>>) dst(%dma_wait3A_60 : memref<128x128xf32, #tpu.memory_space<vmem_shared>>)
      tpu.yield
    }) : () -> ()
    %mul3A_23 = arith.constant 640 : i32
    %mul3A_24 = arith.muli %arg1, %mul3A_23 : i32
    %add3A_25 = arith.constant 512 : i32
    %add3A_26 = arith.addi %mul3A_24, %add3A_25 : i32
    "tpu.region"() ({
      %run_scoped3A = tpu.sem_alloc : memref<!tpu.dma_semaphore, #tpu.memory_space<semaphore_mem>>
      %dma_start3A = arith.constant 0 : i32
      %dma_start3A_55 = tpu.memref_slice %arg9[%add3A_26, %dma_start3A] : memref<10240x128xf32, #tpu.memory_space<vmem_shared>> -> memref<128x128xf32, #tpu.memory_space<vmem_shared>>
      %dma_start3A_56 = arith.constant 0 : i32
      %dma_start3A_57 = tpu.memref_slice %arg9[%add3A_26, %dma_start3A_56] : memref<10240x128xf32, #tpu.memory_space<vmem_shared>> -> memref<128x128xf32, #tpu.memory_space<vmem_shared>>
      tpu.enqueue_dma source(%arg8 : memref<128x128xf32, #tpu.memory_space<vmem>>) target(%dma_start3A_57 : memref<128x128xf32, #tpu.memory_space<vmem_shared>>) target_semaphore(%run_scoped3A : memref<!tpu.dma_semaphore, #tpu.memory_space<semaphore_mem>>)
      %dma_wait3A = arith.constant 0 : i32
      %dma_wait3A_58 = tpu.memref_slice %arg9[%add3A_26, %dma_wait3A] : memref<10240x128xf32, #tpu.memory_space<vmem_shared>> -> memref<128x128xf32, #tpu.memory_space<vmem_shared>>
      %dma_wait3A_59 = arith.constant 0 : i32
      %dma_wait3A_60 = tpu.memref_slice %arg9[%add3A_26, %dma_wait3A_59] : memref<10240x128xf32, #tpu.memory_space<vmem_shared>> -> memref<128x128xf32, #tpu.memory_space<vmem_shared>>
      tpu.wait_dma2 semaphore(%run_scoped3A : memref<!tpu.dma_semaphore, #tpu.memory_space<semaphore_mem>>) src(%arg8 : memref<128x128xf32, #tpu.memory_space<vmem>>) dst(%dma_wait3A_60 : memref<128x128xf32, #tpu.memory_space<vmem_shared>>)
      tpu.yield
    }) : () -> ()
    %barrier3A = arith.constant 0 : index
    tpu.barrier barrier_id(%barrier3A)
    %scan3A_27 = arith.constant 0 : i32
    %scan3A_28 = arith.constant 0 : i32
    %scan3A_29 = arith.constant 79 : i32
    %scan3A_30 = arith.addi %scan3A_28, %scan3A_29 : i32
    %scan3A_31 = arith.constant 1 : i32
    %scan3A_32 = scf.for %scan3A_55 = %scan3A_28 to %scan3A_30 step %scan3A_31 iter_args(%scan3A_56 = %scan3A_27) -> (i32)  : i32 {
      %dma_start3A = arith.constant 0 : i32
      %dma_start3A_57 = tpu.memref_slice %arg6[%scan3A_55, %dma_start3A] : memref<79x128xi32, #tpu.memory_space<vmem>> -> memref<1x128xi32, #tpu.memory_space<vmem>>
      %dma_start3A_58 = tpu.memref_squeeze %dma_start3A_57 : memref<1x128xi32, #tpu.memory_space<vmem>> -> memref<128xi32, #tpu.memory_space<vmem>>
      %dma_start3A_59 = arith.constant 0 : i32
      %dma_start3A_60 = arith.constant 0 : i32
      %dma_start3A_61 = tpu.memref_slice %arg2[%dma_start3A_59, %dma_start3A_60] : memref<10000x128xf32, #tpu.memory_space<hbm>> -> memref<10000x128xf32, #tpu.memory_space<hbm>>
      tpu.enqueue_indirect_dma source(%dma_start3A_61 : memref<10000x128xf32, #tpu.memory_space<hbm>>) target(%arg8 : memref<128x128xf32, #tpu.memory_space<vmem>>) offsets(%dma_start3A_58 : memref<128xi32, #tpu.memory_space<vmem>>) semaphore(%arg10 : memref<!tpu.dma_semaphore, #tpu.memory_space<semaphore_mem>>)
      %dma_wait3A = arith.constant 0 : i32
      %dma_wait3A_62 = tpu.memref_slice %arg6[%scan3A_55, %dma_wait3A] : memref<79x128xi32, #tpu.memory_space<vmem>> -> memref<1x128xi32, #tpu.memory_space<vmem>>
      %dma_wait3A_63 = tpu.memref_squeeze %dma_wait3A_62 : memref<1x128xi32, #tpu.memory_space<vmem>> -> memref<128xi32, #tpu.memory_space<vmem>>
      %dma_wait3A_64 = arith.constant 0 : i32
      %dma_wait3A_65 = arith.constant 0 : i32
      %dma_wait3A_66 = tpu.memref_slice %arg2[%dma_wait3A_64, %dma_wait3A_65] : memref<10000x128xf32, #tpu.memory_space<hbm>> -> memref<10000x128xf32, #tpu.memory_space<hbm>>
      tpu.wait_indirect_dma semaphore(%arg10 : memref<!tpu.dma_semaphore, #tpu.memory_space<semaphore_mem>>) src(%dma_wait3A_66 : memref<10000x128xf32, #tpu.memory_space<hbm>>) dst(%arg8 : memref<128x128xf32, #tpu.memory_space<vmem>>)
      "tpu.region"() ({
        %run_scoped3A = tpu.sem_alloc : memref<!tpu.dma_semaphore, #tpu.memory_space<semaphore_mem>>
        %dma_start3A_68 = arith.constant 0 : i32
        %dma_start3A_69 = tpu.memref_slice %arg7[%scan3A_55, %dma_start3A_68] : memref<79x128xi32, #tpu.memory_space<vmem>> -> memref<1x128xi32, #tpu.memory_space<vmem>>
        %dma_start3A_70 = tpu.memref_squeeze %dma_start3A_69 : memref<1x128xi32, #tpu.memory_space<vmem>> -> memref<128xi32, #tpu.memory_space<vmem>>
        %dma_start3A_71 = arith.constant 0 : i32
        %dma_start3A_72 = arith.constant 0 : i32
        %dma_start3A_73 = tpu.memref_slice %arg9[%dma_start3A_71, %dma_start3A_72] : memref<10240x128xf32, #tpu.memory_space<vmem_shared>> -> memref<10240x128xf32, #tpu.memory_space<vmem_shared>>
        tpu.enqueue_indirect_dma source(%arg8 : memref<128x128xf32, #tpu.memory_space<vmem>>) target(%dma_start3A_73 : memref<10240x128xf32, #tpu.memory_space<vmem_shared>>) offsets(%dma_start3A_70 : memref<128xi32, #tpu.memory_space<vmem>>) semaphore(%run_scoped3A : memref<!tpu.dma_semaphore, #tpu.memory_space<semaphore_mem>>) {add = true}
        %dma_wait3A_74 = arith.constant 0 : i32
        %dma_wait3A_75 = tpu.memref_slice %arg7[%scan3A_55, %dma_wait3A_74] : memref<79x128xi32, #tpu.memory_space<vmem>> -> memref<1x128xi32, #tpu.memory_space<vmem>>
        %dma_wait3A_76 = tpu.memref_squeeze %dma_wait3A_75 : memref<1x128xi32, #tpu.memory_space<vmem>> -> memref<128xi32, #tpu.memory_space<vmem>>
        %dma_wait3A_77 = arith.constant 0 : i32
        %dma_wait3A_78 = arith.constant 0 : i32
        %dma_wait3A_79 = tpu.memref_slice %arg9[%dma_wait3A_77, %dma_wait3A_78] : memref<10240x128xf32, #tpu.memory_space<vmem_shared>> -> memref<10240x128xf32, #tpu.memory_space<vmem_shared>>
        tpu.wait_indirect_dma semaphore(%run_scoped3A : memref<!tpu.dma_semaphore, #tpu.memory_space<semaphore_mem>>) src(%arg8 : memref<128x128xf32, #tpu.memory_space<vmem>>) dst(%dma_wait3A_79 : memref<10240x128xf32, #tpu.memory_space<vmem_shared>>)
        tpu.yield
      }) : () -> ()
      %scan3A_67 = arith.constant 0 : i32
      scf.yield %scan3A_67 : i32
    }
    %scan3A_33 = arith.constant 79 : i32
    %barrier3A_34 = arith.constant 0 : index
    tpu.barrier barrier_id(%barrier3A_34)
    %mul3A_35 = arith.constant 640 : i32
    %mul3A_36 = arith.muli %arg1, %mul3A_35 : i32
    %add3A_37 = arith.constant 0 : i32
    %add3A_38 = arith.addi %mul3A_36, %add3A_37 : i32
    "tpu.region"() ({
      %run_scoped3A = tpu.sem_alloc : memref<!tpu.dma_semaphore, #tpu.memory_space<semaphore_mem>>
      %dma_start3A = arith.constant 0 : i32
      %dma_start3A_55 = tpu.memref_slice %arg5[%arg0, %add3A_38, %dma_start3A] : memref<2x10240x128xf32, #tpu.memory_space<hbm>> -> memref<1x128x128xf32, #tpu.memory_space<hbm>>
      %dma_start3A_56 = tpu.memref_squeeze %dma_start3A_55 : memref<1x128x128xf32, #tpu.memory_space<hbm>> -> memref<128x128xf32, #tpu.memory_space<hbm>>
      %dma_start3A_57 = arith.constant 0 : i32
      %dma_start3A_58 = tpu.memref_slice %arg9[%add3A_38, %dma_start3A_57] : memref<10240x128xf32, #tpu.memory_space<vmem_shared>> -> memref<128x128xf32, #tpu.memory_space<vmem_shared>>
      tpu.enqueue_dma source(%dma_start3A_58 : memref<128x128xf32, #tpu.memory_space<vmem_shared>>) target(%dma_start3A_56 : memref<128x128xf32, #tpu.memory_space<hbm>>) target_semaphore(%run_scoped3A : memref<!tpu.dma_semaphore, #tpu.memory_space<semaphore_mem>>)
      %dma_wait3A = arith.constant 0 : i32
      %dma_wait3A_59 = tpu.memref_slice %arg5[%arg0, %add3A_38, %dma_wait3A] : memref<2x10240x128xf32, #tpu.memory_space<hbm>> -> memref<1x128x128xf32, #tpu.memory_space<hbm>>
      %dma_wait3A_60 = tpu.memref_squeeze %dma_wait3A_59 : memref<1x128x128xf32, #tpu.memory_space<hbm>> -> memref<128x128xf32, #tpu.memory_space<hbm>>
      %dma_wait3A_61 = arith.constant 0 : i32
      %dma_wait3A_62 = tpu.memref_slice %arg9[%add3A_38, %dma_wait3A_61] : memref<10240x128xf32, #tpu.memory_space<vmem_shared>> -> memref<128x128xf32, #tpu.memory_space<vmem_shared>>
      tpu.wait_dma2 semaphore(%run_scoped3A : memref<!tpu.dma_semaphore, #tpu.memory_space<semaphore_mem>>) src(%dma_wait3A_62 : memref<128x128xf32, #tpu.memory_space<vmem_shared>>) dst(%dma_wait3A_60 : memref<128x128xf32, #tpu.memory_space<hbm>>)
      tpu.yield
    }) : () -> ()
    %mul3A_39 = arith.constant 640 : i32
    %mul3A_40 = arith.muli %arg1, %mul3A_39 : i32
    %add3A_41 = arith.constant 128 : i32
    %add3A_42 = arith.addi %mul3A_40, %add3A_41 : i32
    "tpu.region"() ({
      %run_scoped3A = tpu.sem_alloc : memref<!tpu.dma_semaphore, #tpu.memory_space<semaphore_mem>>
      %dma_start3A = arith.constant 0 : i32
      %dma_start3A_55 = tpu.memref_slice %arg5[%arg0, %add3A_42, %dma_start3A] : memref<2x10240x128xf32, #tpu.memory_space<hbm>> -> memref<1x128x128xf32, #tpu.memory_space<hbm>>
      %dma_start3A_56 = tpu.memref_squeeze %dma_start3A_55 : memref<1x128x128xf32, #tpu.memory_space<hbm>> -> memref<128x128xf32, #tpu.memory_space<hbm>>
      %dma_start3A_57 = arith.constant 0 : i32
      %dma_start3A_58 = tpu.memref_slice %arg9[%add3A_42, %dma_start3A_57] : memref<10240x128xf32, #tpu.memory_space<vmem_shared>> -> memref<128x128xf32, #tpu.memory_space<vmem_shared>>
      tpu.enqueue_dma source(%dma_start3A_58 : memref<128x128xf32, #tpu.memory_space<vmem_shared>>) target(%dma_start3A_56 : memref<128x128xf32, #tpu.memory_space<hbm>>) target_semaphore(%run_scoped3A : memref<!tpu.dma_semaphore, #tpu.memory_space<semaphore_mem>>)
      %dma_wait3A = arith.constant 0 : i32
      %dma_wait3A_59 = tpu.memref_slice %arg5[%arg0, %add3A_42, %dma_wait3A] : memref<2x10240x128xf32, #tpu.memory_space<hbm>> -> memref<1x128x128xf32, #tpu.memory_space<hbm>>
      %dma_wait3A_60 = tpu.memref_squeeze %dma_wait3A_59 : memref<1x128x128xf32, #tpu.memory_space<hbm>> -> memref<128x128xf32, #tpu.memory_space<hbm>>
      %dma_wait3A_61 = arith.constant 0 : i32
      %dma_wait3A_62 = tpu.memref_slice %arg9[%add3A_42, %dma_wait3A_61] : memref<10240x128xf32, #tpu.memory_space<vmem_shared>> -> memref<128x128xf32, #tpu.memory_space<vmem_shared>>
      tpu.wait_dma2 semaphore(%run_scoped3A : memref<!tpu.dma_semaphore, #tpu.memory_space<semaphore_mem>>) src(%dma_wait3A_62 : memref<128x128xf32, #tpu.memory_space<vmem_shared>>) dst(%dma_wait3A_60 : memref<128x128xf32, #tpu.memory_space<hbm>>)
      tpu.yield
    }) : () -> ()
    %mul3A_43 = arith.constant 640 : i32
    %mul3A_44 = arith.muli %arg1, %mul3A_43 : i32
    %add3A_45 = arith.constant 256 : i32
    %add3A_46 = arith.addi %mul3A_44, %add3A_45 : i32
    "tpu.region"() ({
      %run_scoped3A = tpu.sem_alloc : memref<!tpu.dma_semaphore, #tpu.memory_space<semaphore_mem>>
      %dma_start3A = arith.constant 0 : i32
      %dma_start3A_55 = tpu.memref_slice %arg5[%arg0, %add3A_46, %dma_start3A] : memref<2x10240x128xf32, #tpu.memory_space<hbm>> -> memref<1x128x128xf32, #tpu.memory_space<hbm>>
      %dma_start3A_56 = tpu.memref_squeeze %dma_start3A_55 : memref<1x128x128xf32, #tpu.memory_space<hbm>> -> memref<128x128xf32, #tpu.memory_space<hbm>>
      %dma_start3A_57 = arith.constant 0 : i32
      %dma_start3A_58 = tpu.memref_slice %arg9[%add3A_46, %dma_start3A_57] : memref<10240x128xf32, #tpu.memory_space<vmem_shared>> -> memref<128x128xf32, #tpu.memory_space<vmem_shared>>
      tpu.enqueue_dma source(%dma_start3A_58 : memref<128x128xf32, #tpu.memory_space<vmem_shared>>) target(%dma_start3A_56 : memref<128x128xf32, #tpu.memory_space<hbm>>) target_semaphore(%run_scoped3A : memref<!tpu.dma_semaphore, #tpu.memory_space<semaphore_mem>>)
      %dma_wait3A = arith.constant 0 : i32
      %dma_wait3A_59 = tpu.memref_slice %arg5[%arg0, %add3A_46, %dma_wait3A] : memref<2x10240x128xf32, #tpu.memory_space<hbm>> -> memref<1x128x128xf32, #tpu.memory_space<hbm>>
      %dma_wait3A_60 = tpu.memref_squeeze %dma_wait3A_59 : memref<1x128x128xf32, #tpu.memory_space<hbm>> -> memref<128x128xf32, #tpu.memory_space<hbm>>
      %dma_wait3A_61 = arith.constant 0 : i32
      %dma_wait3A_62 = tpu.memref_slice %arg9[%add3A_46, %dma_wait3A_61] : memref<10240x128xf32, #tpu.memory_space<vmem_shared>> -> memref<128x128xf32, #tpu.memory_space<vmem_shared>>
      tpu.wait_dma2 semaphore(%run_scoped3A : memref<!tpu.dma_semaphore, #tpu.memory_space<semaphore_mem>>) src(%dma_wait3A_62 : memref<128x128xf32, #tpu.memory_space<vmem_shared>>) dst(%dma_wait3A_60 : memref<128x128xf32, #tpu.memory_space<hbm>>)
      tpu.yield
    }) : () -> ()
    %mul3A_47 = arith.constant 640 : i32
    %mul3A_48 = arith.muli %arg1, %mul3A_47 : i32
    %add3A_49 = arith.constant 384 : i32
    %add3A_50 = arith.addi %mul3A_48, %add3A_49 : i32
    "tpu.region"() ({
      %run_scoped3A = tpu.sem_alloc : memref<!tpu.dma_semaphore, #tpu.memory_space<semaphore_mem>>
      %dma_start3A = arith.constant 0 : i32
      %dma_start3A_55 = tpu.memref_slice %arg5[%arg0, %add3A_50, %dma_start3A] : memref<2x10240x128xf32, #tpu.memory_space<hbm>> -> memref<1x128x128xf32, #tpu.memory_space<hbm>>
      %dma_start3A_56 = tpu.memref_squeeze %dma_start3A_55 : memref<1x128x128xf32, #tpu.memory_space<hbm>> -> memref<128x128xf32, #tpu.memory_space<hbm>>
      %dma_start3A_57 = arith.constant 0 : i32
      %dma_start3A_58 = tpu.memref_slice %arg9[%add3A_50, %dma_start3A_57] : memref<10240x128xf32, #tpu.memory_space<vmem_shared>> -> memref<128x128xf32, #tpu.memory_space<vmem_shared>>
      tpu.enqueue_dma source(%dma_start3A_58 : memref<128x128xf32, #tpu.memory_space<vmem_shared>>) target(%dma_start3A_56 : memref<128x128xf32, #tpu.memory_space<hbm>>) target_semaphore(%run_scoped3A : memref<!tpu.dma_semaphore, #tpu.memory_space<semaphore_mem>>)
      %dma_wait3A = arith.constant 0 : i32
      %dma_wait3A_59 = tpu.memref_slice %arg5[%arg0, %add3A_50, %dma_wait3A] : memref<2x10240x128xf32, #tpu.memory_space<hbm>> -> memref<1x128x128xf32, #tpu.memory_space<hbm>>
      %dma_wait3A_60 = tpu.memref_squeeze %dma_wait3A_59 : memref<1x128x128xf32, #tpu.memory_space<hbm>> -> memref<128x128xf32, #tpu.memory_space<hbm>>
      %dma_wait3A_61 = arith.constant 0 : i32
      %dma_wait3A_62 = tpu.memref_slice %arg9[%add3A_50, %dma_wait3A_61] : memref<10240x128xf32, #tpu.memory_space<vmem_shared>> -> memref<128x128xf32, #tpu.memory_space<vmem_shared>>
      tpu.wait_dma2 semaphore(%run_scoped3A : memref<!tpu.dma_semaphore, #tpu.memory_space<semaphore_mem>>) src(%dma_wait3A_62 : memref<128x128xf32, #tpu.memory_space<vmem_shared>>) dst(%dma_wait3A_60 : memref<128x128xf32, #tpu.memory_space<hbm>>)
      tpu.yield
    }) : () -> ()
    %mul3A_51 = arith.constant 640 : i32
    %mul3A_52 = arith.muli %arg1, %mul3A_51 : i32
    %add3A_53 = arith.constant 512 : i32
    %add3A_54 = arith.addi %mul3A_52, %add3A_53 : i32
    "tpu.region"() ({
      %run_scoped3A = tpu.sem_alloc : memref<!tpu.dma_semaphore, #tpu.memory_space<semaphore_mem>>
      %dma_start3A = arith.constant 0 : i32
      %dma_start3A_55 = tpu.memref_slice %arg5[%arg0, %add3A_54, %dma_start3A] : memref<2x10240x128xf32, #tpu.memory_space<hbm>> -> memref<1x128x128xf32, #tpu.memory_space<hbm>>
      %dma_start3A_56 = tpu.memref_squeeze %dma_start3A_55 : memref<1x128x128xf32, #tpu.memory_space<hbm>> -> memref<128x128xf32, #tpu.memory_space<hbm>>
      %dma_start3A_57 = arith.constant 0 : i32
      %dma_start3A_58 = tpu.memref_slice %arg9[%add3A_54, %dma_start3A_57] : memref<10240x128xf32, #tpu.memory_space<vmem_shared>> -> memref<128x128xf32, #tpu.memory_space<vmem_shared>>
      tpu.enqueue_dma source(%dma_start3A_58 : memref<128x128xf32, #tpu.memory_space<vmem_shared>>) target(%dma_start3A_56 : memref<128x128xf32, #tpu.memory_space<hbm>>) target_semaphore(%run_scoped3A : memref<!tpu.dma_semaphore, #tpu.memory_space<semaphore_mem>>)
      %dma_wait3A = arith.constant 0 : i32
      %dma_wait3A_59 = tpu.memref_slice %arg5[%arg0, %add3A_54, %dma_wait3A] : memref<2x10240x128xf32, #tpu.memory_space<hbm>> -> memref<1x128x128xf32, #tpu.memory_space<hbm>>
      %dma_wait3A_60 = tpu.memref_squeeze %dma_wait3A_59 : memref<1x128x128xf32, #tpu.memory_space<hbm>> -> memref<128x128xf32, #tpu.memory_space<hbm>>
      %dma_wait3A_61 = arith.constant 0 : i32
      %dma_wait3A_62 = tpu.memref_slice %arg9[%add3A_54, %dma_wait3A_61] : memref<10240x128xf32, #tpu.memory_space<vmem_shared>> -> memref<128x128xf32, #tpu.memory_space<vmem_shared>>
      tpu.wait_dma2 semaphore(%run_scoped3A : memref<!tpu.dma_semaphore, #tpu.memory_space<semaphore_mem>>) src(%dma_wait3A_62 : memref<128x128xf32, #tpu.memory_space<vmem_shared>>) dst(%dma_wait3A_60 : memref<128x128xf32, #tpu.memory_space<hbm>>)
      tpu.yield
    }) : () -> ()
    return
  }
}

module attributes {stable_mosaic.version = 14 : i64} {
  func.func @_entry_body(%arg0: i32, %arg1: memref<1000x128xf32, #tpu.memory_space<vmem>>, %arg2: memref<128x128xf32, #tpu.memory_space<vmem>>, %arg3: memref<1x128xf32, #tpu.memory_space<vmem>>, %arg4: memref<128x128xf32, #tpu.memory_space<vmem>>, %arg5: memref<128x128xf32, #tpu.memory_space<vmem>>, %arg6: memref<1x128xf32, #tpu.memory_space<vmem>>, %arg7: memref<1000x128xf32, #tpu.memory_space<vmem>>, %arg8: memref<1000x128xf32, #tpu.memory_space<vmem>>, %arg9: memref<1000x128xf32, #tpu.memory_space<vmem>>) attributes {dimension_semantics = [#tpu.dimension_semantics<arbitrary>], iteration_bounds = array<i64: 10>, scalar_prefetch = 0 : i64, scratch_operands = 0 : i64, tpu.core_type = #tpu.core_type<tc>, window_params = [{transform_indices = @transform_0, window_bounds = array<i64: 1000, 128>}, {pipeline_mode = #tpu.pipeline_mode<synchronous>, transform_indices = @transform_1, window_bounds = array<i64: 128, 128>}, {pipeline_mode = #tpu.pipeline_mode<synchronous>, transform_indices = @transform_2, window_bounds = array<i64: 1, 128>}, {pipeline_mode = #tpu.pipeline_mode<synchronous>, transform_indices = @transform_3, window_bounds = array<i64: 128, 128>}, {pipeline_mode = #tpu.pipeline_mode<synchronous>, transform_indices = @transform_4, window_bounds = array<i64: 128, 128>}, {pipeline_mode = #tpu.pipeline_mode<synchronous>, transform_indices = @transform_5, window_bounds = array<i64: 1, 128>}, {transform_indices = @transform_6, window_bounds = array<i64: 1000, 128>}, {transform_indices = @transform_7, window_bounds = array<i64: 1000, 128>}, {transform_indices = @transform_8, window_bounds = array<i64: 1000, 128>}]} {
    %get3A = arith.constant 0 : index
    %get3A_0 = arith.constant 0 : index
    %get3A_1 = vector.load %arg1[%get3A, %get3A_0] : memref<1000x128xf32, #tpu.memory_space<vmem>>, vector<1000x128xf32>
    %get3A_2 = arith.constant 0 : index
    %get3A_3 = arith.constant 0 : index
    %get3A_4 = vector.load %arg2[%get3A_2, %get3A_3] : memref<128x128xf32, #tpu.memory_space<vmem>>, vector<128x128xf32>
    %dot_general3A = arith.constant dense<0.000000e+00> : vector<1000x128xf32>
    %dot_general3A_5 = tpu.matmul %get3A_1, %get3A_4, %dot_general3A {dimension_numbers = #tpu.dot_dimension_numbers<[1], [0], [0], [1], [0, 0, 1, 1], [], []>, transpose_lhs_hint = false} : vector<1000x128xf32>, vector<128x128xf32>, vector<1000x128xf32> -> vector<1000x128xf32>
    %get3A_6 = arith.constant 0 : index
    %get3A_7 = arith.constant 0 : index
    %get3A_8 = vector.load %arg3[%get3A_6, %get3A_7] : memref<1x128xf32, #tpu.memory_space<vmem>>, vector<1x128xf32>
    %add3A = vector.broadcast %get3A_8 : vector<1x128xf32> to vector<1000x128xf32>
    %add3A_9 = arith.addf %dot_general3A_5, %add3A : vector<1000x128xf32>
    %swap3A = arith.constant 0 : index
    %swap3A_10 = arith.constant 0 : index
    %swap3A_11 = vector.load %arg7[%swap3A, %swap3A_10] : memref<1000x128xf32, #tpu.memory_space<vmem>>, vector<1000x128xf32>
    tpu.vector_store %arg7[%swap3A, %swap3A_10], %add3A_9 {strides = array<i32>} : memref<1000x128xf32, #tpu.memory_space<vmem>>, vector<1000x128xf32>,
    %get3A_12 = arith.constant 0 : index
    %get3A_13 = arith.constant 0 : index
    %get3A_14 = vector.load %arg4[%get3A_12, %get3A_13] : memref<128x128xf32, #tpu.memory_space<vmem>>, vector<128x128xf32>
    %dot_general3A_15 = arith.constant dense<0.000000e+00> : vector<1000x128xf32>
    %dot_general3A_16 = tpu.matmul %add3A_9, %get3A_14, %dot_general3A_15 {dimension_numbers = #tpu.dot_dimension_numbers<[1], [0], [0], [1], [0, 0, 1, 1], [], []>, transpose_lhs_hint = false} : vector<1000x128xf32>, vector<128x128xf32>, vector<1000x128xf32> -> vector<1000x128xf32>
    %swap3A_17 = arith.constant 0 : index
    %swap3A_18 = arith.constant 0 : index
    %swap3A_19 = vector.load %arg8[%swap3A_17, %swap3A_18] : memref<1000x128xf32, #tpu.memory_space<vmem>>, vector<1000x128xf32>
    tpu.vector_store %arg8[%swap3A_17, %swap3A_18], %dot_general3A_16 {strides = array<i32>} : memref<1000x128xf32, #tpu.memory_space<vmem>>, vector<1000x128xf32>,
    %get3A_20 = arith.constant 0 : index
    %get3A_21 = arith.constant 0 : index
    %get3A_22 = vector.load %arg5[%get3A_20, %get3A_21] : memref<128x128xf32, #tpu.memory_space<vmem>>, vector<128x128xf32>
    %dot_general3A_23 = arith.constant dense<0.000000e+00> : vector<1000x128xf32>
    %dot_general3A_24 = tpu.matmul %add3A_9, %get3A_22, %dot_general3A_23 {dimension_numbers = #tpu.dot_dimension_numbers<[1], [0], [0], [1], [0, 0, 1, 1], [], []>, transpose_lhs_hint = false} : vector<1000x128xf32>, vector<128x128xf32>, vector<1000x128xf32> -> vector<1000x128xf32>
    %get3A_25 = arith.constant 0 : index
    %get3A_26 = arith.constant 0 : index
    %get3A_27 = vector.load %arg6[%get3A_25, %get3A_26] : memref<1x128xf32, #tpu.memory_space<vmem>>, vector<1x128xf32>
    %add3A_28 = vector.broadcast %get3A_27 : vector<1x128xf32> to vector<1000x128xf32>
    %add3A_29 = arith.addf %dot_general3A_24, %add3A_28 : vector<1000x128xf32>
    %swap3A_30 = arith.constant 0 : index
    %swap3A_31 = arith.constant 0 : index
    %swap3A_32 = vector.load %arg9[%swap3A_30, %swap3A_31] : memref<1000x128xf32, #tpu.memory_space<vmem>>, vector<1000x128xf32>
    tpu.vector_store %arg9[%swap3A_30, %swap3A_31], %add3A_29 {strides = array<i32>} : memref<1000x128xf32, #tpu.memory_space<vmem>>, vector<1000x128xf32>,
    return
  }
  func.func @transform_0(%arg0: i32) -> (i32, i32) {
    %c0_i32 = arith.constant 0 : i32
    %c0_i32_0 = arith.constant 0 : i32
    return %arg0, %c0_i32 : i32, i32
  }
  func.func @transform_1(%arg0: i32) -> (i32, i32) {
    %c0_i32 = arith.constant 0 : i32
    %c0_i32_0 = arith.constant 0 : i32
    %c0_i32_1 = arith.constant 0 : i32
    return %c0_i32, %c0_i32_0 : i32, i32
  }
  func.func @transform_2(%arg0: i32) -> (i32, i32) {
    %c0_i32 = arith.constant 0 : i32
    %c0_i32_0 = arith.constant 0 : i32
    %c0_i32_1 = arith.constant 0 : i32
    return %c0_i32, %c0_i32_0 : i32, i32
  }
  func.func @transform_3(%arg0: i32) -> (i32, i32) {
    %c0_i32 = arith.constant 0 : i32
    %c0_i32_0 = arith.constant 0 : i32
    %c0_i32_1 = arith.constant 0 : i32
    return %c0_i32, %c0_i32_0 : i32, i32
  }
  func.func @transform_4(%arg0: i32) -> (i32, i32) {
    %c0_i32 = arith.constant 0 : i32
    %c0_i32_0 = arith.constant 0 : i32
    %c0_i32_1 = arith.constant 0 : i32
    return %c0_i32, %c0_i32_0 : i32, i32
  }
  func.func @transform_5(%arg0: i32) -> (i32, i32) {
    %c0_i32 = arith.constant 0 : i32
    %c0_i32_0 = arith.constant 0 : i32
    %c0_i32_1 = arith.constant 0 : i32
    return %c0_i32, %c0_i32_0 : i32, i32
  }
  func.func @transform_6(%arg0: i32) -> (i32, i32) {
    %c0_i32 = arith.constant 0 : i32
    %c0_i32_0 = arith.constant 0 : i32
    return %arg0, %c0_i32 : i32, i32
  }
  func.func @transform_7(%arg0: i32) -> (i32, i32) {
    %c0_i32 = arith.constant 0 : i32
    %c0_i32_0 = arith.constant 0 : i32
    return %arg0, %c0_i32 : i32, i32
  }
  func.func @transform_8(%arg0: i32) -> (i32, i32) {
    %c0_i32 = arith.constant 0 : i32
    %c0_i32_0 = arith.constant 0 : i32
    return %arg0, %c0_i32 : i32, i32
  }
}

module attributes {stable_mosaic.version = 14 : i64} {
  func.func @_layer_body(%arg0: i32, %arg1: memref<2x1000x128xf32, #tpu.memory_space<vmem>>, %arg2: memref<1000x2xf32, #tpu.memory_space<vmem>>, %arg3: memref<1000x128xf32, #tpu.memory_space<vmem>>, %arg4: memref<1000x128xf32, #tpu.memory_space<vmem>>, %arg5: memref<1x128xf32, #tpu.memory_space<vmem>>, %arg6: memref<1x128xf32, #tpu.memory_space<vmem>>, %arg7: memref<128x128xf32, #tpu.memory_space<vmem>>, %arg8: memref<128x128xf32, #tpu.memory_space<vmem>>, %arg9: memref<1x128xf32, #tpu.memory_space<vmem>>, %arg10: memref<1000x128xf32, #tpu.memory_space<vmem>>, %arg11: memref<1000x128xf32, #tpu.memory_space<vmem>>, %arg12: memref<1000x128xf32, #tpu.memory_space<vmem>>) attributes {dimension_semantics = [#tpu.dimension_semantics<arbitrary>], iteration_bounds = array<i64: 10>, scalar_prefetch = 0 : i64, scratch_operands = 0 : i64, tpu.core_type = #tpu.core_type<tc>, window_params = [{transform_indices = @transform_0, window_bounds = array<i64: 2, 1000, 128>}, {transform_indices = @transform_1, window_bounds = array<i64: 1000, 2>}, {transform_indices = @transform_2, window_bounds = array<i64: 1000, 128>}, {transform_indices = @transform_3, window_bounds = array<i64: 1000, 128>}, {pipeline_mode = #tpu.pipeline_mode<synchronous>, transform_indices = @transform_4, window_bounds = array<i64: 1, 128>}, {pipeline_mode = #tpu.pipeline_mode<synchronous>, transform_indices = @transform_5, window_bounds = array<i64: 1, 128>}, {pipeline_mode = #tpu.pipeline_mode<synchronous>, transform_indices = @transform_6, window_bounds = array<i64: 128, 128>}, {pipeline_mode = #tpu.pipeline_mode<synchronous>, transform_indices = @transform_7, window_bounds = array<i64: 128, 128>}, {pipeline_mode = #tpu.pipeline_mode<synchronous>, transform_indices = @transform_8, window_bounds = array<i64: 1, 128>}, {transform_indices = @transform_9, window_bounds = array<i64: 1000, 128>}, {transform_indices = @transform_10, window_bounds = array<i64: 1000, 128>}, {transform_indices = @transform_11, window_bounds = array<i64: 1000, 128>}]} {
    %get3A = arith.constant 0 : index
    %get3A_0 = arith.constant 0 : index
    %get3A_1 = arith.constant 0 : index
    %get3A_2 = vector.load %arg1[%get3A, %get3A_0, %get3A_1] : memref<2x1000x128xf32, #tpu.memory_space<vmem>>, vector<2x1000x128xf32>
    %get3A_3 = arith.constant 0 : index
    %get3A_4 = arith.constant 0 : index
    %get3A_5 = vector.load %arg2[%get3A_3, %get3A_4] : memref<1000x2xf32, #tpu.memory_space<vmem>>, vector<1000x2xf32>
    %get3A_6 = arith.constant 0 : index
    %get3A_7 = arith.constant 0 : index
    %get3A_8 = vector.load %arg3[%get3A_6, %get3A_7] : memref<1000x128xf32, #tpu.memory_space<vmem>>, vector<1000x128xf32>
    %slice3A = vector.extract_strided_slice %get3A_2 {offsets = [0, 0, 0], sizes = [1, 1000, 128], strides = [1, 1, 1]} : vector<2x1000x128xf32> to vector<1x1000x128xf32>
    %squeeze3A = vector.shape_cast %slice3A : vector<1x1000x128xf32> to vector<1000x128xf32>
    %slice3A_9 = vector.extract_strided_slice %get3A_2 {offsets = [1, 0, 0], sizes = [1, 1000, 128], strides = [1, 1, 1]} : vector<2x1000x128xf32> to vector<1x1000x128xf32>
    %squeeze3A_10 = vector.shape_cast %slice3A_9 : vector<1x1000x128xf32> to vector<1000x128xf32>
    %add3A = arith.addf %squeeze3A, %squeeze3A_10 : vector<1000x128xf32>
    %slice3A_11 = vector.extract_strided_slice %get3A_5 {offsets = [0, 0], sizes = [1000, 1], strides = [1, 1]} : vector<1000x2xf32> to vector<1000x1xf32>
    %slice3A_12 = vector.extract_strided_slice %get3A_5 {offsets = [0, 1], sizes = [1000, 1], strides = [1, 1]} : vector<1000x2xf32> to vector<1000x1xf32>
    %add3A_13 = arith.addf %slice3A_11, %slice3A_12 : vector<1000x1xf32>
    %max3A = arith.constant 1.000000e+00 : f32
    %max3A_14 = vector.broadcast %max3A : f32 to vector<1000x1xf32>
    %max3A_15 = arith.maximumf %add3A_13, %max3A_14 : vector<1000x1xf32>
    %div3A = vector.broadcast %max3A_15 : vector<1000x1xf32> to vector<1000x128xf32>
    %div3A_16 = arith.divf %add3A, %div3A : vector<1000x128xf32>
    %add3A_17 = arith.addf %div3A_16, %get3A_8 : vector<1000x128xf32>
    %mul3A = arith.mulf %add3A_17, %add3A_17 : vector<1000x128xf32>
    %reduce_sum3A = arith.constant dense<0.000000e+00> : vector<1000xf32>
    %reduce_sum3A_18 = vector.multi_reduction <add>, %mul3A, %reduce_sum3A [1] : vector<1000x128xf32> to vector<1000xf32>
    %broadcast_in_dim3A = vector.shape_cast %reduce_sum3A_18 : vector<1000xf32> to vector<1000x1xf32>
    %sqrt3A = math.sqrt %broadcast_in_dim3A : vector<1000x1xf32>
    %max3A_19 = arith.constant 9.99999996E-13 : f32
    %max3A_20 = vector.broadcast %max3A_19 : f32 to vector<1000x1xf32>
    %max3A_21 = arith.maximumf %sqrt3A, %max3A_20 : vector<1000x1xf32>
    %div3A_22 = vector.broadcast %max3A_21 : vector<1000x1xf32> to vector<1000x128xf32>
    %div3A_23 = arith.divf %add3A_17, %div3A_22 : vector<1000x128xf32>
    %reduce_sum3A_24 = arith.constant dense<0.000000e+00> : vector<1000xf32>
    %reduce_sum3A_25 = vector.multi_reduction <add>, %div3A_23, %reduce_sum3A_24 [1] : vector<1000x128xf32> to vector<1000xf32>
    %broadcast_in_dim3A_26 = vector.shape_cast %reduce_sum3A_25 : vector<1000xf32> to vector<1000x1xf32>
    %div3A_27 = arith.constant 1.280000e+02 : f32
    %div3A_28 = vector.broadcast %div3A_27 : f32 to vector<1000x1xf32>
    %div3A_29 = arith.divf %broadcast_in_dim3A_26, %div3A_28 : vector<1000x1xf32>
    %sub3A = vector.broadcast %div3A_29 : vector<1000x1xf32> to vector<1000x128xf32>
    %sub3A_30 = arith.subf %div3A_23, %sub3A : vector<1000x128xf32>
    %sub3A_31 = vector.broadcast %div3A_29 : vector<1000x1xf32> to vector<1000x128xf32>
    %sub3A_32 = arith.subf %div3A_23, %sub3A_31 : vector<1000x128xf32>
    %mul3A_33 = arith.mulf %sub3A_30, %sub3A_32 : vector<1000x128xf32>
    %reduce_sum3A_34 = arith.constant dense<0.000000e+00> : vector<1000xf32>
    %reduce_sum3A_35 = vector.multi_reduction <add>, %mul3A_33, %reduce_sum3A_34 [1] : vector<1000x128xf32> to vector<1000xf32>
    %broadcast_in_dim3A_36 = vector.shape_cast %reduce_sum3A_35 : vector<1000xf32> to vector<1000x1xf32>
    %div3A_37 = arith.constant 1.280000e+02 : f32
    %div3A_38 = vector.broadcast %div3A_37 : f32 to vector<1000x1xf32>
    %div3A_39 = arith.divf %broadcast_in_dim3A_36, %div3A_38 : vector<1000x1xf32>
    %sub3A_40 = vector.broadcast %div3A_29 : vector<1000x1xf32> to vector<1000x128xf32>
    %sub3A_41 = arith.subf %div3A_23, %sub3A_40 : vector<1000x128xf32>
    %add3A_42 = arith.constant 9.99999974E-6 : f32
    %add3A_43 = vector.broadcast %add3A_42 : f32 to vector<1000x1xf32>
    %add3A_44 = arith.addf %div3A_39, %add3A_43 : vector<1000x1xf32>
    %sqrt3A_45 = math.sqrt %add3A_44 : vector<1000x1xf32>
    %div3A_46 = vector.broadcast %sqrt3A_45 : vector<1000x1xf32> to vector<1000x128xf32>
    %div3A_47 = arith.divf %sub3A_41, %div3A_46 : vector<1000x128xf32>
    %get3A_48 = arith.constant 0 : index
    %get3A_49 = arith.constant 0 : index
    %get3A_50 = vector.load %arg5[%get3A_48, %get3A_49] : memref<1x128xf32, #tpu.memory_space<vmem>>, vector<1x128xf32>
    %mul3A_51 = vector.broadcast %get3A_50 : vector<1x128xf32> to vector<1000x128xf32>
    %mul3A_52 = arith.mulf %div3A_47, %mul3A_51 : vector<1000x128xf32>
    %get3A_53 = arith.constant 0 : index
    %get3A_54 = arith.constant 0 : index
    %get3A_55 = vector.load %arg6[%get3A_53, %get3A_54] : memref<1x128xf32, #tpu.memory_space<vmem>>, vector<1x128xf32>
    %add3A_56 = vector.broadcast %get3A_55 : vector<1x128xf32> to vector<1000x128xf32>
    %add3A_57 = arith.addf %mul3A_52, %add3A_56 : vector<1000x128xf32>
    %logistic3A = arith.negf %add3A_57 : vector<1000x128xf32>
    %logistic3A_58 = math.exp %logistic3A : vector<1000x128xf32>
    %logistic3A_59 = arith.constant 1.000000e+00 : f32
    %logistic3A_60 = vector.broadcast %logistic3A_59 : f32 to vector<1000x128xf32>
    %logistic3A_61 = arith.addf %logistic3A_60, %logistic3A_58 : vector<1000x128xf32>
    %logistic3A_62 = arith.divf %logistic3A_60, %logistic3A_61 : vector<1000x128xf32>
    %mul3A_63 = arith.mulf %add3A_57, %logistic3A_62 : vector<1000x128xf32>
    %get3A_64 = arith.constant 0 : index
    %get3A_65 = arith.constant 0 : index
    %get3A_66 = vector.load %arg4[%get3A_64, %get3A_65] : memref<1000x128xf32, #tpu.memory_space<vmem>>, vector<1000x128xf32>
    %add3A_67 = arith.addf %mul3A_63, %get3A_66 : vector<1000x128xf32>
    %swap3A = arith.constant 0 : index
    %swap3A_68 = arith.constant 0 : index
    %swap3A_69 = vector.load %arg10[%swap3A, %swap3A_68] : memref<1000x128xf32, #tpu.memory_space<vmem>>, vector<1000x128xf32>
    tpu.vector_store %arg10[%swap3A, %swap3A_68], %add3A_67 {strides = array<i32>} : memref<1000x128xf32, #tpu.memory_space<vmem>>, vector<1000x128xf32>,
    %get3A_70 = arith.constant 0 : index
    %get3A_71 = arith.constant 0 : index
    %get3A_72 = vector.load %arg7[%get3A_70, %get3A_71] : memref<128x128xf32, #tpu.memory_space<vmem>>, vector<128x128xf32>
    %dot_general3A = arith.constant dense<0.000000e+00> : vector<1000x128xf32>
    %dot_general3A_73 = tpu.matmul %add3A_67, %get3A_72, %dot_general3A {dimension_numbers = #tpu.dot_dimension_numbers<[1], [0], [0], [1], [0, 0, 1, 1], [], []>, transpose_lhs_hint = false} : vector<1000x128xf32>, vector<128x128xf32>, vector<1000x128xf32> -> vector<1000x128xf32>
    %swap3A_74 = arith.constant 0 : index
    %swap3A_75 = arith.constant 0 : index
    %swap3A_76 = vector.load %arg11[%swap3A_74, %swap3A_75] : memref<1000x128xf32, #tpu.memory_space<vmem>>, vector<1000x128xf32>
    tpu.vector_store %arg11[%swap3A_74, %swap3A_75], %dot_general3A_73 {strides = array<i32>} : memref<1000x128xf32, #tpu.memory_space<vmem>>, vector<1000x128xf32>,
    %get3A_77 = arith.constant 0 : index
    %get3A_78 = arith.constant 0 : index
    %get3A_79 = vector.load %arg8[%get3A_77, %get3A_78] : memref<128x128xf32, #tpu.memory_space<vmem>>, vector<128x128xf32>
    %dot_general3A_80 = arith.constant dense<0.000000e+00> : vector<1000x128xf32>
    %dot_general3A_81 = tpu.matmul %add3A_67, %get3A_79, %dot_general3A_80 {dimension_numbers = #tpu.dot_dimension_numbers<[1], [0], [0], [1], [0, 0, 1, 1], [], []>, transpose_lhs_hint = false} : vector<1000x128xf32>, vector<128x128xf32>, vector<1000x128xf32> -> vector<1000x128xf32>
    %get3A_82 = arith.constant 0 : index
    %get3A_83 = arith.constant 0 : index
    %get3A_84 = vector.load %arg9[%get3A_82, %get3A_83] : memref<1x128xf32, #tpu.memory_space<vmem>>, vector<1x128xf32>
    %add3A_85 = vector.broadcast %get3A_84 : vector<1x128xf32> to vector<1000x128xf32>
    %add3A_86 = arith.addf %dot_general3A_81, %add3A_85 : vector<1000x128xf32>
    %swap3A_87 = arith.constant 0 : index
    %swap3A_88 = arith.constant 0 : index
    %swap3A_89 = vector.load %arg12[%swap3A_87, %swap3A_88] : memref<1000x128xf32, #tpu.memory_space<vmem>>, vector<1000x128xf32>
    tpu.vector_store %arg12[%swap3A_87, %swap3A_88], %add3A_86 {strides = array<i32>} : memref<1000x128xf32, #tpu.memory_space<vmem>>, vector<1000x128xf32>,
    return
  }
  func.func @transform_0(%arg0: i32) -> (i32, i32, i32) {
    %c0_i32 = arith.constant 0 : i32
    %c0_i32_0 = arith.constant 0 : i32
    %c0_i32_1 = arith.constant 0 : i32
    return %c0_i32, %arg0, %c0_i32_0 : i32, i32, i32
  }
  func.func @transform_1(%arg0: i32) -> (i32, i32) {
    %c0_i32 = arith.constant 0 : i32
    %c0_i32_0 = arith.constant 0 : i32
    return %arg0, %c0_i32 : i32, i32
  }
  func.func @transform_2(%arg0: i32) -> (i32, i32) {
    %c0_i32 = arith.constant 0 : i32
    %c0_i32_0 = arith.constant 0 : i32
    return %arg0, %c0_i32 : i32, i32
  }
  func.func @transform_3(%arg0: i32) -> (i32, i32) {
    %c0_i32 = arith.constant 0 : i32
    %c0_i32_0 = arith.constant 0 : i32
    return %arg0, %c0_i32 : i32, i32
  }
  func.func @transform_4(%arg0: i32) -> (i32, i32) {
    %c0_i32 = arith.constant 0 : i32
    %c0_i32_0 = arith.constant 0 : i32
    %c0_i32_1 = arith.constant 0 : i32
    return %c0_i32, %c0_i32_0 : i32, i32
  }
  func.func @transform_5(%arg0: i32) -> (i32, i32) {
    %c0_i32 = arith.constant 0 : i32
    %c0_i32_0 = arith.constant 0 : i32
    %c0_i32_1 = arith.constant 0 : i32
    return %c0_i32, %c0_i32_0 : i32, i32
  }
  func.func @transform_6(%arg0: i32) -> (i32, i32) {
    %c0_i32 = arith.constant 0 : i32
    %c0_i32_0 = arith.constant 0 : i32
    %c0_i32_1 = arith.constant 0 : i32
    return %c0_i32, %c0_i32_0 : i32, i32
  }
  func.func @transform_7(%arg0: i32) -> (i32, i32) {
    %c0_i32 = arith.constant 0 : i32
    %c0_i32_0 = arith.constant 0 : i32
    %c0_i32_1 = arith.constant 0 : i32
    return %c0_i32, %c0_i32_0 : i32, i32
  }
  func.func @transform_8(%arg0: i32) -> (i32, i32) {
    %c0_i32 = arith.constant 0 : i32
    %c0_i32_0 = arith.constant 0 : i32
    %c0_i32_1 = arith.constant 0 : i32
    return %c0_i32, %c0_i32_0 : i32, i32
  }
  func.func @transform_9(%arg0: i32) -> (i32, i32) {
    %c0_i32 = arith.constant 0 : i32
    %c0_i32_0 = arith.constant 0 : i32
    return %arg0, %c0_i32 : i32, i32
  }
  func.func @transform_10(%arg0: i32) -> (i32, i32) {
    %c0_i32 = arith.constant 0 : i32
    %c0_i32_0 = arith.constant 0 : i32
    return %arg0, %c0_i32 : i32, i32
  }
  func.func @transform_11(%arg0: i32) -> (i32, i32) {
    %c0_i32 = arith.constant 0 : i32
    %c0_i32_0 = arith.constant 0 : i32
    return %arg0, %c0_i32 : i32, i32
  }
}

module attributes {stable_mosaic.version = 14 : i64} {
  func.func @_final_body(%arg0: i32, %arg1: memref<2x1000x128xf32, #tpu.memory_space<vmem>>, %arg2: memref<1000x2xf32, #tpu.memory_space<vmem>>, %arg3: memref<1000x128xf32, #tpu.memory_space<vmem>>, %arg4: memref<1000x128xf32, #tpu.memory_space<vmem>>, %arg5: memref<1x128xf32, #tpu.memory_space<vmem>>, %arg6: memref<1x128xf32, #tpu.memory_space<vmem>>, %arg7: memref<128x128xf32, #tpu.memory_space<vmem>>, %arg8: memref<1x128xf32, #tpu.memory_space<vmem>>, %arg9: memref<128x128xf32, #tpu.memory_space<vmem>>, %arg10: memref<1x128xf32, #tpu.memory_space<vmem>>, %arg11: memref<1000x128xf32, #tpu.memory_space<vmem>>) attributes {dimension_semantics = [#tpu.dimension_semantics<arbitrary>], iteration_bounds = array<i64: 10>, scalar_prefetch = 0 : i64, scratch_operands = 0 : i64, tpu.core_type = #tpu.core_type<tc>, window_params = [{transform_indices = @transform_0, window_bounds = array<i64: 2, 1000, 128>}, {transform_indices = @transform_1, window_bounds = array<i64: 1000, 2>}, {transform_indices = @transform_2, window_bounds = array<i64: 1000, 128>}, {transform_indices = @transform_3, window_bounds = array<i64: 1000, 128>}, {pipeline_mode = #tpu.pipeline_mode<synchronous>, transform_indices = @transform_4, window_bounds = array<i64: 1, 128>}, {pipeline_mode = #tpu.pipeline_mode<synchronous>, transform_indices = @transform_5, window_bounds = array<i64: 1, 128>}, {pipeline_mode = #tpu.pipeline_mode<synchronous>, transform_indices = @transform_6, window_bounds = array<i64: 128, 128>}, {pipeline_mode = #tpu.pipeline_mode<synchronous>, transform_indices = @transform_7, window_bounds = array<i64: 1, 128>}, {pipeline_mode = #tpu.pipeline_mode<synchronous>, transform_indices = @transform_8, window_bounds = array<i64: 128, 128>}, {pipeline_mode = #tpu.pipeline_mode<synchronous>, transform_indices = @transform_9, window_bounds = array<i64: 1, 128>}, {transform_indices = @transform_10, window_bounds = array<i64: 1000, 128>}]} {
    %get3A = arith.constant 0 : index
    %get3A_0 = arith.constant 0 : index
    %get3A_1 = arith.constant 0 : index
    %get3A_2 = vector.load %arg1[%get3A, %get3A_0, %get3A_1] : memref<2x1000x128xf32, #tpu.memory_space<vmem>>, vector<2x1000x128xf32>
    %get3A_3 = arith.constant 0 : index
    %get3A_4 = arith.constant 0 : index
    %get3A_5 = vector.load %arg2[%get3A_3, %get3A_4] : memref<1000x2xf32, #tpu.memory_space<vmem>>, vector<1000x2xf32>
    %get3A_6 = arith.constant 0 : index
    %get3A_7 = arith.constant 0 : index
    %get3A_8 = vector.load %arg3[%get3A_6, %get3A_7] : memref<1000x128xf32, #tpu.memory_space<vmem>>, vector<1000x128xf32>
    %slice3A = vector.extract_strided_slice %get3A_2 {offsets = [0, 0, 0], sizes = [1, 1000, 128], strides = [1, 1, 1]} : vector<2x1000x128xf32> to vector<1x1000x128xf32>
    %squeeze3A = vector.shape_cast %slice3A : vector<1x1000x128xf32> to vector<1000x128xf32>
    %slice3A_9 = vector.extract_strided_slice %get3A_2 {offsets = [1, 0, 0], sizes = [1, 1000, 128], strides = [1, 1, 1]} : vector<2x1000x128xf32> to vector<1x1000x128xf32>
    %squeeze3A_10 = vector.shape_cast %slice3A_9 : vector<1x1000x128xf32> to vector<1000x128xf32>
    %add3A = arith.addf %squeeze3A, %squeeze3A_10 : vector<1000x128xf32>
    %slice3A_11 = vector.extract_strided_slice %get3A_5 {offsets = [0, 0], sizes = [1000, 1], strides = [1, 1]} : vector<1000x2xf32> to vector<1000x1xf32>
    %slice3A_12 = vector.extract_strided_slice %get3A_5 {offsets = [0, 1], sizes = [1000, 1], strides = [1, 1]} : vector<1000x2xf32> to vector<1000x1xf32>
    %add3A_13 = arith.addf %slice3A_11, %slice3A_12 : vector<1000x1xf32>
    %max3A = arith.constant 1.000000e+00 : f32
    %max3A_14 = vector.broadcast %max3A : f32 to vector<1000x1xf32>
    %max3A_15 = arith.maximumf %add3A_13, %max3A_14 : vector<1000x1xf32>
    %div3A = vector.broadcast %max3A_15 : vector<1000x1xf32> to vector<1000x128xf32>
    %div3A_16 = arith.divf %add3A, %div3A : vector<1000x128xf32>
    %add3A_17 = arith.addf %div3A_16, %get3A_8 : vector<1000x128xf32>
    %mul3A = arith.mulf %add3A_17, %add3A_17 : vector<1000x128xf32>
    %reduce_sum3A = arith.constant dense<0.000000e+00> : vector<1000xf32>
    %reduce_sum3A_18 = vector.multi_reduction <add>, %mul3A, %reduce_sum3A [1] : vector<1000x128xf32> to vector<1000xf32>
    %broadcast_in_dim3A = vector.shape_cast %reduce_sum3A_18 : vector<1000xf32> to vector<1000x1xf32>
    %sqrt3A = math.sqrt %broadcast_in_dim3A : vector<1000x1xf32>
    %max3A_19 = arith.constant 9.99999996E-13 : f32
    %max3A_20 = vector.broadcast %max3A_19 : f32 to vector<1000x1xf32>
    %max3A_21 = arith.maximumf %sqrt3A, %max3A_20 : vector<1000x1xf32>
    %div3A_22 = vector.broadcast %max3A_21 : vector<1000x1xf32> to vector<1000x128xf32>
    %div3A_23 = arith.divf %add3A_17, %div3A_22 : vector<1000x128xf32>
    %reduce_sum3A_24 = arith.constant dense<0.000000e+00> : vector<1000xf32>
    %reduce_sum3A_25 = vector.multi_reduction <add>, %div3A_23, %reduce_sum3A_24 [1] : vector<1000x128xf32> to vector<1000xf32>
    %broadcast_in_dim3A_26 = vector.shape_cast %reduce_sum3A_25 : vector<1000xf32> to vector<1000x1xf32>
    %div3A_27 = arith.constant 1.280000e+02 : f32
    %div3A_28 = vector.broadcast %div3A_27 : f32 to vector<1000x1xf32>
    %div3A_29 = arith.divf %broadcast_in_dim3A_26, %div3A_28 : vector<1000x1xf32>
    %sub3A = vector.broadcast %div3A_29 : vector<1000x1xf32> to vector<1000x128xf32>
    %sub3A_30 = arith.subf %div3A_23, %sub3A : vector<1000x128xf32>
    %sub3A_31 = vector.broadcast %div3A_29 : vector<1000x1xf32> to vector<1000x128xf32>
    %sub3A_32 = arith.subf %div3A_23, %sub3A_31 : vector<1000x128xf32>
    %mul3A_33 = arith.mulf %sub3A_30, %sub3A_32 : vector<1000x128xf32>
    %reduce_sum3A_34 = arith.constant dense<0.000000e+00> : vector<1000xf32>
    %reduce_sum3A_35 = vector.multi_reduction <add>, %mul3A_33, %reduce_sum3A_34 [1] : vector<1000x128xf32> to vector<1000xf32>
    %broadcast_in_dim3A_36 = vector.shape_cast %reduce_sum3A_35 : vector<1000xf32> to vector<1000x1xf32>
    %div3A_37 = arith.constant 1.280000e+02 : f32
    %div3A_38 = vector.broadcast %div3A_37 : f32 to vector<1000x1xf32>
    %div3A_39 = arith.divf %broadcast_in_dim3A_36, %div3A_38 : vector<1000x1xf32>
    %sub3A_40 = vector.broadcast %div3A_29 : vector<1000x1xf32> to vector<1000x128xf32>
    %sub3A_41 = arith.subf %div3A_23, %sub3A_40 : vector<1000x128xf32>
    %add3A_42 = arith.constant 9.99999974E-6 : f32
    %add3A_43 = vector.broadcast %add3A_42 : f32 to vector<1000x1xf32>
    %add3A_44 = arith.addf %div3A_39, %add3A_43 : vector<1000x1xf32>
    %sqrt3A_45 = math.sqrt %add3A_44 : vector<1000x1xf32>
    %div3A_46 = vector.broadcast %sqrt3A_45 : vector<1000x1xf32> to vector<1000x128xf32>
    %div3A_47 = arith.divf %sub3A_41, %div3A_46 : vector<1000x128xf32>
    %get3A_48 = arith.constant 0 : index
    %get3A_49 = arith.constant 0 : index
    %get3A_50 = vector.load %arg5[%get3A_48, %get3A_49] : memref<1x128xf32, #tpu.memory_space<vmem>>, vector<1x128xf32>
    %mul3A_51 = vector.broadcast %get3A_50 : vector<1x128xf32> to vector<1000x128xf32>
    %mul3A_52 = arith.mulf %div3A_47, %mul3A_51 : vector<1000x128xf32>
    %get3A_53 = arith.constant 0 : index
    %get3A_54 = arith.constant 0 : index
    %get3A_55 = vector.load %arg6[%get3A_53, %get3A_54] : memref<1x128xf32, #tpu.memory_space<vmem>>, vector<1x128xf32>
    %add3A_56 = vector.broadcast %get3A_55 : vector<1x128xf32> to vector<1000x128xf32>
    %add3A_57 = arith.addf %mul3A_52, %add3A_56 : vector<1000x128xf32>
    %logistic3A = arith.negf %add3A_57 : vector<1000x128xf32>
    %logistic3A_58 = math.exp %logistic3A : vector<1000x128xf32>
    %logistic3A_59 = arith.constant 1.000000e+00 : f32
    %logistic3A_60 = vector.broadcast %logistic3A_59 : f32 to vector<1000x128xf32>
    %logistic3A_61 = arith.addf %logistic3A_60, %logistic3A_58 : vector<1000x128xf32>
    %logistic3A_62 = arith.divf %logistic3A_60, %logistic3A_61 : vector<1000x128xf32>
    %mul3A_63 = arith.mulf %add3A_57, %logistic3A_62 : vector<1000x128xf32>
    %get3A_64 = arith.constant 0 : index
    %get3A_65 = arith.constant 0 : index
    %get3A_66 = vector.load %arg4[%get3A_64, %get3A_65] : memref<1000x128xf32, #tpu.memory_space<vmem>>, vector<1000x128xf32>
    %add3A_67 = arith.addf %mul3A_63, %get3A_66 : vector<1000x128xf32>
    %get3A_68 = arith.constant 0 : index
    %get3A_69 = arith.constant 0 : index
    %get3A_70 = vector.load %arg7[%get3A_68, %get3A_69] : memref<128x128xf32, #tpu.memory_space<vmem>>, vector<128x128xf32>
    %dot_general3A = arith.constant dense<0.000000e+00> : vector<1000x128xf32>
    %dot_general3A_71 = tpu.matmul %add3A_67, %get3A_70, %dot_general3A {dimension_numbers = #tpu.dot_dimension_numbers<[1], [0], [0], [1], [0, 0, 1, 1], [], []>, transpose_lhs_hint = false} : vector<1000x128xf32>, vector<128x128xf32>, vector<1000x128xf32> -> vector<1000x128xf32>
    %get3A_72 = arith.constant 0 : index
    %get3A_73 = arith.constant 0 : index
    %get3A_74 = vector.load %arg8[%get3A_72, %get3A_73] : memref<1x128xf32, #tpu.memory_space<vmem>>, vector<1x128xf32>
    %add3A_75 = vector.broadcast %get3A_74 : vector<1x128xf32> to vector<1000x128xf32>
    %add3A_76 = arith.addf %dot_general3A_71, %add3A_75 : vector<1000x128xf32>
    %logistic3A_77 = arith.negf %add3A_76 : vector<1000x128xf32>
    %logistic3A_78 = math.exp %logistic3A_77 : vector<1000x128xf32>
    %logistic3A_79 = arith.constant 1.000000e+00 : f32
    %logistic3A_80 = vector.broadcast %logistic3A_79 : f32 to vector<1000x128xf32>
    %logistic3A_81 = arith.addf %logistic3A_80, %logistic3A_78 : vector<1000x128xf32>
    %logistic3A_82 = arith.divf %logistic3A_80, %logistic3A_81 : vector<1000x128xf32>
    %mul3A_83 = arith.mulf %add3A_76, %logistic3A_82 : vector<1000x128xf32>
    %get3A_84 = arith.constant 0 : index
    %get3A_85 = arith.constant 0 : index
    %get3A_86 = vector.load %arg9[%get3A_84, %get3A_85] : memref<128x128xf32, #tpu.memory_space<vmem>>, vector<128x128xf32>
    %dot_general3A_87 = arith.constant dense<0.000000e+00> : vector<1000x128xf32>
    %dot_general3A_88 = tpu.matmul %mul3A_83, %get3A_86, %dot_general3A_87 {dimension_numbers = #tpu.dot_dimension_numbers<[1], [0], [0], [1], [0, 0, 1, 1], [], []>, transpose_lhs_hint = false} : vector<1000x128xf32>, vector<128x128xf32>, vector<1000x128xf32> -> vector<1000x128xf32>
    %get3A_89 = arith.constant 0 : index
    %get3A_90 = arith.constant 0 : index
    %get3A_91 = vector.load %arg10[%get3A_89, %get3A_90] : memref<1x128xf32, #tpu.memory_space<vmem>>, vector<1x128xf32>
    %add3A_92 = vector.broadcast %get3A_91 : vector<1x128xf32> to vector<1000x128xf32>
    %add3A_93 = arith.addf %dot_general3A_88, %add3A_92 : vector<1000x128xf32>
    %swap3A = arith.constant 0 : index
    %swap3A_94 = arith.constant 0 : index
    %swap3A_95 = vector.load %arg11[%swap3A, %swap3A_94] : memref<1000x128xf32, #tpu.memory_space<vmem>>, vector<1000x128xf32>
    tpu.vector_store %arg11[%swap3A, %swap3A_94], %add3A_93 {strides = array<i32>} : memref<1000x128xf32, #tpu.memory_space<vmem>>, vector<1000x128xf32>,
    return
  }
  func.func @transform_0(%arg0: i32) -> (i32, i32, i32) {
    %c0_i32 = arith.constant 0 : i32
    %c0_i32_0 = arith.constant 0 : i32
    %c0_i32_1 = arith.constant 0 : i32
    return %c0_i32, %arg0, %c0_i32_0 : i32, i32, i32
  }
  func.func @transform_1(%arg0: i32) -> (i32, i32) {
    %c0_i32 = arith.constant 0 : i32
    %c0_i32_0 = arith.constant 0 : i32
    return %arg0, %c0_i32 : i32, i32
  }
  func.func @transform_2(%arg0: i32) -> (i32, i32) {
    %c0_i32 = arith.constant 0 : i32
    %c0_i32_0 = arith.constant 0 : i32
    return %arg0, %c0_i32 : i32, i32
  }
  func.func @transform_3(%arg0: i32) -> (i32, i32) {
    %c0_i32 = arith.constant 0 : i32
    %c0_i32_0 = arith.constant 0 : i32
    return %arg0, %c0_i32 : i32, i32
  }
  func.func @transform_4(%arg0: i32) -> (i32, i32) {
    %c0_i32 = arith.constant 0 : i32
    %c0_i32_0 = arith.constant 0 : i32
    %c0_i32_1 = arith.constant 0 : i32
    return %c0_i32, %c0_i32_0 : i32, i32
  }
  func.func @transform_5(%arg0: i32) -> (i32, i32) {
    %c0_i32 = arith.constant 0 : i32
    %c0_i32_0 = arith.constant 0 : i32
    %c0_i32_1 = arith.constant 0 : i32
    return %c0_i32, %c0_i32_0 : i32, i32
  }
  func.func @transform_6(%arg0: i32) -> (i32, i32) {
    %c0_i32 = arith.constant 0 : i32
    %c0_i32_0 = arith.constant 0 : i32
    %c0_i32_1 = arith.constant 0 : i32
    return %c0_i32, %c0_i32_0 : i32, i32
  }
  func.func @transform_7(%arg0: i32) -> (i32, i32) {
    %c0_i32 = arith.constant 0 : i32
    %c0_i32_0 = arith.constant 0 : i32
    %c0_i32_1 = arith.constant 0 : i32
    return %c0_i32, %c0_i32_0 : i32, i32
  }
  func.func @transform_8(%arg0: i32) -> (i32, i32) {
    %c0_i32 = arith.constant 0 : i32
    %c0_i32_0 = arith.constant 0 : i32
    %c0_i32_1 = arith.constant 0 : i32
    return %c0_i32, %c0_i32_0 : i32, i32
  }
  func.func @transform_9(%arg0: i32) -> (i32, i32) {
    %c0_i32 = arith.constant 0 : i32
    %c0_i32_0 = arith.constant 0 : i32
    %c0_i32_1 = arith.constant 0 : i32
    return %c0_i32, %c0_i32_0 : i32, i32
  }
  func.func @transform_10(%arg0: i32) -> (i32, i32) {
    %c0_i32 = arith.constant 0 : i32
    %c0_i32_0 = arith.constant 0 : i32
    return %arg0, %c0_i32 : i32, i32
  }
}

</mosaic_0001>

<sc_bundles>
// kernel: kernel.11.cloned.1.call-start
scs
__scs_entry_jumppad:
0x0: {  	(pc) =	sbr.rel $0x88, $3  }
0x1: {  	(tag) =	ssettag $0x0;
	lr =	simm.s32 $0x1  }
0x2: {  	[smem:$0x3F94] =	sst lr;
	_ =	strace $0xD0000000  }
0x3: {  	_ = 	snop  }
0x4: {  	_ = 	snop  }
0x5: {  	_ = 	snop  }
0x6: {  	_ = 	snop  }
0x7: {  	_ = 	snop  }
__scs_overlays_trampoline_lowered:
0x8: {  	[smem:$0x3FA3] =	sst s0  }
0x9: {  	[smem:$0x3FA4] =	sst s1  }
0xa: {  	[smem:$0x3FA5] =	sst s2  }
0xb: {  	[smem:$0x3FA6] =	sst s3  }
0xc: {  	[smem:$0x3FA7] =	sst s4  }
0xd: {  	[smem:$0x3FA8] =	sst s5  }
0xe: {  	[smem:$0x3FA9] =	sst s6  }
0xf: {  	[smem:$0x3FAA] =	sst s7  }
0x10: {  	[smem:$0x3FAB] =	sst s8  }
0x11: {  	[smem:$0x3FAC] =	sst s9;
	s0 =	simm.s32 @!p0 $0x0  }
0x12: {  	s1 =	sld [smem:$0x3F92];
	s0 =	simm.s32 @p0 $0x1  }
0x13: {  	[smem:$0x3FAD] =	sst s0;
	s0 =	simm.s32 @!p1 $0x0  }
0x14: {  	s2 =	sld [smem:$0x3F91];
	s0 =	simm.s32 @p1 $0x1  }
0x15: {  	[smem:$0x3FAE] =	sst s0;
	s0 =	simm.s32 @!p2 $0x0  }
0x16: {  	s3 =	sld [smem:$0x3FDB];
	s0 =	simm.s32 @p2 $0x1  }
0x17: {  	s4 =	simm.s32 $0x1BF5;
	[smem:$0x3FB0] =	sst s0  }
0x18: {  	s0 =	sld [smem:$0x3F93];
	_ =	swait.ge [sflag:s4], $0x0  }
0x19: {  	s7 =	sld [smem:$0x3F94]  }
0x1a: {  	s8 =	sadd.s32 $0xFFFFE003, lr  }
0x1b: {  	s9 =	sadd.s32 $0xFFFFFEF7, lr;
	s5 =	simm.s32 $0xFFFFFFFF;
	p2 =	slt.u32 s8, $0xFFFFF086  }
0x1c: {  	p1 =	slt.u32 s9, $0xF7A;
	s5 =	simm.s32 @!p2 $0x0  }
0x1d: {  	s5 =	simm.s32 @p1 $0x1;
	p0 =	seq.s32 s7, s2  }
0x1e: {  	s7 =	smul.u32 @!p0 $0xF7A, s2;
	p2 =	seq.s32 @!p0 s5, $0x0  }
0x1f: {  	s9 =	smul.u32 $0xF7A, s1;
	s8 =	simm.s32 @!p0 $0x1BF5;
	p2 =	por !p2, p0  }
0x20: {  	[sflag:s8] =	ssyncset.s32 @!p0 $0xFFFFF086;
	s6 =	sadd.s32 @!p0 s3, s7;
	s7 =	simm.s32 @!p0 $0x108  }
0x21: {  	s3 =	sadd.s32 s3, s9;
	s6 =	sadd.s32 @!p0 $0x88, s6;
	s7 =	simm.s32 @p2 $0x1082  }
0x22: {  	[simem:s7], [sflag:s8] =	dma.local @!p0 [hbm:s6], $0xF7A  }
0x23: {  	s9 =	sor.u32 $0xD0000000, s2;
	s6 =	simm.s32 $0x108;
	_ =	swait.ge @!p0 [sflag:s8], $0x0  }
0x24: {  	s3 =	sadd.s32 $0x88, s3;
	s6 =	simm.s32 @!p1 $0x1082;
	[sflag:s4] =	ssyncset.s32 $0xFFFFF086  }
0x25: {  	[simem:s6], [sflag:s4] =	dma.local [hbm:s3], $0xF7A  }
0x26: {  	[smem:$0x3F94] =	sst s1;
	(tag) =	ssettag s2;
	_ =	strace s9  }
0x27: {  	s1 =	sld [smem:$0x3FA4]  }
0x28: {  	s2 =	sld [smem:$0x3FA5]  }
0x29: {  	s4 =	sld [smem:$0x3FA7]  }
0x2a: {  	p0 =	seq.s32 s5, $0x0;
	s5 =	sld [smem:$0x3FA8]  }
0x2b: {  	s6 =	sld [smem:$0x3FA9]  }
0x2c: {  	s7 =	sld [smem:$0x3FAA]  }
0x2d: {  	s3 =	simm.s32 $0x108;
	s8 =	sld [smem:$0x3FAB]  }
0x2e: {  	s3 =	simm.s32 @!p0 $0x1082;
	s9 =	sld [smem:$0x3FAC]  }
0x2f: {  	lr =	sadd.s32 s0, s3;
	s0 =	sld [smem:$0x3FA3]  }
0x30: {  	s3 =	sld [smem:$0x3FA6]  }
0x31: {  	[smem:$0x3FAF] =	sst s10  }
0x32: {  	s10 =	sld [smem:$0x3FAD];
	_ =	sdelay $0x3  }
0x33: {  	p0 =	seq.s32 s10, $0x1;
	s10 =	sld [smem:$0x3FAF];
	_ =	sdelay $0x3  }
0x34: {  	[smem:$0x3FAF] =	sst s10  }
0x35: {  	s10 =	sld [smem:$0x3FAE];
	_ =	sdelay $0x3  }
0x36: {  	p1 =	seq.s32 s10, $0x1;
	s10 =	sld [smem:$0x3FAF];
	_ =	sdelay $0x3  }
0x37: {  	[smem:$0x3FAF] =	sst s10  }
0x38: {  	s10 =	sld [smem:$0x3FB0]  }
0x39: {  	_ = 	snop;
	(pc) =	sbr.ind lr, $3  }
0x3a: {  	_ = 	snop  }
0x3b: {  	_ = 	snop  }
0x3c: {  	p2 =	seq.s32 s10, $0x1;
	s10 =	sld [smem:$0x3FAF]  }
0x3d: {  	_ =	shalt  }
0x3e: {  	_ =	shalt  }
0x3f: {  	_ =	shalt  }
0x40: {  	_ =	shalt  }
0x41: {  	_ =	shalt  }
0x42: {  	_ =	shalt  }
0x43: {  	_ =	shalt  }
0x44: {  	_ =	shalt  }
0x45: {  	_ =	shalt  }
0x46: {  	_ =	shalt  }
0x47: {  	_ =	shalt  }
0x48: {  	_ =	shalt  }
0x49: {  	_ =	shalt  }
0x4a: {  	_ =	shalt  }
0x4b: {  	_ =	shalt  }
0x4c: {  	_ =	shalt  }
0x4d: {  	_ =	shalt  }
0x4e: {  	_ =	shalt  }
0x4f: {  	_ =	shalt  }
0x50: {  	_ =	shalt  }
0x51: {  	_ =	shalt  }
0x52: {  	_ =	shalt  }
0x53: {  	_ =	shalt  }
0x54: {  	_ =	shalt  }
0x55: {  	_ =	shalt  }
0x56: {  	_ =	shalt  }
0x57: {  	_ =	shalt  }
0x58: {  	_ =	shalt  }
0x59: {  	_ =	shalt  }
0x5a: {  	_ =	shalt  }
0x5b: {  	_ =	shalt  }
0x5c: {  	_ =	shalt  }
0x5d: {  	_ =	shalt  }
0x5e: {  	_ =	shalt  }
0x5f: {  	_ =	shalt  }
0x60: {  	_ =	shalt  }
0x61: {  	_ =	shalt  }
0x62: {  	_ =	shalt  }
0x63: {  	_ =	shalt  }
0x64: {  	_ =	shalt  }
0x65: {  	_ =	shalt  }
0x66: {  	_ =	shalt  }
0x67: {  	_ =	shalt  }
0x68: {  	_ =	shalt  }
0x69: {  	_ =	shalt  }
0x6a: {  	_ =	shalt  }
0x6b: {  	_ =	shalt  }
0x6c: {  	_ =	shalt  }
0x6d: {  	_ =	shalt  }
0x6e: {  	_ =	shalt  }
0x6f: {  	_ =	shalt  }
0x70: {  	_ =	shalt  }
0x71: {  	_ =	shalt  }
0x72: {  	_ =	shalt  }
0x73: {  	_ =	shalt  }
0x74: {  	_ =	shalt  }
0x75: {  	_ =	shalt  }
0x76: {  	_ =	shalt  }
0x77: {  	_ =	shalt  }
0x78: {  	_ =	shalt  }
0x79: {  	_ =	shalt  }
0x7a: {  	_ =	shalt  }
0x7b: {  	_ =	shalt  }
0x7c: {  	_ =	shalt  }
0x7d: {  	_ =	shalt  }
0x7e: {  	_ =	shalt  }
0x7f: {  	_ =	shalt  }
0x80: {  	_ =	shalt  }
0x81: {  	_ =	shalt  }
0x82: {  	_ =	shalt  }
0x83: {  	_ =	shalt  }
0x84: {  	_ =	shalt  }
0x85: {  	_ =	shalt  }
0x86: {  	_ =	shalt  }
0x87: {  	_ =	shalt  }
.Lfunc_end0:
.L_simem_size_0:
called_computation_lowered:
.L_overlay_start_0:
0x88: {  	s2 =	sld [smem:$0x3FD9]  }
0x89: {  	s3 =	sld [smem:$0x3FFE];
	_ =	sdelay $0x1  }
0x8a: {  	s1 =	srdreg.scid  }
0x8b: {  	s0 =	sand.u32 $0x1, s1  }
0x8c: {  	s17 =	sshll.u32 s0, $0xA;
	s2 =	sadd.s32 s3, s2  }
0x8d: {  	s2 =	sadd.s32 s2, s17  }
0x8e: {  	[smem:$0x3FBB] =	sst s2  }
0x8f: {  	_ = 	snop  }
0x90: {  	s2 =	sld [smem:$0x3FD0];
	(tm) =	ssettm $0x1  }
0x91: {  	s18 =	sld [smem:$0x3FFB];
	_ =	sdelay $0x3  }
0x92: {  	_ =	strace s18  }
0x93: {  	s3 =	sld [smem:$0x3FFC];
	_ =	sdelay $0x3  }
0x94: {  	_ =	strace s3  }
0x95: {  	s3 =	sld [smem:$0x3FFD];
	_ =	sdelay $0x3  }
0x96: {  	_ =	strace s3  }
0x97: {  	_ =	strace $0x8FFFFFFF  }
0x98: {  	s19 =	sld [smem:$0x3FDB];
	_ =	sdelay $0x1  }
0x99: {  	s4 =	simm.s32 $_scs_section_size  }
0x9a: {  	s5 =	simm.s32 $_size__tile_overlayer_lowered;
	s6 =	simm.s32 $_tile_overlayer_lowered  }
0x9b: {  	s22 =	simm.s32 $0x1BFF;
	s21 =	sshll.u32 s6, $0x1;
	s3 =	sadd.s32 s4, s19  }
0x9c: {  	s7 =	simm.s32 $0x0;
	s20 =	sshll.u32 s5, $0x1;
	s5 =	sadd.s32 s21, s3  }
0x9d: {  	[timem:s7], [sflag:s22] =	dma.local [hbm:s5], s20  }
0x9e: {  	_ =	swait.ge [sflag:s22], s20  }
0x9f: {  	s4 =	ssub.s32 $0x0, s20;
	[sflag:s22] =	ssyncset.done $0x0  }
0xa0: {  	[sflag:s22] =	ssyncadd.s32 s4;
	_ =	sdelay $0x1  }
0xa1: {  	s23 =	simm.s32 $0x1B8B  }
0xa2: {  	_ =	swait.ge [sflag:s23], $0x1  }
0xa3: {  	[sflag:s23] =	ssyncset.done $0x0  }
0xa4: {  	s25 =	simm.s32 $0x1B8E;
	s24 =	sld [smem:$0x3FFE];
	[sflag:s23] =	ssyncadd.s32 $0xFFFFFFFF  }
0xa5: {  	s26 =	simm.s32 $execute0_lowered;
	[smem:$0x3FD2] =	sst s25  }
0xa6: {  	s5 =	sshll.u32 s26, $0x1;
	_ =	strace $0x80000046;
	[dreg:$0x1] =	wrdreg $0xFFFFFFFF  }
0xa7: {  	s28 =	simm.s32 $_size_execute0_lowered;
	s3 =	sadd.s32 s3, s5;
	[dreg:$0x0] =	wrdreg $0x0  }
0xa8: {  	s5 =	sshll.u32 s28, $0x1;
	[dreg:$0x2] =	wrdreg s3  }
0xa9: {  	[dreg:$0x3] =	wrdreg s5  }
0xaa: {  	[dreg:$0x4] =	wrdreg $0xC0  }
0xab: {  	_ =	task [dreg:s7], $0x5FFFF  }
0xac: {  	[dreg:$0x1] =	wrdreg $0xFFFFFFFF  }
0xad: {  	[dreg:$0x0] =	wrdreg $0x60  }
0xae: {  	[dreg:$0x2] =	wrdreg s24  }
0xaf: {  	[dreg:$0x3] =	wrdreg s2  }
0xb0: {  	[dreg:$0x4] =	wrdreg $0x90000  }
0xb1: {  	[dreg:$0x5] =	wrdreg $0x1D3000  }
0xb2: {  	[dreg:$0x6] =	wrdreg $0x9  }
0xb3: {  	_ =	task.clear_ibuf [dreg:s7], $0x7FFFF;
	_ =	strace $0x90000046  }
0xb4: {  	s29 =	simm.s32 $0x9;
	_ =	strace $0x80000048  }
0xb5: {  	_ =	swait.ge [sflag:s29], $0x1  }
0xb6: {  	[sflag:s29] =	ssyncadd.s32 $0xFFFFFFFF  }
0xb7: {  	_ =	strace $0x90000048  }
0xb8: {  	_ =	sfence  }
0xb9: {  	s30 =	sld [smem:$0x0];
	_ =	sdelay $0x2  }
0xba: {  	s31 =	sshll.u32 s1, $0xD;
	s1 =	sshrl.u32 s1, $0x2  }
0xbb: {  	s3 =	sand.u32 $0x4000, s31;
	s1 =	sadd.s32 s1, s30  }
0xbc: {  	s0 =	sor.u32 s3, s0;
	s1 =	sshll.u32 s1, $0x11  }
0xbd: {  	s0 =	sor.u32 s1, s0  }
0xbe: {  	s0 =	sadd.s32 $0x8F2B, s0  }
0xbf: {  	[sflag:s0] =	ssyncadd.remote.s32 $0x1  }
0xc0: {  	_ =	sfence.sel $0xFFFF  }
0xc1: {  	[dreg:$0x0] =	wrdreg $0xFFFFFFFF;
	(pc) =	sbr.abs _section_cstart, $3  }
0xc2: {  	[dreg:$0x1] =	wrdreg $0xFFFFFFFF  }
0xc3: {  	_ =	task.clear_ibuf [dreg:s7], $0x2FFFF;
	_ =	strace $0x9FFFFFFF  }
0xc4: {  	(tm) =	ssettm $0x7FFFFFFF  }
0xc5: {  	_ =	shalt  }
tec
execute0_lowered:
.L_overlay_start_1:
0x0: {  	(tag) =	ssettag $0x1  }
0x1: {  	s0 =	rddreg [dreg:$0x0]  }
0x2: {  	s1 =	rddreg [dreg:$0x1]  }
0x3: {  	s2 =	rddreg [dreg:$0x2];
	s4 =	srdreg.scid  }
0x4: {  	s23 =	stileid.u32;
	s3 =	rddreg [dreg:$0x3]  }
0x5: {  	s28 =	simm.s32 $0x1D000;
	s29 =	simm.s32 $0x20;
	s30 =	simm.s32 $0x10  }
0x6: {  	s31 =	simm.s32 $0x0;
	s17 =	sand.u32 $0x1, s4;
	s13 =	smul.u32 $0x280, s23  }
0x7: {  	s5 =	sshll.u32 s23, $0x1;
	s4 =	simm.s32 $0x0;
	s9 =	smul.u32 $0x50000, s23  }
0x8: {  	s16 =	smul.u32 $0x14000, s23;
	s5 =	sor.u32 s17, s5;
	[smem:$0x7FF] =	sst s4  }
0x9: {  	s22 =	ssub.s32 $0x2, s17;
	s18 =	smul.u32 $0x140000, s17;
	s17 =	sshll.u32 s17, $0x7  }
0xa: {  	s6 =	smul.u32 $0x500, s5;
	_ =	strace $0x80000047;
	s5 =	sadd.s32 $0x19000, s0  }
0xb: {  	s8 =	sshrl.u32 s22, $0x1;
	s12 =	sshll.u32 s13, $0x7;
	s24 =	sshrl.u32 s9, $0x2  }
0xc: {  	s13 =	sadd.s32 s13, s3;
	s20 =	ssub.s32 s22, s8;
	s14 =	sadd.s32 $0x4000, s12  }
0xd: {  	s8 =	sadd.s32 s24, s2;
	s15 =	sadd.s32 $0x8000, s12;
	s19 =	sadd.s32 $0xC000, s12  }
0xe: {  	s21 =	sadd.s32 $0x10000, s12;
	s16 =	sadd.s32 s16, s18;
	s24 =	smul.u32 $0x500, s23  }
0xf: {  	s23 =	simm.s32 $0x5000;
	s7 =	sadd.s32 s6, s0;
	s0 =	sadd.s32 $0x67400, s0  }
0x10: {  	s9 =	sadd.s32 s14, s2;
	s10 =	sadd.s32 s15, s2;
	s11 =	sadd.s32 s19, s2  }
0x11: {  	s12 =	sadd.s32 s21, s2;
	s16 =	sshrl.u32 s16, $0x3;
	s22 =	sadd.s32 s18, s14  }
0x12: {  	s15 =	sadd.s32 s18, s15;
	s19 =	sadd.s32 s18, s19;
	s18 =	sadd.s32 s18, s21  }
0x13: {  	s20 =	smax.u32 s20, $0x1;
	s21 =	simm.s32 $0x2;
	s6 =	sadd.s32 $0x5000, s7  }
0x14: {  	s7 =	sadd.s32 $0xF000, s7;
	s14 =	sadd.s32 s0, s16;
	s25 =	sshrl.u32 s22, $0x3  }
0x15: {  	s26 =	sshrl.u32 s15, $0x3;
	s19 =	sshrl.u32 s19, $0x3;
	s18 =	sshrl.u32 s18, $0x3  }
0x16: {  	s15 =	sadd.s32 s0, s25;
	s16 =	sadd.s32 s0, s26;
	s25 =	sor.u32 s17, s24  }
0x17: {  	s17 =	sadd.s32 s0, s19;
	s18 =	sadd.s32 s0, s18;
	s26 =	sshrl.u32 s25, $0x3  }
0x18: {  	v0 =	vimm.f32 $0.0e+00;
	v1 =	vimm.f32 $1.000000000e+00;
	s25 =	simm.s32 $0x80;
	s19 =	sadd.s32 s1, s26;
	s26 =	simm.s32 $0x1  }
.LBB2_1:
0x19: {  	[tilespmem:s4], [sflag:$0x2] =	stream.linear.gather [hbm4b:s6+s4], $0x2780, $0x38;
	[tilespmem:$0x1D580] =	vst v63  }
0x1a: {  	_ =	swait.ge [sflag:s21], $0x2780  }
0x1b: {  	[sflag:s21] =	ssyncset.done $0x0  }
0x1c: {  	s0 =	simm.s32 $0x2800;
	[sflag:s21] =	ssyncadd.s32 $0xFFFFD880  }
0x1d: {  	[tilespmem:s0], [sflag:$0x2] =	stream.linear.gather [hbm4b:s7+s4], $0x2780, $0x38;
	[tilespmem:$0x1D580] =	vst v63  }
0x1e: {  	_ =	swait.ge [sflag:s21], $0x2780  }
0x1f: {  	[sflag:s21] =	ssyncset.done $0x0  }
0x20: {  	s1 =	simm.s32 $0x0;
	s0 =	simm.s32 $0x200;
	[sflag:s21] =	ssyncadd.s32 $0xFFFFD880  }
.LBB2_2:
0x21: {  	p0 =	sne.s32 s0, $0xFE00;
	[tilespmem:s1+$0x5070] =	vst v0  }
0x22: {  	[tilespmem:s1+$0x5000] =	vst v0  }
0x23: {  	[tilespmem:s1+$0x5010] =	vst v0  }
.Ltmp0:
0x24: {  	[tilespmem:s1+$0x5020] =	vst v0;
	(pc) =	sbr.rel @p0 .LBB2_2-.Ltmp0, $4  }
0x25: {  	[tilespmem:s1+$0x5030] =	vst v0  }
0x26: {  	[tilespmem:s1+$0x5040] =	vst v0  }
0x27: {  	[tilespmem:s1+$0x5050] =	vst v0  }
0x28: {  	[tilespmem:s1+$0x5060] =	vst v0;
	s1 =	sshra.s32 s0, $0x2;
	s0 =	sadd.s32 $0x200, s0  }
0x29: {  	[tilespmem:s1+$0x5070] =	vst v0  }
0x2a: {  	[tilespmem:s1+$0x5000] =	vst v0  }
0x2b: {  	[tilespmem:s1+$0x5010] =	vst v0  }
0x2c: {  	[tilespmem:s1+$0x5020] =	vst v0  }
0x2d: {  	[tilespmem:s1+$0x5030] =	vst v0  }
0x2e: {  	[tilespmem:s1+$0x5040] =	vst v0  }
0x2f: {  	[tilespmem:s1+$0x5050] =	vst v0  }
0x30: {  	[tilespmem:s1+$0x5060] =	vst v0  }
0x31: {  	[spmem:s8] =	stream.linear.scatter [tilespmem:s23], [sflag:$0x2], $0x4000, $0x38;
	[tilespmem:$0x1D580] =	vst v63  }
0x32: {  	_ =	swait.ge [sflag:s21], $0x4000  }
0x33: {  	[sflag:s21] =	ssyncset.done $0x0  }
0x34: {  	[sflag:s21] =	ssyncadd.s32 $0xFFFFC000  }
0x35: {  	[spmem:s9] =	stream.linear.scatter [tilespmem:s23], [sflag:$0x2], $0x4000, $0x38;
	[tilespmem:$0x1D580] =	vst v63  }
0x36: {  	_ =	swait.ge [sflag:s21], $0x4000  }
0x37: {  	[sflag:s21] =	ssyncset.done $0x0  }
0x38: {  	[sflag:s21] =	ssyncadd.s32 $0xFFFFC000  }
0x39: {  	[spmem:s10] =	stream.linear.scatter [tilespmem:s23], [sflag:$0x2], $0x4000, $0x38;
	[tilespmem:$0x1D580] =	vst v63  }
0x3a: {  	_ =	swait.ge [sflag:s21], $0x4000  }
0x3b: {  	[sflag:s21] =	ssyncset.done $0x0  }
0x3c: {  	[sflag:s21] =	ssyncadd.s32 $0xFFFFC000  }
0x3d: {  	[spmem:s11] =	stream.linear.scatter [tilespmem:s23], [sflag:$0x2], $0x4000, $0x38;
	[tilespmem:$0x1D580] =	vst v63  }
0x3e: {  	_ =	swait.ge [sflag:s21], $0x4000  }
0x3f: {  	[sflag:s21] =	ssyncset.done $0x0  }
0x40: {  	[sflag:s21] =	ssyncadd.s32 $0xFFFFC000  }
0x41: {  	[spmem:s12] =	stream.linear.scatter [tilespmem:s23], [sflag:$0x2], $0x4000, $0x38;
	[tilespmem:$0x1D580] =	vst v63  }
0x42: {  	_ =	swait.ge [sflag:s21], $0x4000  }
0x43: {  	[sflag:s21] =	ssyncset.done $0x0  }
0x44: {  	[sflag:s21] =	ssyncadd.s32 $0xFFFFC000  }
0x45: {  	[tilespmem:$0x1D000] =	vst v1  }
0x46: {  	[tilespmem:$0x1D010] =	vst v1  }
0x47: {  	[tilespmem:$0x1D020] =	vst v1  }
0x48: {  	[tilespmem:$0x1D030] =	vst v1  }
0x49: {  	[tilespmem:$0x1D040] =	vst v1  }
0x4a: {  	[tilespmem:$0x1D050] =	vst v1  }
0x4b: {  	[tilespmem:$0x1D060] =	vst v1  }
0x4c: {  	[tilespmem:$0x1D070] =	vst v1  }
0x4d: {  	[tilespmem:$0x1D080] =	vst v0  }
0x4e: {  	[tilespmem:$0x1D090] =	vst v0  }
0x4f: {  	[tilespmem:$0x1D0A0] =	vst v0  }
0x50: {  	[tilespmem:$0x1D0B0] =	vst v0  }
0x51: {  	[tilespmem:$0x1D0C0] =	vst v0  }
0x52: {  	[tilespmem:$0x1D0D0] =	vst v0  }
0x53: {  	[tilespmem:$0x1D0E0] =	vst v0  }
0x54: {  	[tilespmem:$0x1D0F0] =	vst v0  }
0x55: {  	[tilespmem:$0x1D100] =	vst v0  }
0x56: {  	[tilespmem:$0x1D110] =	vst v0  }
0x57: {  	[tilespmem:$0x1D120] =	vst v0  }
0x58: {  	[tilespmem:$0x1D130] =	vst v0  }
0x59: {  	[tilespmem:$0x1D140] =	vst v0  }
0x5a: {  	[tilespmem:$0x1D150] =	vst v0  }
0x5b: {  	[tilespmem:$0x1D160] =	vst v0  }
0x5c: {  	[tilespmem:$0x1D170] =	vst v0  }
0x5d: {  	[tilespmem:$0x1D180] =	vst v0  }
0x5e: {  	[tilespmem:$0x1D190] =	vst v0  }
0x5f: {  	[tilespmem:$0x1D1A0] =	vst v0  }
0x60: {  	[tilespmem:$0x1D1B0] =	vst v0  }
0x61: {  	[tilespmem:$0x1D1C0] =	vst v0  }
0x62: {  	[tilespmem:$0x1D1D0] =	vst v0  }
0x63: {  	[tilespmem:$0x1D1E0] =	vst v0  }
0x64: {  	[tilespmem:$0x1D1F0] =	vst v0  }
0x65: {  	[tilespmem:$0x1D200] =	vst v0  }
0x66: {  	[tilespmem:$0x1D210] =	vst v0  }
0x67: {  	[tilespmem:$0x1D220] =	vst v0  }
0x68: {  	[tilespmem:$0x1D230] =	vst v0  }
0x69: {  	[tilespmem:$0x1D240] =	vst v0  }
0x6a: {  	[tilespmem:$0x1D250] =	vst v0  }
0x6b: {  	[tilespmem:$0x1D260] =	vst v0  }
0x6c: {  	[tilespmem:$0x1D270] =	vst v0  }
0x6d: {  	[tilespmem:$0x1D280] =	vst v0  }
0x6e: {  	[tilespmem:$0x1D290] =	vst v0  }
0x6f: {  	[tilespmem:$0x1D2A0] =	vst v0  }
0x70: {  	[tilespmem:$0x1D2B0] =	vst v0  }
0x71: {  	[tilespmem:$0x1D2C0] =	vst v0  }
0x72: {  	[tilespmem:$0x1D2D0] =	vst v0  }
0x73: {  	[tilespmem:$0x1D2E0] =	vst v0  }
0x74: {  	s0 =	simm.s32 $0x1D080;
	[tilespmem:$0x1D2F0] =	vst v0  }
0x75: {  	[spmem:s13] =	stream.linear.scatter [tilespmem:s0], [sflag:$0x2], $0x280, $0x38;
	[tilespmem:$0x1D580] =	vst v63  }
0x76: {  	_ =	swait.ge [sflag:s21], $0x280  }
0x77: {  	[sflag:s21] =	ssyncset.done $0x0  }
0x78: {  	[sflag:s21] =	ssyncadd.s32 $0xFFFFFD80  }
0x79: {  	s22 =	simm.s32 $0x0;
	[bflag:$0x0] =	sbarrier.arrive $0xFFFF  }
0x7a: {  	[tilespmem:s23], [sflag:$0x1] =	stream.indirect.gather [hbm4b:s5+s25], $0x80, s22, s25, $0xb8;
	[tilespmem:$0x1D580] =	vst v63  }
0x7b: {  	_ =	swait.ge [sflag:s26], $0x4000  }
0x7c: {  	[sflag:s26] =	ssyncset.done $0x0  }
0x7d: {  	s24 =	simm.s32 $0x2800;
	[sflag:s26] =	ssyncadd.s32 $0xFFFFC000  }
0x7e: {  	[spmem:s2] =	stream.indirect.scatter.add.f32 [tilespmem:s23], [sflag:$0x2], $0x80, s24, s25, $0xb8;
	[tilespmem:$0x1D580] =	vst v63  }
0x7f: {  	_ =	swait.ge [sflag:s21], $0x4000  }
0x80: {  	[sflag:s21] =	ssyncset.done $0x0  }
0x81: {  	[sflag:s21] =	ssyncadd.s32 $0xFFFFC000  }
0x82: {  	[spmem:s3] =	stream.indirect.scatter.add.f32 [tilespmem:s28], [sflag:$0x2], $0x1, s24, s25, $0xb8;
	[tilespmem:$0x1D580] =	vst v63  }
0x83: {  	_ =	swait.ge [sflag:s21], $0x80  }
0x84: {  	s1 =	simm.s32 $0x200;
	s0 =	simm.s32 $0x400;
	[sflag:s21] =	ssyncset.done $0x0  }
.LBB2_4:
0x85: {  	s22 =	sshra.s32 s1, $0x2  }
0x86: {  	[sflag:s21] =	ssyncadd.s32 $0xFFFFFF80;
	s1 =	smov.u32 s0;
	s24 =	sadd.s32 $0x200, s0  }
0x87: {  	[tilespmem:s23], [sflag:$0x1] =	stream.indirect.gather [hbm4b:s5+s25], $0x80, s22, s25, $0xb8;
	[tilespmem:$0x1D580] =	vst v63  }
0x88: {  	p0 =	sne.s32 s0, $0x9C00;
	_ =	swait.ge [sflag:s26], $0x4000  }
0x89: {  	[sflag:s26] =	ssyncset.done $0x0  }
0x8a: {  	s0 =	sadd.s32 $0x2800, s22;
	[sflag:s26] =	ssyncadd.s32 $0xFFFFC000  }
0x8b: {  	[spmem:s2] =	stream.indirect.scatter.add.f32 [tilespmem:s23], [sflag:$0x2], $0x80, s0, s25, $0xb8;
	[tilespmem:$0x1D580] =	vst v63  }
0x8c: {  	_ =	swait.ge [sflag:s21], $0x4000  }
.Ltmp1:
0x8d: {  	[sflag:s21] =	ssyncset.done $0x0;
	(pc) =	sbr.rel @p0 .LBB2_4-.Ltmp1, $4  }
0x8e: {  	[sflag:s21] =	ssyncadd.s32 $0xFFFFC000  }
0x8f: {  	[spmem:s3] =	stream.indirect.scatter.add.f32 [tilespmem:s28], [sflag:$0x2], $0x1, s0, s25, $0xb8;
	[tilespmem:$0x1D580] =	vst v63  }
0x90: {  	_ =	swait.ge [sflag:s21], $0x80  }
0x91: {  	s0 =	smov.u32 s24;
	[sflag:s21] =	ssyncset.done $0x0  }
0x92: {  	s0 =	sshra.s32 s1, $0x2;
	[sflag:s21] =	ssyncadd.s32 $0xFFFFFF80  }
0x93: {  	[tilespmem:s23], [sflag:$0x1] =	stream.indirect.gather [hbm4b:s5+s25], $0x80, s0, s25, $0xb8;
	[tilespmem:$0x1D580] =	vst v63  }
0x94: {  	_ =	swait.ge [sflag:s26], $0x4000  }
0x95: {  	[sflag:s26] =	ssyncset.done $0x0  }
0x96: {  	s0 =	sadd.s32 $0x2800, s0;
	[sflag:s26] =	ssyncadd.s32 $0xFFFFC000  }
0x97: {  	[spmem:s2] =	stream.indirect.scatter.add.f32 [tilespmem:s23], [sflag:$0x2], $0x80, s0, s25, $0xb8;
	[tilespmem:$0x1D580] =	vst v63  }
0x98: {  	_ =	swait.ge [sflag:s21], $0x4000  }
0x99: {  	[sflag:s21] =	ssyncset.done $0x0  }
0x9a: {  	[sflag:s21] =	ssyncadd.s32 $0xFFFFC000  }
0x9b: {  	[spmem:s3] =	stream.indirect.scatter.add.f32 [tilespmem:s28], [sflag:$0x2], $0x1, s0, s25, $0xb8;
	[tilespmem:$0x1D580] =	vst v63  }
0x9c: {  	_ =	swait.ge [sflag:s21], $0x80  }
0x9d: {  	s1 =	stileid.u32;
	[sflag:s21] =	ssyncset.done $0x0  }
0x9e: {  	s0 =	sshll.u32 s1, $0x6;
	[sflag:s21] =	ssyncadd.s32 $0xFFFFFF80  }
0x9f: {  	s22 =	sshrl.u32 s8, $0x3;
	s0 =	sor.u32 $0x1C02, s0;
	[bflag:$0x0] =	sbarrier.arrive $0xFFFF  }
0xa0: {  	[hbm:s14], [sflag:s0] =	dma.local [spmem:s22], $0x800  }
0xa1: {  	_ =	swait.ge [sflag:s21], $0x800  }
0xa2: {  	[sflag:s21] =	ssyncset.done $0x0  }
0xa3: {  	s24 =	sshrl.u32 s9, $0x3;
	[sflag:s21] =	ssyncadd.s32 $0xFFFFF800  }
0xa4: {  	[hbm:s15], [sflag:s0] =	dma.local [spmem:s24], $0x800  }
0xa5: {  	_ =	swait.ge [sflag:s21], $0x800  }
0xa6: {  	[sflag:s21] =	ssyncset.done $0x0  }
0xa7: {  	s22 =	sshrl.u32 s10, $0x3;
	[sflag:s21] =	ssyncadd.s32 $0xFFFFF800  }
0xa8: {  	[hbm:s16], [sflag:s0] =	dma.local [spmem:s22], $0x800  }
0xa9: {  	_ =	swait.ge [sflag:s21], $0x800  }
0xaa: {  	[sflag:s21] =	ssyncset.done $0x0  }
0xab: {  	s24 =	sshrl.u32 s11, $0x3;
	[sflag:s21] =	ssyncadd.s32 $0xFFFFF800  }
0xac: {  	[hbm:s17], [sflag:s0] =	dma.local [spmem:s24], $0x800  }
0xad: {  	_ =	swait.ge [sflag:s21], $0x800  }
0xae: {  	[sflag:s21] =	ssyncset.done $0x0  }
0xaf: {  	s22 =	sshrl.u32 s12, $0x3;
	[sflag:s21] =	ssyncadd.s32 $0xFFFFF800  }
0xb0: {  	[hbm:s18], [sflag:s0] =	dma.local [spmem:s22], $0x800  }
0xb1: {  	s31 =	sadd.s32 $0x1, s31;
	_ =	swait.ge [sflag:s21], $0x800  }
0xb2: {  	p0 =	sne.s32 s31, s20;
	[sflag:s21] =	ssyncset.done $0x0  }
.Ltmp2:
0xb3: {  	s24 =	sshrl.u32 s13, $0x3;
	[sflag:s21] =	ssyncadd.s32 $0xFFFFF800;
	(pc) =	sbr.rel @p0 .LBB2_1-.Ltmp2, $4  }
0xb4: {  	[hbm:s19@s29], [sflag:s0] =	dma.strided [spmem:s24@s30], $0x50, s26, $0x10   }
0xb5: {  	_ =	swait.ge [sflag:s21], $0x50  }
0xb6: {  	[sflag:s21] =	ssyncset.done $0x0  }
0xb7: {  	[sflag:s21] =	ssyncadd.s32 $0xFFFFFFB0  }
0xb8: {  	_ =	sfence.sel $0x180000  }
0xb9: {  	[bflag:$0x0] =	sbarrier.arrive $0xFFFF  }
0xba: {  	_ =	strace $0x90000047  }
0xbb: {  	s0 =	stileid.u32;
	[bflag:$0x2] =	sbarrier.arrive $0xFFFF  }
0xbc: {  	p0 =	sne.s32 s0, $0x0;
	s0 =	rddreg [dreg:$0x4]  }
0xbd: {  	s0 =	sadd.s32 @!p0 $0x100000, s0  }
0xbe: {  	[sflag:s0] =	ssyncadd.tile.s32 @!p0 $0x1;
	_ =	shalt  }
.Lfunc_end2:
_tile_overlayer_lowered:
.L_overlay_start_2:
0xbf: {  	(tag) =	ssettag $0x2  }
0xc0: {  	s0 =	rddreg [dreg:$0x0];
	s2 =	stileid.u32  }
0xc1: {  	s1 =	rddreg [dreg:$0x1];
	p0 =	sne.s32 s2, $0x0  }
0xc2: {  	s3 =	rddreg [dreg:$0x2];
	[bflag:$0x3] =	sbarrier.arrive $0xFFFF;
	s2 =	simm.s32 @!p0 $0x1C02  }
0xc3: {  	[timem:s3], [sflag:s2] =	dma.local @!p0 [hbm:s0], s1  }
0xc4: {  	s0 =	simm.s32 @!p0 $0x2  }
0xc5: {  	_ =	swait.ge @!p0 [sflag:s0], s1  }
0xc6: {  	s1 =	ssub.s32 @!p0 $0x0, s1;
	[sflag:s0] =	ssyncset.done @!p0 $0x0  }
0xc7: {  	[sflag:s0] =	ssyncadd.s32 @!p0 s1  }
0xc8: {  	[bflag:$0x3] =	sbarrier.arrive $0xFFFF  }
0xc9: {  	_ =	shalt  }

// kernel: kernel.14.cloned.1.call-start
scs
__scs_entry_jumppad:
0x0: {  	(pc) =	sbr.rel $0x88, $3  }
0x1: {  	(tag) =	ssettag $0x0;
	lr =	simm.s32 $0x1  }
0x2: {  	[smem:$0x3F94] =	sst lr;
	_ =	strace $0xD0000000  }
0x3: {  	_ = 	snop  }
0x4: {  	_ = 	snop  }
0x5: {  	_ = 	snop  }
0x6: {  	_ = 	snop  }
0x7: {  	_ = 	snop  }
__scs_overlays_trampoline_lowered:
0x8: {  	[smem:$0x3FA3] =	sst s0  }
0x9: {  	[smem:$0x3FA4] =	sst s1  }
0xa: {  	[smem:$0x3FA5] =	sst s2  }
0xb: {  	[smem:$0x3FA6] =	sst s3  }
0xc: {  	[smem:$0x3FA7] =	sst s4  }
0xd: {  	[smem:$0x3FA8] =	sst s5  }
0xe: {  	[smem:$0x3FA9] =	sst s6  }
0xf: {  	[smem:$0x3FAA] =	sst s7  }
0x10: {  	[smem:$0x3FAB] =	sst s8  }
0x11: {  	[smem:$0x3FAC] =	sst s9;
	s0 =	simm.s32 @!p0 $0x0  }
0x12: {  	s1 =	sld [smem:$0x3F92];
	s0 =	simm.s32 @p0 $0x1  }
0x13: {  	[smem:$0x3FAD] =	sst s0;
	s0 =	simm.s32 @!p1 $0x0  }
0x14: {  	s2 =	sld [smem:$0x3F91];
	s0 =	simm.s32 @p1 $0x1  }
0x15: {  	[smem:$0x3FAE] =	sst s0;
	s0 =	simm.s32 @!p2 $0x0  }
0x16: {  	s3 =	sld [smem:$0x3FDB];
	s0 =	simm.s32 @p2 $0x1  }
0x17: {  	s4 =	simm.s32 $0x1BF5;
	[smem:$0x3FB0] =	sst s0  }
0x18: {  	s0 =	sld [smem:$0x3F93];
	_ =	swait.ge [sflag:s4], $0x0  }
0x19: {  	s7 =	sld [smem:$0x3F94]  }
0x1a: {  	s8 =	sadd.s32 $0xFFFFE003, lr  }
0x1b: {  	s9 =	sadd.s32 $0xFFFFFEF7, lr;
	s5 =	simm.s32 $0xFFFFFFFF;
	p2 =	slt.u32 s8, $0xFFFFF086  }
0x1c: {  	p1 =	slt.u32 s9, $0xF7A;
	s5 =	simm.s32 @!p2 $0x0  }
0x1d: {  	s5 =	simm.s32 @p1 $0x1;
	p0 =	seq.s32 s7, s2  }
0x1e: {  	s7 =	smul.u32 @!p0 $0xF7A, s2;
	p2 =	seq.s32 @!p0 s5, $0x0  }
0x1f: {  	s9 =	smul.u32 $0xF7A, s1;
	s8 =	simm.s32 @!p0 $0x1BF5;
	p2 =	por !p2, p0  }
0x20: {  	[sflag:s8] =	ssyncset.s32 @!p0 $0xFFFFF086;
	s6 =	sadd.s32 @!p0 s3, s7;
	s7 =	simm.s32 @!p0 $0x108  }
0x21: {  	s3 =	sadd.s32 s3, s9;
	s6 =	sadd.s32 @!p0 $0x88, s6;
	s7 =	simm.s32 @p2 $0x1082  }
0x22: {  	[simem:s7], [sflag:s8] =	dma.local @!p0 [hbm:s6], $0xF7A  }
0x23: {  	s9 =	sor.u32 $0xD0000000, s2;
	s6 =	simm.s32 $0x108;
	_ =	swait.ge @!p0 [sflag:s8], $0x0  }
0x24: {  	s3 =	sadd.s32 $0x88, s3;
	s6 =	simm.s32 @!p1 $0x1082;
	[sflag:s4] =	ssyncset.s32 $0xFFFFF086  }
0x25: {  	[simem:s6], [sflag:s4] =	dma.local [hbm:s3], $0xF7A  }
0x26: {  	[smem:$0x3F94] =	sst s1;
	(tag) =	ssettag s2;
	_ =	strace s9  }
0x27: {  	s1 =	sld [smem:$0x3FA4]  }
0x28: {  	s2 =	sld [smem:$0x3FA5]  }
0x29: {  	s4 =	sld [smem:$0x3FA7]  }
0x2a: {  	p0 =	seq.s32 s5, $0x0;
	s5 =	sld [smem:$0x3FA8]  }
0x2b: {  	s6 =	sld [smem:$0x3FA9]  }
0x2c: {  	s7 =	sld [smem:$0x3FAA]  }
0x2d: {  	s3 =	simm.s32 $0x108;
	s8 =	sld [smem:$0x3FAB]  }
0x2e: {  	s3 =	simm.s32 @!p0 $0x1082;
	s9 =	sld [smem:$0x3FAC]  }
0x2f: {  	lr =	sadd.s32 s0, s3;
	s0 =	sld [smem:$0x3FA3]  }
0x30: {  	s3 =	sld [smem:$0x3FA6]  }
0x31: {  	[smem:$0x3FAF] =	sst s10  }
0x32: {  	s10 =	sld [smem:$0x3FAD];
	_ =	sdelay $0x3  }
0x33: {  	p0 =	seq.s32 s10, $0x1;
	s10 =	sld [smem:$0x3FAF];
	_ =	sdelay $0x3  }
0x34: {  	[smem:$0x3FAF] =	sst s10  }
0x35: {  	s10 =	sld [smem:$0x3FAE];
	_ =	sdelay $0x3  }
0x36: {  	p1 =	seq.s32 s10, $0x1;
	s10 =	sld [smem:$0x3FAF];
	_ =	sdelay $0x3  }
0x37: {  	[smem:$0x3FAF] =	sst s10  }
0x38: {  	s10 =	sld [smem:$0x3FB0]  }
0x39: {  	_ = 	snop;
	(pc) =	sbr.ind lr, $3  }
0x3a: {  	_ = 	snop  }
0x3b: {  	_ = 	snop  }
0x3c: {  	p2 =	seq.s32 s10, $0x1;
	s10 =	sld [smem:$0x3FAF]  }
0x3d: {  	_ =	shalt  }
0x3e: {  	_ =	shalt  }
0x3f: {  	_ =	shalt  }
0x40: {  	_ =	shalt  }
0x41: {  	_ =	shalt  }
0x42: {  	_ =	shalt  }
0x43: {  	_ =	shalt  }
0x44: {  	_ =	shalt  }
0x45: {  	_ =	shalt  }
0x46: {  	_ =	shalt  }
0x47: {  	_ =	shalt  }
0x48: {  	_ =	shalt  }
0x49: {  	_ =	shalt  }
0x4a: {  	_ =	shalt  }
0x4b: {  	_ =	shalt  }
0x4c: {  	_ =	shalt  }
0x4d: {  	_ =	shalt  }
0x4e: {  	_ =	shalt  }
0x4f: {  	_ =	shalt  }
0x50: {  	_ =	shalt  }
0x51: {  	_ =	shalt  }
0x52: {  	_ =	shalt  }
0x53: {  	_ =	shalt  }
0x54: {  	_ =	shalt  }
0x55: {  	_ =	shalt  }
0x56: {  	_ =	shalt  }
0x57: {  	_ =	shalt  }
0x58: {  	_ =	shalt  }
0x59: {  	_ =	shalt  }
0x5a: {  	_ =	shalt  }
0x5b: {  	_ =	shalt  }
0x5c: {  	_ =	shalt  }
0x5d: {  	_ =	shalt  }
0x5e: {  	_ =	shalt  }
0x5f: {  	_ =	shalt  }
0x60: {  	_ =	shalt  }
0x61: {  	_ =	shalt  }
0x62: {  	_ =	shalt  }
0x63: {  	_ =	shalt  }
0x64: {  	_ =	shalt  }
0x65: {  	_ =	shalt  }
0x66: {  	_ =	shalt  }
0x67: {  	_ =	shalt  }
0x68: {  	_ =	shalt  }
0x69: {  	_ =	shalt  }
0x6a: {  	_ =	shalt  }
0x6b: {  	_ =	shalt  }
0x6c: {  	_ =	shalt  }
0x6d: {  	_ =	shalt  }
0x6e: {  	_ =	shalt  }
0x6f: {  	_ =	shalt  }
0x70: {  	_ =	shalt  }
0x71: {  	_ =	shalt  }
0x72: {  	_ =	shalt  }
0x73: {  	_ =	shalt  }
0x74: {  	_ =	shalt  }
0x75: {  	_ =	shalt  }
0x76: {  	_ =	shalt  }
0x77: {  	_ =	shalt  }
0x78: {  	_ =	shalt  }
0x79: {  	_ =	shalt  }
0x7a: {  	_ =	shalt  }
0x7b: {  	_ =	shalt  }
0x7c: {  	_ =	shalt  }
0x7d: {  	_ =	shalt  }
0x7e: {  	_ =	shalt  }
0x7f: {  	_ =	shalt  }
0x80: {  	_ =	shalt  }
0x81: {  	_ =	shalt  }
0x82: {  	_ =	shalt  }
0x83: {  	_ =	shalt  }
0x84: {  	_ =	shalt  }
0x85: {  	_ =	shalt  }
0x86: {  	_ =	shalt  }
0x87: {  	_ =	shalt  }
.Lfunc_end0:
.L_simem_size_0:
called_computation.1_lowered:
.L_overlay_start_0:
0x88: {  	s2 =	sld [smem:$0x3FD9]  }
0x89: {  	s3 =	sld [smem:$0x3FFE];
	_ =	sdelay $0x1  }
0x8a: {  	s1 =	srdreg.scid  }
0x8b: {  	s0 =	sand.u32 $0x1, s1  }
0x8c: {  	s16 =	sshll.u32 s0, $0xA;
	s2 =	sadd.s32 s3, s2  }
0x8d: {  	s2 =	sadd.s32 s2, s16  }
0x8e: {  	[smem:$0x3FBB] =	sst s2  }
0x8f: {  	_ = 	snop  }
0x90: {  	(tm) =	ssettm $0x1  }
0x91: {  	s17 =	sld [smem:$0x3FFB];
	_ =	sdelay $0x3  }
0x92: {  	_ =	strace s17  }
0x93: {  	s2 =	sld [smem:$0x3FFC];
	_ =	sdelay $0x3  }
0x94: {  	_ =	strace s2  }
0x95: {  	s2 =	sld [smem:$0x3FFD];
	_ =	sdelay $0x3  }
0x96: {  	_ =	strace s2  }
0x97: {  	_ =	strace $0x8FFFFFFF  }
0x98: {  	s18 =	sld [smem:$0x3FDB];
	_ =	sdelay $0x1  }
0x99: {  	s19 =	simm.s32 $_scs_section_size  }
0x9a: {  	s4 =	simm.s32 $_size__tile_overlayer_lowered;
	s5 =	simm.s32 $_tile_overlayer_lowered  }
0x9b: {  	s22 =	simm.s32 $0x1BFF;
	s21 =	sshll.u32 s5, $0x1;
	s2 =	sadd.s32 s19, s18  }
0x9c: {  	s6 =	simm.s32 $0x0;
	s20 =	sshll.u32 s4, $0x1;
	s4 =	sadd.s32 s21, s2  }
0x9d: {  	[timem:s6], [sflag:s22] =	dma.local [hbm:s4], s20  }
0x9e: {  	_ =	swait.ge [sflag:s22], s20  }
0x9f: {  	s3 =	ssub.s32 $0x0, s20;
	[sflag:s22] =	ssyncset.done $0x0  }
0xa0: {  	[sflag:s22] =	ssyncadd.s32 s3;
	_ =	sdelay $0x1  }
0xa1: {  	s23 =	simm.s32 $0x1B8B  }
0xa2: {  	_ =	swait.ge [sflag:s23], $0x1  }
0xa3: {  	[sflag:s23] =	ssyncset.done $0x0  }
0xa4: {  	s25 =	simm.s32 $0x1B8E;
	s24 =	sld [smem:$0x3FFE];
	[sflag:s23] =	ssyncadd.s32 $0xFFFFFFFF  }
0xa5: {  	s26 =	simm.s32 $execute0_lowered;
	[smem:$0x3FD2] =	sst s25  }
0xa6: {  	s4 =	sshll.u32 s26, $0x1;
	_ =	strace $0x80000049;
	[dreg:$0x1] =	wrdreg $0xFFFFFFFF  }
0xa7: {  	s28 =	simm.s32 $_size_execute0_lowered;
	s2 =	sadd.s32 s2, s4;
	[dreg:$0x0] =	wrdreg $0x0  }
0xa8: {  	s4 =	sshll.u32 s28, $0x1;
	[dreg:$0x2] =	wrdreg s2  }
0xa9: {  	[dreg:$0x3] =	wrdreg s4  }
0xaa: {  	[dreg:$0x4] =	wrdreg $0xC0  }
0xab: {  	_ =	task [dreg:s6], $0x5FFFF  }
0xac: {  	[dreg:$0x1] =	wrdreg $0xFFFFFFFF  }
0xad: {  	[dreg:$0x0] =	wrdreg $0x60  }
0xae: {  	[dreg:$0x2] =	wrdreg s24  }
0xaf: {  	[dreg:$0x3] =	wrdreg $0x90000  }
0xb0: {  	[dreg:$0x4] =	wrdreg $0x9  }
0xb1: {  	_ =	task.clear_ibuf [dreg:s6], $0x5FFFF;
	_ =	strace $0x90000049  }
0xb2: {  	s29 =	simm.s32 $0x9;
	_ =	strace $0x8000004B  }
0xb3: {  	_ =	swait.ge [sflag:s29], $0x1  }
0xb4: {  	[sflag:s29] =	ssyncadd.s32 $0xFFFFFFFF  }
0xb5: {  	_ =	strace $0x9000004B  }
0xb6: {  	_ =	sfence  }
0xb7: {  	s30 =	sld [smem:$0x0];
	_ =	sdelay $0x2  }
0xb8: {  	s31 =	sshll.u32 s1, $0xD;
	s1 =	sshrl.u32 s1, $0x2  }
0xb9: {  	s3 =	sand.u32 $0x4000, s31;
	s1 =	sadd.s32 s1, s30  }
0xba: {  	s0 =	sor.u32 s3, s0;
	s1 =	sshll.u32 s1, $0x11  }
0xbb: {  	s0 =	sor.u32 s1, s0  }
0xbc: {  	s0 =	sadd.s32 $0x8F2B, s0  }
0xbd: {  	[sflag:s0] =	ssyncadd.remote.s32 $0x1  }
0xbe: {  	_ =	sfence.sel $0xFFFF  }
0xbf: {  	[dreg:$0x0] =	wrdreg $0xFFFFFFFF;
	(pc) =	sbr.abs _section_cstart, $3  }
0xc0: {  	[dreg:$0x1] =	wrdreg $0xFFFFFFFF  }
0xc1: {  	_ =	task.clear_ibuf [dreg:s6], $0x2FFFF;
	_ =	strace $0x9FFFFFFF  }
0xc2: {  	(tm) =	ssettm $0x7FFFFFFF  }
0xc3: {  	_ =	shalt  }
tec
execute0_lowered:
.L_overlay_start_1:
0x0: {  	(tag) =	ssettag $0x1  }
0x1: {  	s5 =	rddreg [dreg:$0x0];
	s1 =	srdreg.scid  }
0x2: {  	s0 =	stileid.u32;
	s2 =	rddreg [dreg:$0x1]  }
0x3: {  	s3 =	simm.s32 $0x0;
	s21 =	simm.s32 $0x80;
	s22 =	simm.s32 $0x1  }
0x4: {  	s23 =	simm.s32 $0x0;
	s8 =	sand.u32 $0x1, s1;
	s1 =	rddreg [dreg:$0x2]  }
0x5: {  	s4 =	sshll.u32 s0, $0x1;
	[smem:$0x7FF] =	sst s3;
	s9 =	smul.u32 $0x50000, s0  }
0x6: {  	s16 =	sadd.s32 $0x67400, s5;
	s11 =	smul.u32 $0x14000, s0;
	s4 =	sor.u32 s8, s4  }
0x7: {  	_ =	strace $0x8000004A;
	s7 =	ssub.s32 $0x2, s8;
	s18 =	smul.u32 $0x140000, s8  }
0x8: {  	s6 =	smul.u32 $0x500, s4;
	s4 =	sadd.s32 $0x19000, s5;
	s30 =	sshrl.u32 s7, $0x1  }
0x9: {  	s31 =	sshrl.u32 s9, $0x2;
	s12 =	sadd.s32 $0x4000, s11;
	s14 =	sadd.s32 $0x8000, s11  }
0xa: {  	s15 =	sadd.s32 $0xC000, s11;
	s19 =	sadd.s32 $0x10000, s11;
	s17 =	ssub.s32 s7, s30  }
0xb: {  	s7 =	sadd.s32 s31, s2;
	s8 =	sadd.s32 s12, s2;
	s9 =	sadd.s32 s14, s2  }
0xc: {  	s10 =	sadd.s32 s15, s2;
	s13 =	sadd.s32 s11, s18;
	s12 =	sadd.s32 s18, s12  }
0xd: {  	s11 =	sadd.s32 s19, s2;
	s14 =	sadd.s32 s18, s14;
	s15 =	sadd.s32 s18, s15  }
0xe: {  	s18 =	sadd.s32 s18, s19;
	s19 =	simm.s32 $0x2800;
	s6 =	sadd.s32 s6, s5  }
0xf: {  	s13 =	sshrl.u32 s13, $0x3;
	s20 =	sshrl.u32 s12, $0x3;
	s14 =	sshrl.u32 s14, $0x3  }
0x10: {  	s15 =	sshrl.u32 s15, $0x3;
	s18 =	sshrl.u32 s18, $0x3;
	s17 =	smax.u32 s17, $0x1  }
0x11: {  	s5 =	sadd.s32 $0x5000, s6;
	s6 =	sadd.s32 $0xF000, s6;
	s12 =	sadd.s32 s16, s13  }
0x12: {  	s13 =	sadd.s32 s16, s20;
	s14 =	sadd.s32 s16, s14;
	s15 =	sadd.s32 s16, s15  }
0x13: {  	v0 =	vimm.f32 $0.0e+00;
	s16 =	sadd.s32 s16, s18;
	s18 =	simm.s32 $0x2;
	s20 =	simm.s32 $0x5000  }
.LBB2_1:
0x14: {  	[tilespmem:s3], [sflag:$0x2] =	stream.linear.gather [hbm4b:s5+s3], $0x2780, $0x38;
	[tilespmem:$0x1D000] =	vst v63  }
0x15: {  	_ =	swait.ge [sflag:s18], $0x2780  }
0x16: {  	[sflag:s18] =	ssyncset.done $0x0  }
0x17: {  	[sflag:s18] =	ssyncadd.s32 $0xFFFFD880  }
0x18: {  	[tilespmem:s19], [sflag:$0x2] =	stream.linear.gather [hbm4b:s6+s3], $0x2780, $0x38;
	[tilespmem:$0x1D000] =	vst v63  }
0x19: {  	_ =	swait.ge [sflag:s18], $0x2780  }
0x1a: {  	[sflag:s18] =	ssyncset.done $0x0  }
0x1b: {  	s24 =	simm.s32 $0x0;
	s25 =	simm.s32 $0x200;
	[sflag:s18] =	ssyncadd.s32 $0xFFFFD880  }
.LBB2_2:
0x1c: {  	p0 =	sne.s32 s25, $0xFE00;
	[tilespmem:s24+$0x5070] =	vst v0  }
0x1d: {  	[tilespmem:s24+$0x5000] =	vst v0  }
0x1e: {  	[tilespmem:s24+$0x5010] =	vst v0  }
.Ltmp0:
0x1f: {  	[tilespmem:s24+$0x5020] =	vst v0;
	(pc) =	sbr.rel @p0 .LBB2_2-.Ltmp0, $4  }
0x20: {  	[tilespmem:s24+$0x5030] =	vst v0  }
0x21: {  	[tilespmem:s24+$0x5040] =	vst v0  }
0x22: {  	[tilespmem:s24+$0x5050] =	vst v0  }
0x23: {  	[tilespmem:s24+$0x5060] =	vst v0;
	s24 =	sshra.s32 s25, $0x2;
	s25 =	sadd.s32 $0x200, s25  }
0x24: {  	[tilespmem:s24+$0x5070] =	vst v0  }
0x25: {  	[tilespmem:s24+$0x5000] =	vst v0  }
0x26: {  	[tilespmem:s24+$0x5010] =	vst v0  }
0x27: {  	[tilespmem:s24+$0x5020] =	vst v0  }
0x28: {  	[tilespmem:s24+$0x5030] =	vst v0  }
0x29: {  	[tilespmem:s24+$0x5040] =	vst v0  }
0x2a: {  	[tilespmem:s24+$0x5050] =	vst v0  }
0x2b: {  	[tilespmem:s24+$0x5060] =	vst v0  }
0x2c: {  	[spmem:s7] =	stream.linear.scatter [tilespmem:s20], [sflag:$0x2], $0x4000, $0x38;
	[tilespmem:$0x1D000] =	vst v63  }
0x2d: {  	_ =	swait.ge [sflag:s18], $0x4000  }
0x2e: {  	[sflag:s18] =	ssyncset.done $0x0  }
0x2f: {  	[sflag:s18] =	ssyncadd.s32 $0xFFFFC000  }
0x30: {  	[spmem:s8] =	stream.linear.scatter [tilespmem:s20], [sflag:$0x2], $0x4000, $0x38;
	[tilespmem:$0x1D000] =	vst v63  }
0x31: {  	_ =	swait.ge [sflag:s18], $0x4000  }
0x32: {  	[sflag:s18] =	ssyncset.done $0x0  }
0x33: {  	[sflag:s18] =	ssyncadd.s32 $0xFFFFC000  }
0x34: {  	[spmem:s9] =	stream.linear.scatter [tilespmem:s20], [sflag:$0x2], $0x4000, $0x38;
	[tilespmem:$0x1D000] =	vst v63  }
0x35: {  	_ =	swait.ge [sflag:s18], $0x4000  }
0x36: {  	[sflag:s18] =	ssyncset.done $0x0  }
0x37: {  	[sflag:s18] =	ssyncadd.s32 $0xFFFFC000  }
0x38: {  	[spmem:s10] =	stream.linear.scatter [tilespmem:s20], [sflag:$0x2], $0x4000, $0x38;
	[tilespmem:$0x1D000] =	vst v63  }
0x39: {  	_ =	swait.ge [sflag:s18], $0x4000  }
0x3a: {  	[sflag:s18] =	ssyncset.done $0x0  }
0x3b: {  	[sflag:s18] =	ssyncadd.s32 $0xFFFFC000  }
0x3c: {  	[spmem:s11] =	stream.linear.scatter [tilespmem:s20], [sflag:$0x2], $0x4000, $0x38;
	[tilespmem:$0x1D000] =	vst v63  }
0x3d: {  	_ =	swait.ge [sflag:s18], $0x4000  }
0x3e: {  	[sflag:s18] =	ssyncset.done $0x0  }
0x3f: {  	[sflag:s18] =	ssyncadd.s32 $0xFFFFC000  }
0x40: {  	s30 =	simm.s32 $0x0;
	[bflag:$0x0] =	sbarrier.arrive $0xFFFF  }
0x41: {  	[tilespmem:s20], [sflag:$0x1] =	stream.indirect.gather [hbm4b:s4+s21], $0x80, s30, s21, $0xb8;
	[tilespmem:$0x1D000] =	vst v63  }
0x42: {  	_ =	swait.ge [sflag:s22], $0x4000  }
0x43: {  	[sflag:s22] =	ssyncset.done $0x0  }
0x44: {  	s31 =	simm.s32 $0x2800;
	[sflag:s22] =	ssyncadd.s32 $0xFFFFC000  }
0x45: {  	[spmem:s2] =	stream.indirect.scatter.add.f32 [tilespmem:s20], [sflag:$0x2], $0x80, s31, s21, $0xb8;
	[tilespmem:$0x1D000] =	vst v63  }
0x46: {  	_ =	swait.ge [sflag:s18], $0x4000  }
0x47: {  	s24 =	simm.s32 $0x200;
	s25 =	simm.s32 $0x400;
	[sflag:s18] =	ssyncset.done $0x0  }
.LBB2_4:
0x48: {  	s26 =	sshra.s32 s24, $0x2  }
0x49: {  	[sflag:s18] =	ssyncadd.s32 $0xFFFFC000;
	s24 =	smov.u32 s25;
	s28 =	sadd.s32 $0x200, s25  }
0x4a: {  	[tilespmem:s20], [sflag:$0x1] =	stream.indirect.gather [hbm4b:s4+s21], $0x80, s26, s21, $0xb8;
	[tilespmem:$0x1D000] =	vst v63  }
0x4b: {  	p0 =	sne.s32 s25, $0x9C00;
	_ =	swait.ge [sflag:s22], $0x4000  }
.Ltmp1:
0x4c: {  	[sflag:s22] =	ssyncset.done $0x0;
	(pc) =	sbr.rel @p0 .LBB2_4-.Ltmp1, $4  }
0x4d: {  	s25 =	sadd.s32 $0x2800, s26;
	[sflag:s22] =	ssyncadd.s32 $0xFFFFC000  }
0x4e: {  	[spmem:s2] =	stream.indirect.scatter.add.f32 [tilespmem:s20], [sflag:$0x2], $0x80, s25, s21, $0xb8;
	[tilespmem:$0x1D000] =	vst v63  }
0x4f: {  	_ =	swait.ge [sflag:s18], $0x4000  }
0x50: {  	s25 =	smov.u32 s28;
	[sflag:s18] =	ssyncset.done $0x0  }
0x51: {  	s24 =	sshra.s32 s24, $0x2;
	[sflag:s18] =	ssyncadd.s32 $0xFFFFC000  }
0x52: {  	[tilespmem:s20], [sflag:$0x1] =	stream.indirect.gather [hbm4b:s4+s21], $0x80, s24, s21, $0xb8;
	[tilespmem:$0x1D000] =	vst v63  }
0x53: {  	_ =	swait.ge [sflag:s22], $0x4000  }
0x54: {  	[sflag:s22] =	ssyncset.done $0x0  }
0x55: {  	s24 =	sadd.s32 $0x2800, s24;
	[sflag:s22] =	ssyncadd.s32 $0xFFFFC000  }
0x56: {  	[spmem:s2] =	stream.indirect.scatter.add.f32 [tilespmem:s20], [sflag:$0x2], $0x80, s24, s21, $0xb8;
	[tilespmem:$0x1D000] =	vst v63  }
0x57: {  	_ =	swait.ge [sflag:s18], $0x4000  }
0x58: {  	[sflag:s18] =	ssyncset.done $0x0  }
0x59: {  	s26 =	sshll.u32 s0, $0x6;
	[sflag:s18] =	ssyncadd.s32 $0xFFFFC000  }
0x5a: {  	s25 =	sshrl.u32 s7, $0x3;
	s24 =	sor.u32 $0x1C02, s26;
	[bflag:$0x0] =	sbarrier.arrive $0xFFFF  }
0x5b: {  	[hbm:s12], [sflag:s24] =	dma.local [spmem:s25], $0x800  }
0x5c: {  	_ =	swait.ge [sflag:s18], $0x800  }
0x5d: {  	[sflag:s18] =	ssyncset.done $0x0  }
0x5e: {  	s28 =	sshrl.u32 s8, $0x3;
	[sflag:s18] =	ssyncadd.s32 $0xFFFFF800  }
0x5f: {  	[hbm:s13], [sflag:s24] =	dma.local [spmem:s28], $0x800  }
0x60: {  	_ =	swait.ge [sflag:s18], $0x800  }
0x61: {  	[sflag:s18] =	ssyncset.done $0x0  }
0x62: {  	s29 =	sshrl.u32 s9, $0x3;
	[sflag:s18] =	ssyncadd.s32 $0xFFFFF800  }
0x63: {  	[hbm:s14], [sflag:s24] =	dma.local [spmem:s29], $0x800  }
0x64: {  	_ =	swait.ge [sflag:s18], $0x800  }
0x65: {  	[sflag:s18] =	ssyncset.done $0x0  }
0x66: {  	s30 =	sshrl.u32 s10, $0x3;
	[sflag:s18] =	ssyncadd.s32 $0xFFFFF800  }
0x67: {  	[hbm:s15], [sflag:s24] =	dma.local [spmem:s30], $0x800  }
0x68: {  	s23 =	sadd.s32 $0x1, s23;
	_ =	swait.ge [sflag:s18], $0x800  }
0x69: {  	p0 =	sne.s32 s23, s17;
	[sflag:s18] =	ssyncset.done $0x0  }
.Ltmp2:
0x6a: {  	s31 =	sshrl.u32 s11, $0x3;
	[sflag:s18] =	ssyncadd.s32 $0xFFFFF800;
	(pc) =	sbr.rel @p0 .LBB2_1-.Ltmp2, $4  }
0x6b: {  	[hbm:s16], [sflag:s24] =	dma.local [spmem:s31], $0x800  }
0x6c: {  	_ =	swait.ge [sflag:s18], $0x800  }
0x6d: {  	[sflag:s18] =	ssyncset.done $0x0  }
0x6e: {  	[sflag:s18] =	ssyncadd.s32 $0xFFFFF800  }
0x6f: {  	_ =	sfence.sel $0x180000  }
0x70: {  	[bflag:$0x0] =	sbarrier.arrive $0xFFFF  }
0x71: {  	p0 =	sne.s32 s0, $0x0;
	_ =	strace $0x9000004A  }
0x72: {  	s0 =	sadd.s32 @!p0 $0x100000, s1;
	[bflag:$0x2] =	sbarrier.arrive $0xFFFF  }
0x73: {  	[sflag:s0] =	ssyncadd.tile.s32 @!p0 $0x1;
	_ =	shalt  }
.Lfunc_end2:
_tile_overlayer_lowered:
.L_overlay_start_2:
0x74: {  	(tag) =	ssettag $0x2  }
0x75: {  	s0 =	rddreg [dreg:$0x0];
	s2 =	stileid.u32  }
0x76: {  	s1 =	rddreg [dreg:$0x1];
	p0 =	sne.s32 s2, $0x0  }
0x77: {  	s3 =	rddreg [dreg:$0x2];
	[bflag:$0x3] =	sbarrier.arrive $0xFFFF;
	s2 =	simm.s32 @!p0 $0x1C02  }
0x78: {  	[timem:s3], [sflag:s2] =	dma.local @!p0 [hbm:s0], s1  }
0x79: {  	s0 =	simm.s32 @!p0 $0x2  }
0x7a: {  	_ =	swait.ge @!p0 [sflag:s0], s1  }
0x7b: {  	s1 =	ssub.s32 @!p0 $0x0, s1;
	[sflag:s0] =	ssyncset.done @!p0 $0x0  }
0x7c: {  	[sflag:s0] =	ssyncadd.s32 @!p0 s1  }
0x7d: {  	[bflag:$0x3] =	sbarrier.arrive $0xFFFF  }
0x7e: {  	_ =	shalt  }

// kernel: kernel.17.cloned.1.call-start
scs
__scs_entry_jumppad:
0x0: {  	(pc) =	sbr.rel $0x88, $3  }
0x1: {  	(tag) =	ssettag $0x0;
	lr =	simm.s32 $0x1  }
0x2: {  	[smem:$0x3F94] =	sst lr;
	_ =	strace $0xD0000000  }
0x3: {  	_ = 	snop  }
0x4: {  	_ = 	snop  }
0x5: {  	_ = 	snop  }
0x6: {  	_ = 	snop  }
0x7: {  	_ = 	snop  }
__scs_overlays_trampoline_lowered:
0x8: {  	[smem:$0x3FA3] =	sst s0  }
0x9: {  	[smem:$0x3FA4] =	sst s1  }
0xa: {  	[smem:$0x3FA5] =	sst s2  }
0xb: {  	[smem:$0x3FA6] =	sst s3  }
0xc: {  	[smem:$0x3FA7] =	sst s4  }
0xd: {  	[smem:$0x3FA8] =	sst s5  }
0xe: {  	[smem:$0x3FA9] =	sst s6  }
0xf: {  	[smem:$0x3FAA] =	sst s7  }
0x10: {  	[smem:$0x3FAB] =	sst s8  }
0x11: {  	[smem:$0x3FAC] =	sst s9;
	s0 =	simm.s32 @!p0 $0x0  }
0x12: {  	s1 =	sld [smem:$0x3F92];
	s0 =	simm.s32 @p0 $0x1  }
0x13: {  	[smem:$0x3FAD] =	sst s0;
	s0 =	simm.s32 @!p1 $0x0  }
0x14: {  	s2 =	sld [smem:$0x3F91];
	s0 =	simm.s32 @p1 $0x1  }
0x15: {  	[smem:$0x3FAE] =	sst s0;
	s0 =	simm.s32 @!p2 $0x0  }
0x16: {  	s3 =	sld [smem:$0x3FDB];
	s0 =	simm.s32 @p2 $0x1  }
0x17: {  	s4 =	simm.s32 $0x1BF5;
	[smem:$0x3FB0] =	sst s0  }
0x18: {  	s0 =	sld [smem:$0x3F93];
	_ =	swait.ge [sflag:s4], $0x0  }
0x19: {  	s7 =	sld [smem:$0x3F94]  }
0x1a: {  	s8 =	sadd.s32 $0xFFFFE003, lr  }
0x1b: {  	s9 =	sadd.s32 $0xFFFFFEF7, lr;
	s5 =	simm.s32 $0xFFFFFFFF;
	p2 =	slt.u32 s8, $0xFFFFF086  }
0x1c: {  	p1 =	slt.u32 s9, $0xF7A;
	s5 =	simm.s32 @!p2 $0x0  }
0x1d: {  	s5 =	simm.s32 @p1 $0x1;
	p0 =	seq.s32 s7, s2  }
0x1e: {  	s7 =	smul.u32 @!p0 $0xF7A, s2;
	p2 =	seq.s32 @!p0 s5, $0x0  }
0x1f: {  	s9 =	smul.u32 $0xF7A, s1;
	s8 =	simm.s32 @!p0 $0x1BF5;
	p2 =	por !p2, p0  }
0x20: {  	[sflag:s8] =	ssyncset.s32 @!p0 $0xFFFFF086;
	s6 =	sadd.s32 @!p0 s3, s7;
	s7 =	simm.s32 @!p0 $0x108  }
0x21: {  	s3 =	sadd.s32 s3, s9;
	s6 =	sadd.s32 @!p0 $0x88, s6;
	s7 =	simm.s32 @p2 $0x1082  }
0x22: {  	[simem:s7], [sflag:s8] =	dma.local @!p0 [hbm:s6], $0xF7A  }
0x23: {  	s9 =	sor.u32 $0xD0000000, s2;
	s6 =	simm.s32 $0x108;
	_ =	swait.ge @!p0 [sflag:s8], $0x0  }
0x24: {  	s3 =	sadd.s32 $0x88, s3;
	s6 =	simm.s32 @!p1 $0x1082;
	[sflag:s4] =	ssyncset.s32 $0xFFFFF086  }
0x25: {  	[simem:s6], [sflag:s4] =	dma.local [hbm:s3], $0xF7A  }
0x26: {  	[smem:$0x3F94] =	sst s1;
	(tag) =	ssettag s2;
	_ =	strace s9  }
0x27: {  	s1 =	sld [smem:$0x3FA4]  }
0x28: {  	s2 =	sld [smem:$0x3FA5]  }
0x29: {  	s4 =	sld [smem:$0x3FA7]  }
0x2a: {  	p0 =	seq.s32 s5, $0x0;
	s5 =	sld [smem:$0x3FA8]  }
0x2b: {  	s6 =	sld [smem:$0x3FA9]  }
0x2c: {  	s7 =	sld [smem:$0x3FAA]  }
0x2d: {  	s3 =	simm.s32 $0x108;
	s8 =	sld [smem:$0x3FAB]  }
0x2e: {  	s3 =	simm.s32 @!p0 $0x1082;
	s9 =	sld [smem:$0x3FAC]  }
0x2f: {  	lr =	sadd.s32 s0, s3;
	s0 =	sld [smem:$0x3FA3]  }
0x30: {  	s3 =	sld [smem:$0x3FA6]  }
0x31: {  	[smem:$0x3FAF] =	sst s10  }
0x32: {  	s10 =	sld [smem:$0x3FAD];
	_ =	sdelay $0x3  }
0x33: {  	p0 =	seq.s32 s10, $0x1;
	s10 =	sld [smem:$0x3FAF];
	_ =	sdelay $0x3  }
0x34: {  	[smem:$0x3FAF] =	sst s10  }
0x35: {  	s10 =	sld [smem:$0x3FAE];
	_ =	sdelay $0x3  }
0x36: {  	p1 =	seq.s32 s10, $0x1;
	s10 =	sld [smem:$0x3FAF];
	_ =	sdelay $0x3  }
0x37: {  	[smem:$0x3FAF] =	sst s10  }
0x38: {  	s10 =	sld [smem:$0x3FB0]  }
0x39: {  	_ = 	snop;
	(pc) =	sbr.ind lr, $3  }
0x3a: {  	_ = 	snop  }
0x3b: {  	_ = 	snop  }
0x3c: {  	p2 =	seq.s32 s10, $0x1;
	s10 =	sld [smem:$0x3FAF]  }
0x3d: {  	_ =	shalt  }
0x3e: {  	_ =	shalt  }
0x3f: {  	_ =	shalt  }
0x40: {  	_ =	shalt  }
0x41: {  	_ =	shalt  }
0x42: {  	_ =	shalt  }
0x43: {  	_ =	shalt  }
0x44: {  	_ =	shalt  }
0x45: {  	_ =	shalt  }
0x46: {  	_ =	shalt  }
0x47: {  	_ =	shalt  }
0x48: {  	_ =	shalt  }
0x49: {  	_ =	shalt  }
0x4a: {  	_ =	shalt  }
0x4b: {  	_ =	shalt  }
0x4c: {  	_ =	shalt  }
0x4d: {  	_ =	shalt  }
0x4e: {  	_ =	shalt  }
0x4f: {  	_ =	shalt  }
0x50: {  	_ =	shalt  }
0x51: {  	_ =	shalt  }
0x52: {  	_ =	shalt  }
0x53: {  	_ =	shalt  }
0x54: {  	_ =	shalt  }
0x55: {  	_ =	shalt  }
0x56: {  	_ =	shalt  }
0x57: {  	_ =	shalt  }
0x58: {  	_ =	shalt  }
0x59: {  	_ =	shalt  }
0x5a: {  	_ =	shalt  }
0x5b: {  	_ =	shalt  }
0x5c: {  	_ =	shalt  }
0x5d: {  	_ =	shalt  }
0x5e: {  	_ =	shalt  }
0x5f: {  	_ =	shalt  }
0x60: {  	_ =	shalt  }
0x61: {  	_ =	shalt  }
0x62: {  	_ =	shalt  }
0x63: {  	_ =	shalt  }
0x64: {  	_ =	shalt  }
0x65: {  	_ =	shalt  }
0x66: {  	_ =	shalt  }
0x67: {  	_ =	shalt  }
0x68: {  	_ =	shalt  }
0x69: {  	_ =	shalt  }
0x6a: {  	_ =	shalt  }
0x6b: {  	_ =	shalt  }
0x6c: {  	_ =	shalt  }
0x6d: {  	_ =	shalt  }
0x6e: {  	_ =	shalt  }
0x6f: {  	_ =	shalt  }
0x70: {  	_ =	shalt  }
0x71: {  	_ =	shalt  }
0x72: {  	_ =	shalt  }
0x73: {  	_ =	shalt  }
0x74: {  	_ =	shalt  }
0x75: {  	_ =	shalt  }
0x76: {  	_ =	shalt  }
0x77: {  	_ =	shalt  }
0x78: {  	_ =	shalt  }
0x79: {  	_ =	shalt  }
0x7a: {  	_ =	shalt  }
0x7b: {  	_ =	shalt  }
0x7c: {  	_ =	shalt  }
0x7d: {  	_ =	shalt  }
0x7e: {  	_ =	shalt  }
0x7f: {  	_ =	shalt  }
0x80: {  	_ =	shalt  }
0x81: {  	_ =	shalt  }
0x82: {  	_ =	shalt  }
0x83: {  	_ =	shalt  }
0x84: {  	_ =	shalt  }
0x85: {  	_ =	shalt  }
0x86: {  	_ =	shalt  }
0x87: {  	_ =	shalt  }
.Lfunc_end0:
.L_simem_size_0:
called_computation.2_lowered:
.L_overlay_start_0:
0x88: {  	s2 =	sld [smem:$0x3FD9]  }
0x89: {  	s3 =	sld [smem:$0x3FFE];
	_ =	sdelay $0x1  }
0x8a: {  	s1 =	srdreg.scid  }
0x8b: {  	s0 =	sand.u32 $0x1, s1  }
0x8c: {  	s16 =	sshll.u32 s0, $0xA;
	s2 =	sadd.s32 s3, s2  }
0x8d: {  	s2 =	sadd.s32 s2, s16  }
0x8e: {  	[smem:$0x3FBB] =	sst s2  }
0x8f: {  	_ = 	snop  }
0x90: {  	(tm) =	ssettm $0x1  }
0x91: {  	s17 =	sld [smem:$0x3FFB];
	_ =	sdelay $0x3  }
0x92: {  	_ =	strace s17  }
0x93: {  	s2 =	sld [smem:$0x3FFC];
	_ =	sdelay $0x3  }
0x94: {  	_ =	strace s2  }
0x95: {  	s2 =	sld [smem:$0x3FFD];
	_ =	sdelay $0x3  }
0x96: {  	_ =	strace s2  }
0x97: {  	_ =	strace $0x8FFFFFFF  }
0x98: {  	s18 =	sld [smem:$0x3FDB];
	_ =	sdelay $0x1  }
0x99: {  	s19 =	simm.s32 $_scs_section_size  }
0x9a: {  	s4 =	simm.s32 $_size__tile_overlayer_lowered;
	s5 =	simm.s32 $_tile_overlayer_lowered  }
0x9b: {  	s22 =	simm.s32 $0x1BFF;
	s21 =	sshll.u32 s5, $0x1;
	s2 =	sadd.s32 s19, s18  }
0x9c: {  	s6 =	simm.s32 $0x0;
	s20 =	sshll.u32 s4, $0x1;
	s4 =	sadd.s32 s21, s2  }
0x9d: {  	[timem:s6], [sflag:s22] =	dma.local [hbm:s4], s20  }
0x9e: {  	_ =	swait.ge [sflag:s22], s20  }
0x9f: {  	s3 =	ssub.s32 $0x0, s20;
	[sflag:s22] =	ssyncset.done $0x0  }
0xa0: {  	[sflag:s22] =	ssyncadd.s32 s3;
	_ =	sdelay $0x1  }
0xa1: {  	s23 =	simm.s32 $0x1B8B  }
0xa2: {  	_ =	swait.ge [sflag:s23], $0x1  }
0xa3: {  	[sflag:s23] =	ssyncset.done $0x0  }
0xa4: {  	s25 =	simm.s32 $0x1B8E;
	s24 =	sld [smem:$0x3FFE];
	[sflag:s23] =	ssyncadd.s32 $0xFFFFFFFF  }
0xa5: {  	s26 =	simm.s32 $execute0_lowered;
	[smem:$0x3FD2] =	sst s25  }
0xa6: {  	s4 =	sshll.u32 s26, $0x1;
	_ =	strace $0x8000004C;
	[dreg:$0x1] =	wrdreg $0xFFFFFFFF  }
0xa7: {  	s28 =	simm.s32 $_size_execute0_lowered;
	s2 =	sadd.s32 s2, s4;
	[dreg:$0x0] =	wrdreg $0x0  }
0xa8: {  	s4 =	sshll.u32 s28, $0x1;
	[dreg:$0x2] =	wrdreg s2  }
0xa9: {  	[dreg:$0x3] =	wrdreg s4  }
0xaa: {  	[dreg:$0x4] =	wrdreg $0xC0  }
0xab: {  	_ =	task [dreg:s6], $0x5FFFF  }
0xac: {  	[dreg:$0x1] =	wrdreg $0xFFFFFFFF  }
0xad: {  	[dreg:$0x0] =	wrdreg $0x60  }
0xae: {  	[dreg:$0x2] =	wrdreg s24  }
0xaf: {  	[dreg:$0x3] =	wrdreg $0x90000  }
0xb0: {  	[dreg:$0x4] =	wrdreg $0x9  }
0xb1: {  	_ =	task.clear_ibuf [dreg:s6], $0x5FFFF;
	_ =	strace $0x9000004C  }
0xb2: {  	s29 =	simm.s32 $0x9;
	_ =	strace $0x8000004E  }
0xb3: {  	_ =	swait.ge [sflag:s29], $0x1  }
0xb4: {  	[sflag:s29] =	ssyncadd.s32 $0xFFFFFFFF  }
0xb5: {  	_ =	strace $0x9000004E  }
0xb6: {  	_ =	sfence  }
0xb7: {  	s30 =	sld [smem:$0x0];
	_ =	sdelay $0x2  }
0xb8: {  	s31 =	sshll.u32 s1, $0xD;
	s1 =	sshrl.u32 s1, $0x2  }
0xb9: {  	s3 =	sand.u32 $0x4000, s31;
	s1 =	sadd.s32 s1, s30  }
0xba: {  	s0 =	sor.u32 s3, s0;
	s1 =	sshll.u32 s1, $0x11  }
0xbb: {  	s0 =	sor.u32 s1, s0  }
0xbc: {  	s0 =	sadd.s32 $0x8F2B, s0  }
0xbd: {  	[sflag:s0] =	ssyncadd.remote.s32 $0x1  }
0xbe: {  	_ =	sfence.sel $0xFFFF  }
0xbf: {  	[dreg:$0x0] =	wrdreg $0xFFFFFFFF;
	(pc) =	sbr.abs _section_cstart, $3  }
0xc0: {  	[dreg:$0x1] =	wrdreg $0xFFFFFFFF  }
0xc1: {  	_ =	task.clear_ibuf [dreg:s6], $0x2FFFF;
	_ =	strace $0x9FFFFFFF  }
0xc2: {  	(tm) =	ssettm $0x7FFFFFFF  }
0xc3: {  	_ =	shalt  }
tec
execute0_lowered:
.L_overlay_start_1:
0x0: {  	(tag) =	ssettag $0x1  }
0x1: {  	s5 =	rddreg [dreg:$0x0];
	s1 =	srdreg.scid  }
0x2: {  	s0 =	stileid.u32;
	s2 =	rddreg [dreg:$0x1]  }
0x3: {  	s3 =	simm.s32 $0x0;
	s21 =	simm.s32 $0x80;
	s22 =	simm.s32 $0x1  }
0x4: {  	s23 =	simm.s32 $0x0;
	s8 =	sand.u32 $0x1, s1;
	s1 =	rddreg [dreg:$0x2]  }
0x5: {  	s4 =	sshll.u32 s0, $0x1;
	[smem:$0x7FF] =	sst s3;
	s9 =	smul.u32 $0x50000, s0  }
0x6: {  	s16 =	sadd.s32 $0xDF400, s5;
	s11 =	smul.u32 $0x14000, s0;
	s4 =	sor.u32 s8, s4  }
0x7: {  	_ =	strace $0x8000004D;
	s7 =	ssub.s32 $0x2, s8;
	s18 =	smul.u32 $0x140000, s8  }
0x8: {  	s6 =	smul.u32 $0x500, s4;
	s4 =	sadd.s32 $0x19000, s5;
	s30 =	sshrl.u32 s7, $0x1  }
0x9: {  	s31 =	sshrl.u32 s9, $0x2;
	s12 =	sadd.s32 $0x4000, s11;
	s14 =	sadd.s32 $0x8000, s11  }
0xa: {  	s15 =	sadd.s32 $0xC000, s11;
	s19 =	sadd.s32 $0x10000, s11;
	s17 =	ssub.s32 s7, s30  }
0xb: {  	s7 =	sadd.s32 s31, s2;
	s8 =	sadd.s32 s12, s2;
	s9 =	sadd.s32 s14, s2  }
0xc: {  	s10 =	sadd.s32 s15, s2;
	s13 =	sadd.s32 s11, s18;
	s12 =	sadd.s32 s18, s12  }
0xd: {  	s11 =	sadd.s32 s19, s2;
	s14 =	sadd.s32 s18, s14;
	s15 =	sadd.s32 s18, s15  }
0xe: {  	s18 =	sadd.s32 s18, s19;
	s19 =	simm.s32 $0x2800;
	s6 =	sadd.s32 s6, s5  }
0xf: {  	s13 =	sshrl.u32 s13, $0x3;
	s20 =	sshrl.u32 s12, $0x3;
	s14 =	sshrl.u32 s14, $0x3  }
0x10: {  	s15 =	sshrl.u32 s15, $0x3;
	s18 =	sshrl.u32 s18, $0x3;
	s17 =	smax.u32 s17, $0x1  }
0x11: {  	s5 =	sadd.s32 $0x5000, s6;
	s6 =	sadd.s32 $0xF000, s6;
	s12 =	sadd.s32 s16, s13  }
0x12: {  	s13 =	sadd.s32 s16, s20;
	s14 =	sadd.s32 s16, s14;
	s15 =	sadd.s32 s16, s15  }
0x13: {  	v0 =	vimm.f32 $0.0e+00;
	s16 =	sadd.s32 s16, s18;
	s18 =	simm.s32 $0x2;
	s20 =	simm.s32 $0x5000  }
.LBB2_1:
0x14: {  	[tilespmem:s3], [sflag:$0x2] =	stream.linear.gather [hbm4b:s5+s3], $0x2780, $0x38;
	[tilespmem:$0x1D000] =	vst v63  }
0x15: {  	_ =	swait.ge [sflag:s18], $0x2780  }
0x16: {  	[sflag:s18] =	ssyncset.done $0x0  }
0x17: {  	[sflag:s18] =	ssyncadd.s32 $0xFFFFD880  }
0x18: {  	[tilespmem:s19], [sflag:$0x2] =	stream.linear.gather [hbm4b:s6+s3], $0x2780, $0x38;
	[tilespmem:$0x1D000] =	vst v63  }
0x19: {  	_ =	swait.ge [sflag:s18], $0x2780  }
0x1a: {  	[sflag:s18] =	ssyncset.done $0x0  }
0x1b: {  	s24 =	simm.s32 $0x0;
	s25 =	simm.s32 $0x200;
	[sflag:s18] =	ssyncadd.s32 $0xFFFFD880  }
.LBB2_2:
0x1c: {  	p0 =	sne.s32 s25, $0xFE00;
	[tilespmem:s24+$0x5070] =	vst v0  }
0x1d: {  	[tilespmem:s24+$0x5000] =	vst v0  }
0x1e: {  	[tilespmem:s24+$0x5010] =	vst v0  }
.Ltmp0:
0x1f: {  	[tilespmem:s24+$0x5020] =	vst v0;
	(pc) =	sbr.rel @p0 .LBB2_2-.Ltmp0, $4  }
0x20: {  	[tilespmem:s24+$0x5030] =	vst v0  }
0x21: {  	[tilespmem:s24+$0x5040] =	vst v0  }
0x22: {  	[tilespmem:s24+$0x5050] =	vst v0  }
0x23: {  	[tilespmem:s24+$0x5060] =	vst v0;
	s24 =	sshra.s32 s25, $0x2;
	s25 =	sadd.s32 $0x200, s25  }
0x24: {  	[tilespmem:s24+$0x5070] =	vst v0  }
0x25: {  	[tilespmem:s24+$0x5000] =	vst v0  }
0x26: {  	[tilespmem:s24+$0x5010] =	vst v0  }
0x27: {  	[tilespmem:s24+$0x5020] =	vst v0  }
0x28: {  	[tilespmem:s24+$0x5030] =	vst v0  }
0x29: {  	[tilespmem:s24+$0x5040] =	vst v0  }
0x2a: {  	[tilespmem:s24+$0x5050] =	vst v0  }
0x2b: {  	[tilespmem:s24+$0x5060] =	vst v0  }
0x2c: {  	[spmem:s7] =	stream.linear.scatter [tilespmem:s20], [sflag:$0x2], $0x4000, $0x38;
	[tilespmem:$0x1D000] =	vst v63  }
0x2d: {  	_ =	swait.ge [sflag:s18], $0x4000  }
0x2e: {  	[sflag:s18] =	ssyncset.done $0x0  }
0x2f: {  	[sflag:s18] =	ssyncadd.s32 $0xFFFFC000  }
0x30: {  	[spmem:s8] =	stream.linear.scatter [tilespmem:s20], [sflag:$0x2], $0x4000, $0x38;
	[tilespmem:$0x1D000] =	vst v63  }
0x31: {  	_ =	swait.ge [sflag:s18], $0x4000  }
0x32: {  	[sflag:s18] =	ssyncset.done $0x0  }
0x33: {  	[sflag:s18] =	ssyncadd.s32 $0xFFFFC000  }
0x34: {  	[spmem:s9] =	stream.linear.scatter [tilespmem:s20], [sflag:$0x2], $0x4000, $0x38;
	[tilespmem:$0x1D000] =	vst v63  }
0x35: {  	_ =	swait.ge [sflag:s18], $0x4000  }
0x36: {  	[sflag:s18] =	ssyncset.done $0x0  }
0x37: {  	[sflag:s18] =	ssyncadd.s32 $0xFFFFC000  }
0x38: {  	[spmem:s10] =	stream.linear.scatter [tilespmem:s20], [sflag:$0x2], $0x4000, $0x38;
	[tilespmem:$0x1D000] =	vst v63  }
0x39: {  	_ =	swait.ge [sflag:s18], $0x4000  }
0x3a: {  	[sflag:s18] =	ssyncset.done $0x0  }
0x3b: {  	[sflag:s18] =	ssyncadd.s32 $0xFFFFC000  }
0x3c: {  	[spmem:s11] =	stream.linear.scatter [tilespmem:s20], [sflag:$0x2], $0x4000, $0x38;
	[tilespmem:$0x1D000] =	vst v63  }
0x3d: {  	_ =	swait.ge [sflag:s18], $0x4000  }
0x3e: {  	[sflag:s18] =	ssyncset.done $0x0  }
0x3f: {  	[sflag:s18] =	ssyncadd.s32 $0xFFFFC000  }
0x40: {  	s30 =	simm.s32 $0x0;
	[bflag:$0x0] =	sbarrier.arrive $0xFFFF  }
0x41: {  	[tilespmem:s20], [sflag:$0x1] =	stream.indirect.gather [hbm4b:s4+s21], $0x80, s30, s21, $0xb8;
	[tilespmem:$0x1D000] =	vst v63  }
0x42: {  	_ =	swait.ge [sflag:s22], $0x4000  }
0x43: {  	[sflag:s22] =	ssyncset.done $0x0  }
0x44: {  	s31 =	simm.s32 $0x2800;
	[sflag:s22] =	ssyncadd.s32 $0xFFFFC000  }
0x45: {  	[spmem:s2] =	stream.indirect.scatter.add.f32 [tilespmem:s20], [sflag:$0x2], $0x80, s31, s21, $0xb8;
	[tilespmem:$0x1D000] =	vst v63  }
0x46: {  	_ =	swait.ge [sflag:s18], $0x4000  }
0x47: {  	s24 =	simm.s32 $0x200;
	s25 =	simm.s32 $0x400;
	[sflag:s18] =	ssyncset.done $0x0  }
.LBB2_4:
0x48: {  	s26 =	sshra.s32 s24, $0x2  }
0x49: {  	[sflag:s18] =	ssyncadd.s32 $0xFFFFC000;
	s24 =	smov.u32 s25;
	s28 =	sadd.s32 $0x200, s25  }
0x4a: {  	[tilespmem:s20], [sflag:$0x1] =	stream.indirect.gather [hbm4b:s4+s21], $0x80, s26, s21, $0xb8;
	[tilespmem:$0x1D000] =	vst v63  }
0x4b: {  	p0 =	sne.s32 s25, $0x9C00;
	_ =	swait.ge [sflag:s22], $0x4000  }
.Ltmp1:
0x4c: {  	[sflag:s22] =	ssyncset.done $0x0;
	(pc) =	sbr.rel @p0 .LBB2_4-.Ltmp1, $4  }
0x4d: {  	s25 =	sadd.s32 $0x2800, s26;
	[sflag:s22] =	ssyncadd.s32 $0xFFFFC000  }
0x4e: {  	[spmem:s2] =	stream.indirect.scatter.add.f32 [tilespmem:s20], [sflag:$0x2], $0x80, s25, s21, $0xb8;
	[tilespmem:$0x1D000] =	vst v63  }
0x4f: {  	_ =	swait.ge [sflag:s18], $0x4000  }
0x50: {  	s25 =	smov.u32 s28;
	[sflag:s18] =	ssyncset.done $0x0  }
0x51: {  	s24 =	sshra.s32 s24, $0x2;
	[sflag:s18] =	ssyncadd.s32 $0xFFFFC000  }
0x52: {  	[tilespmem:s20], [sflag:$0x1] =	stream.indirect.gather [hbm4b:s4+s21], $0x80, s24, s21, $0xb8;
	[tilespmem:$0x1D000] =	vst v63  }
0x53: {  	_ =	swait.ge [sflag:s22], $0x4000  }
0x54: {  	[sflag:s22] =	ssyncset.done $0x0  }
0x55: {  	s24 =	sadd.s32 $0x2800, s24;
	[sflag:s22] =	ssyncadd.s32 $0xFFFFC000  }
0x56: {  	[spmem:s2] =	stream.indirect.scatter.add.f32 [tilespmem:s20], [sflag:$0x2], $0x80, s24, s21, $0xb8;
	[tilespmem:$0x1D000] =	vst v63  }
0x57: {  	_ =	swait.ge [sflag:s18], $0x4000  }
0x58: {  	[sflag:s18] =	ssyncset.done $0x0  }
0x59: {  	s26 =	sshll.u32 s0, $0x6;
	[sflag:s18] =	ssyncadd.s32 $0xFFFFC000  }
0x5a: {  	s25 =	sshrl.u32 s7, $0x3;
	s24 =	sor.u32 $0x1C02, s26;
	[bflag:$0x0] =	sbarrier.arrive $0xFFFF  }
0x5b: {  	[hbm:s12], [sflag:s24] =	dma.local [spmem:s25], $0x800  }
0x5c: {  	_ =	swait.ge [sflag:s18], $0x800  }
0x5d: {  	[sflag:s18] =	ssyncset.done $0x0  }
0x5e: {  	s28 =	sshrl.u32 s8, $0x3;
	[sflag:s18] =	ssyncadd.s32 $0xFFFFF800  }
0x5f: {  	[hbm:s13], [sflag:s24] =	dma.local [spmem:s28], $0x800  }
0x60: {  	_ =	swait.ge [sflag:s18], $0x800  }
0x61: {  	[sflag:s18] =	ssyncset.done $0x0  }
0x62: {  	s29 =	sshrl.u32 s9, $0x3;
	[sflag:s18] =	ssyncadd.s32 $0xFFFFF800  }
0x63: {  	[hbm:s14], [sflag:s24] =	dma.local [spmem:s29], $0x800  }
0x64: {  	_ =	swait.ge [sflag:s18], $0x800  }
0x65: {  	[sflag:s18] =	ssyncset.done $0x0  }
0x66: {  	s30 =	sshrl.u32 s10, $0x3;
	[sflag:s18] =	ssyncadd.s32 $0xFFFFF800  }
0x67: {  	[hbm:s15], [sflag:s24] =	dma.local [spmem:s30], $0x800  }
0x68: {  	s23 =	sadd.s32 $0x1, s23;
	_ =	swait.ge [sflag:s18], $0x800  }
0x69: {  	p0 =	sne.s32 s23, s17;
	[sflag:s18] =	ssyncset.done $0x0  }
.Ltmp2:
0x6a: {  	s31 =	sshrl.u32 s11, $0x3;
	[sflag:s18] =	ssyncadd.s32 $0xFFFFF800;
	(pc) =	sbr.rel @p0 .LBB2_1-.Ltmp2, $4  }
0x6b: {  	[hbm:s16], [sflag:s24] =	dma.local [spmem:s31], $0x800  }
0x6c: {  	_ =	swait.ge [sflag:s18], $0x800  }
0x6d: {  	[sflag:s18] =	ssyncset.done $0x0  }
0x6e: {  	[sflag:s18] =	ssyncadd.s32 $0xFFFFF800  }
0x6f: {  	_ =	sfence.sel $0x180000  }
0x70: {  	[bflag:$0x0] =	sbarrier.arrive $0xFFFF  }
0x71: {  	p0 =	sne.s32 s0, $0x0;
	_ =	strace $0x9000004D  }
0x72: {  	s0 =	sadd.s32 @!p0 $0x100000, s1;
	[bflag:$0x2] =	sbarrier.arrive $0xFFFF  }
0x73: {  	[sflag:s0] =	ssyncadd.tile.s32 @!p0 $0x1;
	_ =	shalt  }
.Lfunc_end2:
_tile_overlayer_lowered:
.L_overlay_start_2:
0x74: {  	(tag) =	ssettag $0x2  }
0x75: {  	s0 =	rddreg [dreg:$0x0];
	s2 =	stileid.u32  }
0x76: {  	s1 =	rddreg [dreg:$0x1];
	p0 =	sne.s32 s2, $0x0  }
0x77: {  	s3 =	rddreg [dreg:$0x2];
	[bflag:$0x3] =	sbarrier.arrive $0xFFFF;
	s2 =	simm.s32 @!p0 $0x1C02  }
0x78: {  	[timem:s3], [sflag:s2] =	dma.local @!p0 [hbm:s0], s1  }
0x79: {  	s0 =	simm.s32 @!p0 $0x2  }
0x7a: {  	_ =	swait.ge @!p0 [sflag:s0], s1  }
0x7b: {  	s1 =	ssub.s32 @!p0 $0x0, s1;
	[sflag:s0] =	ssyncset.done @!p0 $0x0  }
0x7c: {  	[sflag:s0] =	ssyncadd.s32 @!p0 s1  }
0x7d: {  	[bflag:$0x3] =	sbarrier.arrive $0xFFFF  }
0x7e: {  	_ =	shalt  }

// kernel: kernel.20.cloned.1.call-start
scs
__scs_entry_jumppad:
0x0: {  	(pc) =	sbr.rel $0x88, $3  }
0x1: {  	(tag) =	ssettag $0x0;
	lr =	simm.s32 $0x1  }
0x2: {  	[smem:$0x3F94] =	sst lr;
	_ =	strace $0xD0000000  }
0x3: {  	_ = 	snop  }
0x4: {  	_ = 	snop  }
0x5: {  	_ = 	snop  }
0x6: {  	_ = 	snop  }
0x7: {  	_ = 	snop  }
__scs_overlays_trampoline_lowered:
0x8: {  	[smem:$0x3FA3] =	sst s0  }
0x9: {  	[smem:$0x3FA4] =	sst s1  }
0xa: {  	[smem:$0x3FA5] =	sst s2  }
0xb: {  	[smem:$0x3FA6] =	sst s3  }
0xc: {  	[smem:$0x3FA7] =	sst s4  }
0xd: {  	[smem:$0x3FA8] =	sst s5  }
0xe: {  	[smem:$0x3FA9] =	sst s6  }
0xf: {  	[smem:$0x3FAA] =	sst s7  }
0x10: {  	[smem:$0x3FAB] =	sst s8  }
0x11: {  	[smem:$0x3FAC] =	sst s9;
	s0 =	simm.s32 @!p0 $0x0  }
0x12: {  	s1 =	sld [smem:$0x3F92];
	s0 =	simm.s32 @p0 $0x1  }
0x13: {  	[smem:$0x3FAD] =	sst s0;
	s0 =	simm.s32 @!p1 $0x0  }
0x14: {  	s2 =	sld [smem:$0x3F91];
	s0 =	simm.s32 @p1 $0x1  }
0x15: {  	[smem:$0x3FAE] =	sst s0;
	s0 =	simm.s32 @!p2 $0x0  }
0x16: {  	s3 =	sld [smem:$0x3FDB];
	s0 =	simm.s32 @p2 $0x1  }
0x17: {  	s4 =	simm.s32 $0x1BF5;
	[smem:$0x3FB0] =	sst s0  }
0x18: {  	s0 =	sld [smem:$0x3F93];
	_ =	swait.ge [sflag:s4], $0x0  }
0x19: {  	s7 =	sld [smem:$0x3F94]  }
0x1a: {  	s8 =	sadd.s32 $0xFFFFE003, lr  }
0x1b: {  	s9 =	sadd.s32 $0xFFFFFEF7, lr;
	s5 =	simm.s32 $0xFFFFFFFF;
	p2 =	slt.u32 s8, $0xFFFFF086  }
0x1c: {  	p1 =	slt.u32 s9, $0xF7A;
	s5 =	simm.s32 @!p2 $0x0  }
0x1d: {  	s5 =	simm.s32 @p1 $0x1;
	p0 =	seq.s32 s7, s2  }
0x1e: {  	s7 =	smul.u32 @!p0 $0xF7A, s2;
	p2 =	seq.s32 @!p0 s5, $0x0  }
0x1f: {  	s9 =	smul.u32 $0xF7A, s1;
	s8 =	simm.s32 @!p0 $0x1BF5;
	p2 =	por !p2, p0  }
0x20: {  	[sflag:s8] =	ssyncset.s32 @!p0 $0xFFFFF086;
	s6 =	sadd.s32 @!p0 s3, s7;
	s7 =	simm.s32 @!p0 $0x108  }
0x21: {  	s3 =	sadd.s32 s3, s9;
	s6 =	sadd.s32 @!p0 $0x88, s6;
	s7 =	simm.s32 @p2 $0x1082  }
0x22: {  	[simem:s7], [sflag:s8] =	dma.local @!p0 [hbm:s6], $0xF7A  }
0x23: {  	s9 =	sor.u32 $0xD0000000, s2;
	s6 =	simm.s32 $0x108;
	_ =	swait.ge @!p0 [sflag:s8], $0x0  }
0x24: {  	s3 =	sadd.s32 $0x88, s3;
	s6 =	simm.s32 @!p1 $0x1082;
	[sflag:s4] =	ssyncset.s32 $0xFFFFF086  }
0x25: {  	[simem:s6], [sflag:s4] =	dma.local [hbm:s3], $0xF7A  }
0x26: {  	[smem:$0x3F94] =	sst s1;
	(tag) =	ssettag s2;
	_ =	strace s9  }
0x27: {  	s1 =	sld [smem:$0x3FA4]  }
0x28: {  	s2 =	sld [smem:$0x3FA5]  }
0x29: {  	s4 =	sld [smem:$0x3FA7]  }
0x2a: {  	p0 =	seq.s32 s5, $0x0;
	s5 =	sld [smem:$0x3FA8]  }
0x2b: {  	s6 =	sld [smem:$0x3FA9]  }
0x2c: {  	s7 =	sld [smem:$0x3FAA]  }
0x2d: {  	s3 =	simm.s32 $0x108;
	s8 =	sld [smem:$0x3FAB]  }
0x2e: {  	s3 =	simm.s32 @!p0 $0x1082;
	s9 =	sld [smem:$0x3FAC]  }
0x2f: {  	lr =	sadd.s32 s0, s3;
	s0 =	sld [smem:$0x3FA3]  }
0x30: {  	s3 =	sld [smem:$0x3FA6]  }
0x31: {  	[smem:$0x3FAF] =	sst s10  }
0x32: {  	s10 =	sld [smem:$0x3FAD];
	_ =	sdelay $0x3  }
0x33: {  	p0 =	seq.s32 s10, $0x1;
	s10 =	sld [smem:$0x3FAF];
	_ =	sdelay $0x3  }
0x34: {  	[smem:$0x3FAF] =	sst s10  }
0x35: {  	s10 =	sld [smem:$0x3FAE];
	_ =	sdelay $0x3  }
0x36: {  	p1 =	seq.s32 s10, $0x1;
	s10 =	sld [smem:$0x3FAF];
	_ =	sdelay $0x3  }
0x37: {  	[smem:$0x3FAF] =	sst s10  }
0x38: {  	s10 =	sld [smem:$0x3FB0]  }
0x39: {  	_ = 	snop;
	(pc) =	sbr.ind lr, $3  }
0x3a: {  	_ = 	snop  }
0x3b: {  	_ = 	snop  }
0x3c: {  	p2 =	seq.s32 s10, $0x1;
	s10 =	sld [smem:$0x3FAF]  }
0x3d: {  	_ =	shalt  }
0x3e: {  	_ =	shalt  }
0x3f: {  	_ =	shalt  }
0x40: {  	_ =	shalt  }
0x41: {  	_ =	shalt  }
0x42: {  	_ =	shalt  }
0x43: {  	_ =	shalt  }
0x44: {  	_ =	shalt  }
0x45: {  	_ =	shalt  }
0x46: {  	_ =	shalt  }
0x47: {  	_ =	shalt  }
0x48: {  	_ =	shalt  }
0x49: {  	_ =	shalt  }
0x4a: {  	_ =	shalt  }
0x4b: {  	_ =	shalt  }
0x4c: {  	_ =	shalt  }
0x4d: {  	_ =	shalt  }
0x4e: {  	_ =	shalt  }
0x4f: {  	_ =	shalt  }
0x50: {  	_ =	shalt  }
0x51: {  	_ =	shalt  }
0x52: {  	_ =	shalt  }
0x53: {  	_ =	shalt  }
0x54: {  	_ =	shalt  }
0x55: {  	_ =	shalt  }
0x56: {  	_ =	shalt  }
0x57: {  	_ =	shalt  }
0x58: {  	_ =	shalt  }
0x59: {  	_ =	shalt  }
0x5a: {  	_ =	shalt  }
0x5b: {  	_ =	shalt  }
0x5c: {  	_ =	shalt  }
0x5d: {  	_ =	shalt  }
0x5e: {  	_ =	shalt  }
0x5f: {  	_ =	shalt  }
0x60: {  	_ =	shalt  }
0x61: {  	_ =	shalt  }
0x62: {  	_ =	shalt  }
0x63: {  	_ =	shalt  }
0x64: {  	_ =	shalt  }
0x65: {  	_ =	shalt  }
0x66: {  	_ =	shalt  }
0x67: {  	_ =	shalt  }
0x68: {  	_ =	shalt  }
0x69: {  	_ =	shalt  }
0x6a: {  	_ =	shalt  }
0x6b: {  	_ =	shalt  }
0x6c: {  	_ =	shalt  }
0x6d: {  	_ =	shalt  }
0x6e: {  	_ =	shalt  }
0x6f: {  	_ =	shalt  }
0x70: {  	_ =	shalt  }
0x71: {  	_ =	shalt  }
0x72: {  	_ =	shalt  }
0x73: {  	_ =	shalt  }
0x74: {  	_ =	shalt  }
0x75: {  	_ =	shalt  }
0x76: {  	_ =	shalt  }
0x77: {  	_ =	shalt  }
0x78: {  	_ =	shalt  }
0x79: {  	_ =	shalt  }
0x7a: {  	_ =	shalt  }
0x7b: {  	_ =	shalt  }
0x7c: {  	_ =	shalt  }
0x7d: {  	_ =	shalt  }
0x7e: {  	_ =	shalt  }
0x7f: {  	_ =	shalt  }
0x80: {  	_ =	shalt  }
0x81: {  	_ =	shalt  }
0x82: {  	_ =	shalt  }
0x83: {  	_ =	shalt  }
0x84: {  	_ =	shalt  }
0x85: {  	_ =	shalt  }
0x86: {  	_ =	shalt  }
0x87: {  	_ =	shalt  }
.Lfunc_end0:
.L_simem_size_0:
called_computation.3_lowered:
.L_overlay_start_0:
0x88: {  	s2 =	sld [smem:$0x3FD9]  }
0x89: {  	s3 =	sld [smem:$0x3FFE];
	_ =	sdelay $0x1  }
0x8a: {  	s1 =	srdreg.scid  }
0x8b: {  	s0 =	sand.u32 $0x1, s1  }
0x8c: {  	s16 =	sshll.u32 s0, $0xA;
	s2 =	sadd.s32 s3, s2  }
0x8d: {  	s2 =	sadd.s32 s2, s16  }
0x8e: {  	[smem:$0x3FBB] =	sst s2  }
0x8f: {  	_ = 	snop  }
0x90: {  	(tm) =	ssettm $0x1  }
0x91: {  	s17 =	sld [smem:$0x3FFB];
	_ =	sdelay $0x3  }
0x92: {  	_ =	strace s17  }
0x93: {  	s2 =	sld [smem:$0x3FFC];
	_ =	sdelay $0x3  }
0x94: {  	_ =	strace s2  }
0x95: {  	s2 =	sld [smem:$0x3FFD];
	_ =	sdelay $0x3  }
0x96: {  	_ =	strace s2  }
0x97: {  	_ =	strace $0x8FFFFFFF  }
0x98: {  	s18 =	sld [smem:$0x3FDB];
	_ =	sdelay $0x1  }
0x99: {  	s19 =	simm.s32 $_scs_section_size  }
0x9a: {  	s4 =	simm.s32 $_size__tile_overlayer_lowered;
	s5 =	simm.s32 $_tile_overlayer_lowered  }
0x9b: {  	s22 =	simm.s32 $0x1BFF;
	s21 =	sshll.u32 s5, $0x1;
	s2 =	sadd.s32 s19, s18  }
0x9c: {  	s6 =	simm.s32 $0x0;
	s20 =	sshll.u32 s4, $0x1;
	s4 =	sadd.s32 s21, s2  }
0x9d: {  	[timem:s6], [sflag:s22] =	dma.local [hbm:s4], s20  }
0x9e: {  	_ =	swait.ge [sflag:s22], s20  }
0x9f: {  	s3 =	ssub.s32 $0x0, s20;
	[sflag:s22] =	ssyncset.done $0x0  }
0xa0: {  	[sflag:s22] =	ssyncadd.s32 s3;
	_ =	sdelay $0x1  }
0xa1: {  	s23 =	simm.s32 $0x1B8B  }
0xa2: {  	_ =	swait.ge [sflag:s23], $0x1  }
0xa3: {  	[sflag:s23] =	ssyncset.done $0x0  }
0xa4: {  	s25 =	simm.s32 $0x1B8E;
	s24 =	sld [smem:$0x3FFE];
	[sflag:s23] =	ssyncadd.s32 $0xFFFFFFFF  }
0xa5: {  	s26 =	simm.s32 $execute0_lowered;
	[smem:$0x3FD2] =	sst s25  }
0xa6: {  	s4 =	sshll.u32 s26, $0x1;
	_ =	strace $0x8000004F;
	[dreg:$0x1] =	wrdreg $0xFFFFFFFF  }
0xa7: {  	s28 =	simm.s32 $_size_execute0_lowered;
	s2 =	sadd.s32 s2, s4;
	[dreg:$0x0] =	wrdreg $0x0  }
0xa8: {  	s4 =	sshll.u32 s28, $0x1;
	[dreg:$0x2] =	wrdreg s2  }
0xa9: {  	[dreg:$0x3] =	wrdreg s4  }
0xaa: {  	[dreg:$0x4] =	wrdreg $0xC0  }
0xab: {  	_ =	task [dreg:s6], $0x5FFFF  }
0xac: {  	[dreg:$0x1] =	wrdreg $0xFFFFFFFF  }
0xad: {  	[dreg:$0x0] =	wrdreg $0x60  }
0xae: {  	[dreg:$0x2] =	wrdreg s24  }
0xaf: {  	[dreg:$0x3] =	wrdreg $0x90000  }
0xb0: {  	[dreg:$0x4] =	wrdreg $0x9  }
0xb1: {  	_ =	task.clear_ibuf [dreg:s6], $0x5FFFF;
	_ =	strace $0x9000004F  }
0xb2: {  	s29 =	simm.s32 $0x9;
	_ =	strace $0x80000051  }
0xb3: {  	_ =	swait.ge [sflag:s29], $0x1  }
0xb4: {  	[sflag:s29] =	ssyncadd.s32 $0xFFFFFFFF  }
0xb5: {  	_ =	strace $0x90000051  }
0xb6: {  	_ =	sfence  }
0xb7: {  	s30 =	sld [smem:$0x0];
	_ =	sdelay $0x2  }
0xb8: {  	s31 =	sshll.u32 s1, $0xD;
	s1 =	sshrl.u32 s1, $0x2  }
0xb9: {  	s3 =	sand.u32 $0x4000, s31;
	s1 =	sadd.s32 s1, s30  }
0xba: {  	s0 =	sor.u32 s3, s0;
	s1 =	sshll.u32 s1, $0x11  }
0xbb: {  	s0 =	sor.u32 s1, s0  }
0xbc: {  	s0 =	sadd.s32 $0x8F2B, s0  }
0xbd: {  	[sflag:s0] =	ssyncadd.remote.s32 $0x1  }
0xbe: {  	_ =	sfence.sel $0xFFFF  }
0xbf: {  	[dreg:$0x0] =	wrdreg $0xFFFFFFFF;
	(pc) =	sbr.abs _section_cstart, $3  }
0xc0: {  	[dreg:$0x1] =	wrdreg $0xFFFFFFFF  }
0xc1: {  	_ =	task.clear_ibuf [dreg:s6], $0x2FFFF;
	_ =	strace $0x9FFFFFFF  }
0xc2: {  	(tm) =	ssettm $0x7FFFFFFF  }
0xc3: {  	_ =	shalt  }
tec
execute0_lowered:
.L_overlay_start_1:
0x0: {  	(tag) =	ssettag $0x1  }
0x1: {  	s5 =	rddreg [dreg:$0x0];
	s1 =	srdreg.scid  }
0x2: {  	s0 =	stileid.u32;
	s2 =	rddreg [dreg:$0x1]  }
0x3: {  	s3 =	simm.s32 $0x0;
	s21 =	simm.s32 $0x80;
	s22 =	simm.s32 $0x1  }
0x4: {  	s23 =	simm.s32 $0x0;
	s8 =	sand.u32 $0x1, s1;
	s1 =	rddreg [dreg:$0x2]  }
0x5: {  	s4 =	sshll.u32 s0, $0x1;
	[smem:$0x7FF] =	sst s3;
	s9 =	smul.u32 $0x50000, s0  }
0x6: {  	s16 =	sadd.s32 $0x67400, s5;
	s11 =	smul.u32 $0x14000, s0;
	s4 =	sor.u32 s8, s4  }
0x7: {  	_ =	strace $0x80000050;
	s7 =	ssub.s32 $0x2, s8;
	s18 =	smul.u32 $0x140000, s8  }
0x8: {  	s6 =	smul.u32 $0x500, s4;
	s4 =	sadd.s32 $0x19000, s5;
	s30 =	sshrl.u32 s7, $0x1  }
0x9: {  	s31 =	sshrl.u32 s9, $0x2;
	s12 =	sadd.s32 $0x4000, s11;
	s14 =	sadd.s32 $0x8000, s11  }
0xa: {  	s15 =	sadd.s32 $0xC000, s11;
	s19 =	sadd.s32 $0x10000, s11;
	s17 =	ssub.s32 s7, s30  }
0xb: {  	s7 =	sadd.s32 s31, s2;
	s8 =	sadd.s32 s12, s2;
	s9 =	sadd.s32 s14, s2  }
0xc: {  	s10 =	sadd.s32 s15, s2;
	s13 =	sadd.s32 s11, s18;
	s12 =	sadd.s32 s18, s12  }
0xd: {  	s11 =	sadd.s32 s19, s2;
	s14 =	sadd.s32 s18, s14;
	s15 =	sadd.s32 s18, s15  }
0xe: {  	s18 =	sadd.s32 s18, s19;
	s19 =	simm.s32 $0x2800;
	s6 =	sadd.s32 s6, s5  }
0xf: {  	s13 =	sshrl.u32 s13, $0x3;
	s20 =	sshrl.u32 s12, $0x3;
	s14 =	sshrl.u32 s14, $0x3  }
0x10: {  	s15 =	sshrl.u32 s15, $0x3;
	s18 =	sshrl.u32 s18, $0x3;
	s17 =	smax.u32 s17, $0x1  }
0x11: {  	s5 =	sadd.s32 $0x5000, s6;
	s6 =	sadd.s32 $0xF000, s6;
	s12 =	sadd.s32 s16, s13  }
0x12: {  	s13 =	sadd.s32 s16, s20;
	s14 =	sadd.s32 s16, s14;
	s15 =	sadd.s32 s16, s15  }
0x13: {  	v0 =	vimm.f32 $0.0e+00;
	s16 =	sadd.s32 s16, s18;
	s18 =	simm.s32 $0x2;
	s20 =	simm.s32 $0x5000  }
.LBB2_1:
0x14: {  	[tilespmem:s3], [sflag:$0x2] =	stream.linear.gather [hbm4b:s5+s3], $0x2780, $0x38;
	[tilespmem:$0x1D000] =	vst v63  }
0x15: {  	_ =	swait.ge [sflag:s18], $0x2780  }
0x16: {  	[sflag:s18] =	ssyncset.done $0x0  }
0x17: {  	[sflag:s18] =	ssyncadd.s32 $0xFFFFD880  }
0x18: {  	[tilespmem:s19], [sflag:$0x2] =	stream.linear.gather [hbm4b:s6+s3], $0x2780, $0x38;
	[tilespmem:$0x1D000] =	vst v63  }
0x19: {  	_ =	swait.ge [sflag:s18], $0x2780  }
0x1a: {  	[sflag:s18] =	ssyncset.done $0x0  }
0x1b: {  	s24 =	simm.s32 $0x0;
	s25 =	simm.s32 $0x200;
	[sflag:s18] =	ssyncadd.s32 $0xFFFFD880  }
.LBB2_2:
0x1c: {  	p0 =	sne.s32 s25, $0xFE00;
	[tilespmem:s24+$0x5070] =	vst v0  }
0x1d: {  	[tilespmem:s24+$0x5000] =	vst v0  }
0x1e: {  	[tilespmem:s24+$0x5010] =	vst v0  }
.Ltmp0:
0x1f: {  	[tilespmem:s24+$0x5020] =	vst v0;
	(pc) =	sbr.rel @p0 .LBB2_2-.Ltmp0, $4  }
0x20: {  	[tilespmem:s24+$0x5030] =	vst v0  }
0x21: {  	[tilespmem:s24+$0x5040] =	vst v0  }
0x22: {  	[tilespmem:s24+$0x5050] =	vst v0  }
0x23: {  	[tilespmem:s24+$0x5060] =	vst v0;
	s24 =	sshra.s32 s25, $0x2;
	s25 =	sadd.s32 $0x200, s25  }
0x24: {  	[tilespmem:s24+$0x5070] =	vst v0  }
0x25: {  	[tilespmem:s24+$0x5000] =	vst v0  }
0x26: {  	[tilespmem:s24+$0x5010] =	vst v0  }
0x27: {  	[tilespmem:s24+$0x5020] =	vst v0  }
0x28: {  	[tilespmem:s24+$0x5030] =	vst v0  }
0x29: {  	[tilespmem:s24+$0x5040] =	vst v0  }
0x2a: {  	[tilespmem:s24+$0x5050] =	vst v0  }
0x2b: {  	[tilespmem:s24+$0x5060] =	vst v0  }
0x2c: {  	[spmem:s7] =	stream.linear.scatter [tilespmem:s20], [sflag:$0x2], $0x4000, $0x38;
	[tilespmem:$0x1D000] =	vst v63  }
0x2d: {  	_ =	swait.ge [sflag:s18], $0x4000  }
0x2e: {  	[sflag:s18] =	ssyncset.done $0x0  }
0x2f: {  	[sflag:s18] =	ssyncadd.s32 $0xFFFFC000  }
0x30: {  	[spmem:s8] =	stream.linear.scatter [tilespmem:s20], [sflag:$0x2], $0x4000, $0x38;
	[tilespmem:$0x1D000] =	vst v63  }
0x31: {  	_ =	swait.ge [sflag:s18], $0x4000  }
0x32: {  	[sflag:s18] =	ssyncset.done $0x0  }
0x33: {  	[sflag:s18] =	ssyncadd.s32 $0xFFFFC000  }
0x34: {  	[spmem:s9] =	stream.linear.scatter [tilespmem:s20], [sflag:$0x2], $0x4000, $0x38;
	[tilespmem:$0x1D000] =	vst v63  }
0x35: {  	_ =	swait.ge [sflag:s18], $0x4000  }
0x36: {  	[sflag:s18] =	ssyncset.done $0x0  }
0x37: {  	[sflag:s18] =	ssyncadd.s32 $0xFFFFC000  }
0x38: {  	[spmem:s10] =	stream.linear.scatter [tilespmem:s20], [sflag:$0x2], $0x4000, $0x38;
	[tilespmem:$0x1D000] =	vst v63  }
0x39: {  	_ =	swait.ge [sflag:s18], $0x4000  }
0x3a: {  	[sflag:s18] =	ssyncset.done $0x0  }
0x3b: {  	[sflag:s18] =	ssyncadd.s32 $0xFFFFC000  }
0x3c: {  	[spmem:s11] =	stream.linear.scatter [tilespmem:s20], [sflag:$0x2], $0x4000, $0x38;
	[tilespmem:$0x1D000] =	vst v63  }
0x3d: {  	_ =	swait.ge [sflag:s18], $0x4000  }
0x3e: {  	[sflag:s18] =	ssyncset.done $0x0  }
0x3f: {  	[sflag:s18] =	ssyncadd.s32 $0xFFFFC000  }
0x40: {  	s30 =	simm.s32 $0x0;
	[bflag:$0x0] =	sbarrier.arrive $0xFFFF  }
0x41: {  	[tilespmem:s20], [sflag:$0x1] =	stream.indirect.gather [hbm4b:s4+s21], $0x80, s30, s21, $0xb8;
	[tilespmem:$0x1D000] =	vst v63  }
0x42: {  	_ =	swait.ge [sflag:s22], $0x4000  }
0x43: {  	[sflag:s22] =	ssyncset.done $0x0  }
0x44: {  	s31 =	simm.s32 $0x2800;
	[sflag:s22] =	ssyncadd.s32 $0xFFFFC000  }
0x45: {  	[spmem:s2] =	stream.indirect.scatter.add.f32 [tilespmem:s20], [sflag:$0x2], $0x80, s31, s21, $0xb8;
	[tilespmem:$0x1D000] =	vst v63  }
0x46: {  	_ =	swait.ge [sflag:s18], $0x4000  }
0x47: {  	s24 =	simm.s32 $0x200;
	s25 =	simm.s32 $0x400;
	[sflag:s18] =	ssyncset.done $0x0  }
.LBB2_4:
0x48: {  	s26 =	sshra.s32 s24, $0x2  }
0x49: {  	[sflag:s18] =	ssyncadd.s32 $0xFFFFC000;
	s24 =	smov.u32 s25;
	s28 =	sadd.s32 $0x200, s25  }
0x4a: {  	[tilespmem:s20], [sflag:$0x1] =	stream.indirect.gather [hbm4b:s4+s21], $0x80, s26, s21, $0xb8;
	[tilespmem:$0x1D000] =	vst v63  }
0x4b: {  	p0 =	sne.s32 s25, $0x9C00;
	_ =	swait.ge [sflag:s22], $0x4000  }
.Ltmp1:
0x4c: {  	[sflag:s22] =	ssyncset.done $0x0;
	(pc) =	sbr.rel @p0 .LBB2_4-.Ltmp1, $4  }
0x4d: {  	s25 =	sadd.s32 $0x2800, s26;
	[sflag:s22] =	ssyncadd.s32 $0xFFFFC000  }
0x4e: {  	[spmem:s2] =	stream.indirect.scatter.add.f32 [tilespmem:s20], [sflag:$0x2], $0x80, s25, s21, $0xb8;
	[tilespmem:$0x1D000] =	vst v63  }
0x4f: {  	_ =	swait.ge [sflag:s18], $0x4000  }
0x50: {  	s25 =	smov.u32 s28;
	[sflag:s18] =	ssyncset.done $0x0  }
0x51: {  	s24 =	sshra.s32 s24, $0x2;
	[sflag:s18] =	ssyncadd.s32 $0xFFFFC000  }
0x52: {  	[tilespmem:s20], [sflag:$0x1] =	stream.indirect.gather [hbm4b:s4+s21], $0x80, s24, s21, $0xb8;
	[tilespmem:$0x1D000] =	vst v63  }
0x53: {  	_ =	swait.ge [sflag:s22], $0x4000  }
0x54: {  	[sflag:s22] =	ssyncset.done $0x0  }
0x55: {  	s24 =	sadd.s32 $0x2800, s24;
	[sflag:s22] =	ssyncadd.s32 $0xFFFFC000  }
0x56: {  	[spmem:s2] =	stream.indirect.scatter.add.f32 [tilespmem:s20], [sflag:$0x2], $0x80, s24, s21, $0xb8;
	[tilespmem:$0x1D000] =	vst v63  }
0x57: {  	_ =	swait.ge [sflag:s18], $0x4000  }
0x58: {  	[sflag:s18] =	ssyncset.done $0x0  }
0x59: {  	s26 =	sshll.u32 s0, $0x6;
	[sflag:s18] =	ssyncadd.s32 $0xFFFFC000  }
0x5a: {  	s25 =	sshrl.u32 s7, $0x3;
	s24 =	sor.u32 $0x1C02, s26;
	[bflag:$0x0] =	sbarrier.arrive $0xFFFF  }
0x5b: {  	[hbm:s12], [sflag:s24] =	dma.local [spmem:s25], $0x800  }
0x5c: {  	_ =	swait.ge [sflag:s18], $0x800  }
0x5d: {  	[sflag:s18] =	ssyncset.done $0x0  }
0x5e: {  	s28 =	sshrl.u32 s8, $0x3;
	[sflag:s18] =	ssyncadd.s32 $0xFFFFF800  }
0x5f: {  	[hbm:s13], [sflag:s24] =	dma.local [spmem:s28], $0x800  }
0x60: {  	_ =	swait.ge [sflag:s18], $0x800  }
0x61: {  	[sflag:s18] =	ssyncset.done $0x0  }
0x62: {  	s29 =	sshrl.u32 s9, $0x3;
	[sflag:s18] =	ssyncadd.s32 $0xFFFFF800  }
0x63: {  	[hbm:s14], [sflag:s24] =	dma.local [spmem:s29], $0x800  }
0x64: {  	_ =	swait.ge [sflag:s18], $0x800  }
0x65: {  	[sflag:s18] =	ssyncset.done $0x0  }
0x66: {  	s30 =	sshrl.u32 s10, $0x3;
	[sflag:s18] =	ssyncadd.s32 $0xFFFFF800  }
0x67: {  	[hbm:s15], [sflag:s24] =	dma.local [spmem:s30], $0x800  }
0x68: {  	s23 =	sadd.s32 $0x1, s23;
	_ =	swait.ge [sflag:s18], $0x800  }
0x69: {  	p0 =	sne.s32 s23, s17;
	[sflag:s18] =	ssyncset.done $0x0  }
.Ltmp2:
0x6a: {  	s31 =	sshrl.u32 s11, $0x3;
	[sflag:s18] =	ssyncadd.s32 $0xFFFFF800;
	(pc) =	sbr.rel @p0 .LBB2_1-.Ltmp2, $4  }
0x6b: {  	[hbm:s16], [sflag:s24] =	dma.local [spmem:s31], $0x800  }
0x6c: {  	_ =	swait.ge [sflag:s18], $0x800  }
0x6d: {  	[sflag:s18] =	ssyncset.done $0x0  }
0x6e: {  	[sflag:s18] =	ssyncadd.s32 $0xFFFFF800  }
0x6f: {  	_ =	sfence.sel $0x180000  }
0x70: {  	[bflag:$0x0] =	sbarrier.arrive $0xFFFF  }
0x71: {  	p0 =	sne.s32 s0, $0x0;
	_ =	strace $0x90000050  }
0x72: {  	s0 =	sadd.s32 @!p0 $0x100000, s1;
	[bflag:$0x2] =	sbarrier.arrive $0xFFFF  }
0x73: {  	[sflag:s0] =	ssyncadd.tile.s32 @!p0 $0x1;
	_ =	shalt  }
.Lfunc_end2:
_tile_overlayer_lowered:
.L_overlay_start_2:
0x74: {  	(tag) =	ssettag $0x2  }
0x75: {  	s0 =	rddreg [dreg:$0x0];
	s2 =	stileid.u32  }
0x76: {  	s1 =	rddreg [dreg:$0x1];
	p0 =	sne.s32 s2, $0x0  }
0x77: {  	s3 =	rddreg [dreg:$0x2];
	[bflag:$0x3] =	sbarrier.arrive $0xFFFF;
	s2 =	simm.s32 @!p0 $0x1C02  }
0x78: {  	[timem:s3], [sflag:s2] =	dma.local @!p0 [hbm:s0], s1  }
0x79: {  	s0 =	simm.s32 @!p0 $0x2  }
0x7a: {  	_ =	swait.ge @!p0 [sflag:s0], s1  }
0x7b: {  	s1 =	ssub.s32 @!p0 $0x0, s1;
	[sflag:s0] =	ssyncset.done @!p0 $0x0  }
0x7c: {  	[sflag:s0] =	ssyncadd.s32 @!p0 s1  }
0x7d: {  	[bflag:$0x3] =	sbarrier.arrive $0xFFFF  }
0x7e: {  	_ =	shalt  }

</sc_bundles>
